<compile_context>
chip_gen: v7x
topology: tpu7x:2x2x1
jax: 0.10.2.dev20260603
libtpu: 0.0.44.dev20260713+nightly
codegen_flags: <defaults>
</compile_context>

<pallas_src>
import functools

import jax
import jax.numpy as jnp
from jax import lax
from jax.experimental import pallas as pl
from jax.experimental.pallas import tpu as pltpu, tpu_sc as plsc

N_NODES = 10000
N_EDGES = 320000
D_FEAT = 128
D_EDGE = 16

NW = 32
EP = N_EDGES // NW
SUB = 80
CB = 400
NSUB = CB // SUB
NCH = EP // CB
NG = CB // 16
ZR = 624
ZTAIL = N_NODES - 16 * ZR


def _nodeproj_body(af_ref, w1_ref, w2_ref, a_ref, b_ref):
    x = af_ref[...]
    a_ref[...] = jnp.dot(x, w1_ref[...], preferred_element_type=jnp.float32)
    b_ref[...] = jnp.dot(x, w2_ref[...], preferred_element_type=jnp.float32)


def _node_projections(af, w1p, w2p):
    blk = 2000
    grid = (N_NODES // blk,)
    return pl.pallas_call(
        _nodeproj_body,
        grid=grid,
        in_specs=[
            pl.BlockSpec((blk, D_FEAT), lambda i: (i, 0)),
            pl.BlockSpec((D_FEAT, 32), lambda i: (0, 0)),
            pl.BlockSpec((D_FEAT, 32), lambda i: (0, 0)),
        ],
        out_specs=[
            pl.BlockSpec((blk, 32), lambda i: (i, 0)),
            pl.BlockSpec((blk, 32), lambda i: (i, 0)),
        ],
        out_shape=[
            jax.ShapeDtypeStruct((N_NODES, 32), jnp.float32),
            jax.ShapeDtypeStruct((N_NODES, 32), jnp.float32),
        ],
    )(af, w1p, w2p)


def _edgeproj_body(bf_ref, w3_ref, be_ref, w4_ref, ba_ref, c_ref, ca_ref):
    x = bf_ref[...]
    c_ref[...] = jnp.dot(x, w3_ref[...], preferred_element_type=jnp.float32) + be_ref[...]
    ca_ref[...] = jnp.dot(x, w4_ref[...], preferred_element_type=jnp.float32) + ba_ref[...]


def _edge_projections(bf, w3, be, w4, ba):
    blk = 8000
    grid = (N_EDGES // blk,)
    return pl.pallas_call(
        _edgeproj_body,
        grid=grid,
        in_specs=[
            pl.BlockSpec((blk, D_EDGE), lambda i: (i, 0)),
            pl.BlockSpec((D_EDGE, D_EDGE), lambda i: (0, 0)),
            pl.BlockSpec((1, D_EDGE), lambda i: (0, 0)),
            pl.BlockSpec((D_EDGE, 1), lambda i: (0, 0)),
            pl.BlockSpec((1, 1), lambda i: (0, 0)),
        ],
        out_specs=[
            pl.BlockSpec((blk, D_EDGE), lambda i: (i, 0)),
            pl.BlockSpec((blk, 1), lambda i: (i, 0)),
        ],
        out_shape=[
            jax.ShapeDtypeStruct((N_EDGES, D_EDGE), jnp.float32),
            jax.ShapeDtypeStruct((N_EDGES, 1), jnp.float32),
        ],
    )(bf, w3, be, w4, ba)


def _sc_edge_body(a_h, b_h, src_h, dst_h, c_h, ca_h,
                  ubf_h, part_h,
                  idxs_v, idxd_v, rowsa_v, rowsb_v,
                  c_v, ca_v, ubf_v, msg_v, agg_sh, sem):
    c_id = lax.axis_index("c")
    s_id = lax.axis_index("s")
    wid = s_id * 2 + c_id

    zeros16 = jnp.zeros((16,), jnp.float32)

    def _zrow(i, carry):
        msg_v[i, :] = zeros16
        return carry

    lax.fori_loop(0, CB, _zrow, 0)
    zbase = s_id * ZR
    pltpu.sync_copy(msg_v, agg_sh.at[pl.ds(zbase, CB)])
    pltpu.sync_copy(msg_v.at[pl.ds(0, ZR - CB), :],
                    agg_sh.at[pl.ds(zbase + CB, ZR - CB)])

    @pl.when(s_id == 15)
    def _ztail():
        pltpu.sync_copy(msg_v.at[pl.ds(0, ZTAIL), :],
                        agg_sh.at[pl.ds(16 * ZR, ZTAIL)])

    plsc.subcore_barrier()

    def _chunk(ci, carry):
        ebase = wid * EP + ci * CB
        for j in range(NSUB):
            pltpu.sync_copy(src_h.at[pl.ds(ebase + j * SUB, SUB)],
                            idxs_v.at[j])
            pltpu.sync_copy(dst_h.at[pl.ds(ebase + j * SUB, SUB)],
                            idxd_v.at[j])
        pltpu.sync_copy(c_h.at[pl.ds(ebase, CB)], c_v)
        pltpu.sync_copy(ca_h.at[pl.ds(ebase, CB)], ca_v)
        cps = []
        for j in range(NSUB):
            cps.append(pltpu.async_copy(
                a_h.at[idxs_v.at[j]], rowsa_v.at[pl.ds(j * SUB, SUB)], sem))
            cps.append(pltpu.async_copy(
                b_h.at[idxd_v.at[j]], rowsb_v.at[pl.ds(j * SUB, SUB)], sem))
        for cp in cps:
            cp.wait()

        def _group(g, carry2):
            cav = ca_v[pl.ds(g * 16, 16)]
            for e in range(16):
                ee = g * 16 + e
                lo = rowsa_v[ee, pl.ds(0, 16)] + rowsb_v[ee, pl.ds(0, 16)]
                hi = rowsa_v[ee, pl.ds(16, 16)] + rowsb_v[ee, pl.ds(16, 16)]
                t = hi + cav[e]
                sig = 1.0 / (1.0 + jnp.exp(-t))
                u = jnp.maximum(lo + c_v[ee, :], 0.0)
                ubf_v[ee, :] = u
                msg_v[ee, :] = u * sig[0]
            return carry2

        lax.fori_loop(0, NG, _group, 0)
        pltpu.sync_copy(ubf_v, ubf_h.at[pl.ds(ebase, CB)])
        for j in range(NSUB):
            pltpu.sync_copy(msg_v.at[pl.ds(j * SUB, SUB), :],
                            agg_sh.at[idxd_v.at[j]], add=True)
        return carry

    lax.fori_loop(0, NCH, _chunk, 0)
    plsc.subcore_barrier()

    pltpu.sync_copy(agg_sh.at[pl.ds(zbase, ZR)],
                    part_h.at[c_id, pl.ds(zbase, ZR)])

    @pl.when(s_id == 15)
    def _dtail():
        pltpu.sync_copy(agg_sh.at[pl.ds(16 * ZR, ZTAIL)],
                        part_h.at[c_id, pl.ds(16 * ZR, ZTAIL)])


def _sc_edge(a_n, b_n, src, dst, c_e, ca_e):
    mesh = plsc.VectorSubcoreMesh(core_axis_name="c", subcore_axis_name="s")
    kern = functools.partial(
        pl.kernel,
        mesh=mesh,
        compiler_params=pltpu.CompilerParams(use_tc_tiling_on_sc=False),
        out_type=[
            jax.ShapeDtypeStruct((N_EDGES, D_EDGE), jnp.float32),
            jax.ShapeDtypeStruct((2, N_NODES, D_EDGE), jnp.float32),
        ],
        scratch_types=[
            pltpu.VMEM((NSUB, SUB), jnp.int32),
            pltpu.VMEM((NSUB, SUB), jnp.int32),
            pltpu.VMEM((CB, 32), jnp.float32),
            pltpu.VMEM((CB, 32), jnp.float32),
            pltpu.VMEM((CB, D_EDGE), jnp.float32),
            pltpu.VMEM((CB,), jnp.float32),
            pltpu.VMEM((CB, D_EDGE), jnp.float32),
            pltpu.VMEM((CB, D_EDGE), jnp.float32),
            pltpu.VMEM_SHARED((N_NODES, D_EDGE), jnp.float32),
            pltpu.SemaphoreType.DMA,
        ],
    )(_sc_edge_body)
    return kern(a_n, b_n, src, dst, c_e, ca_e)


def _nodemodel_body(af_ref, p0_ref, p1_ref, wn1_ref, wn2_ref, bn_ref, out_ref):
    acc = jnp.dot(af_ref[...], wn1_ref[...], preferred_element_type=jnp.float32)
    acc = acc + jnp.dot(p0_ref[...] + p1_ref[...], wn2_ref[...],
                        preferred_element_type=jnp.float32)
    out_ref[...] = jnp.maximum(acc + bn_ref[...], 0.0)


def _node_model(af, p0, p1, wn1, wn2, bn):
    blk = 2000
    grid = (N_NODES // blk,)
    return pl.pallas_call(
        _nodemodel_body,
        grid=grid,
        in_specs=[
            pl.BlockSpec((blk, D_FEAT), lambda i: (i, 0)),
            pl.BlockSpec((blk, D_EDGE), lambda i: (i, 0)),
            pl.BlockSpec((blk, D_EDGE), lambda i: (i, 0)),
            pl.BlockSpec((D_FEAT, D_FEAT), lambda i: (0, 0)),
            pl.BlockSpec((D_EDGE, D_FEAT), lambda i: (0, 0)),
            pl.BlockSpec((1, D_FEAT), lambda i: (0, 0)),
        ],
        out_specs=pl.BlockSpec((blk, D_FEAT), lambda i: (i, 0)),
        out_shape=jax.ShapeDtypeStruct((N_NODES, D_FEAT), jnp.float32),
    )(af, p0, p1, wn1, wn2, bn)


def kernel(af, edge_index, bf, W_edge, b_edge, W_attn, b_attn, W_node, b_node):
    zpad = jnp.zeros((D_FEAT, 32 - D_EDGE - 1), jnp.float32)
    w1p = jnp.concatenate([W_edge[:D_FEAT], W_attn[:D_FEAT], zpad], axis=1)
    w2p = jnp.concatenate([W_edge[D_FEAT:2 * D_FEAT],
                           W_attn[D_FEAT:2 * D_FEAT], zpad], axis=1)
    w3 = W_edge[2 * D_FEAT:]
    w4 = W_attn[2 * D_FEAT:]

    a_n, b_n = _node_projections(af, w1p, w2p)
    c_e, ca_e = _edge_projections(bf, w3, b_edge.reshape(1, D_EDGE),
                                  w4, b_attn.reshape(1, 1))

    ubf, part = _sc_edge(a_n, b_n, edge_index[0], edge_index[1],
                         c_e, ca_e.reshape(N_EDGES))

    uaf = _node_model(af, part[0], part[1],
                      W_node[:D_FEAT], W_node[D_FEAT:],
                      b_node.reshape(1, D_FEAT))
    return (uaf, ubf)

# --- scband reference (transcript-rebuilt; emitter-appended) ---
"""Pipeline reference for scband-atom-gc-34256659153247 (READ-ONLY COPY).

The authoritative reference and input builder live on the scoring server;
editing this copy changes nothing except your own understanding.
"""

import jax, jax.numpy as jnp
import numpy as np

N_NODES = 10000
N_EDGES = 320000
D_FEAT = 128
D_EDGE = 16

def setup_inputs(seed: int = 0) -> dict:
    key = jax.random.key(seed)
    k = jax.random.split(key, 10)
    af = jax.random.normal(k[0], (N_NODES, D_FEAT), dtype=jnp.float32)
    edge_index = jax.random.randint(k[1], (2, N_EDGES), 0, N_NODES, dtype=jnp.int64 if jax.config.jax_enable_x64 else jnp.int32).astype(jnp.int32)
    bf = jax.random.normal(k[2], (N_EDGES, D_EDGE), dtype=jnp.float32)
    # learned parameters (edge_model, attn_model, node_model)
    W_edge = jax.random.normal(k[3], (2 * D_FEAT + D_EDGE, D_EDGE), dtype=jnp.float32) * 0.05
    b_edge = jnp.zeros((D_EDGE,), dtype=jnp.float32)
    W_attn = jax.random.normal(k[4], (2 * D_FEAT + D_EDGE, 1), dtype=jnp.float32) * 0.05
    b_attn = jnp.zeros((1,), dtype=jnp.float32)
    W_node = jax.random.normal(k[5], (D_FEAT + D_EDGE, D_FEAT), dtype=jnp.float32) * 0.05
    b_node = jnp.zeros((D_FEAT,), dtype=jnp.float32)
    return {"af": af, "edge_index": edge_index, "bf": bf,
            "W_edge": W_edge, "b_edge": b_edge,
            "W_attn": W_attn, "b_attn": b_attn,
            "W_node": W_node, "b_node": b_node}

def reference(af, edge_index, bf, W_edge, b_edge, W_attn, b_attn, W_node, b_node):
    # MPNN over the ('atom','interacts','atom') subgraph.
    src = edge_index[0]
    dst = edge_index[1]
    h_src = jnp.take(af, src, axis=0)          # gather [E, d_feat]
    h_dst = jnp.take(af, dst, axis=0)          # gather [E, d_feat]
    e_in = jnp.concatenate([h_src, h_dst, bf], axis=-1)   # [E, 2*d_feat+d_edge]
    # edge_model: updated bond features
    ubf = jax.nn.relu(e_in @ W_edge + b_edge)             # [E, d_edge]
    # attn_model: per-edge attention gate
    attn = jax.nn.sigmoid(e_in @ W_attn + b_attn)         # [E, 1]
    msg = ubf * attn                                      # [E, d_edge]
    # sum-aggregate messages to destination atoms (a2f_aggr = 'sum')
    agg_m = jax.ops.segment_sum(msg, dst, num_segments=N_NODES)  # [N, d_edge]
    # node_model: updated atom features (conv_feat)
    uaf = jax.nn.relu(jnp.concatenate([af, agg_m], axis=-1) @ W_node + b_node)  # [N, d_feat]
    return (uaf, ubf)

if __name__ == "__main__":
    import jax
    _d = setup_inputs()
    print(jax.jit(kernel)(*tuple(_d.values())))

</pallas_src>

<mosaic_0001>
#map = affine_map<(d0, d1) -> (0, 0)>
#map1 = affine_map<(d0, d1) -> (0)>
#map2 = affine_map<(d0, d1) -> (0, 0, 0)>
module attributes {stable_mosaic.version = 14 : i64} {
  func.func @_sc_edge_body(%arg0: i32, %arg1: i32, %arg2: memref<10000x32xf32, #tpu.memory_space<hbm>>, %arg3: memref<10000x32xf32, #tpu.memory_space<hbm>>, %arg4: memref<320000xi32, #tpu.memory_space<hbm>>, %arg5: memref<320000xi32, #tpu.memory_space<hbm>>, %arg6: memref<320000x16xf32, #tpu.memory_space<hbm>>, %arg7: memref<320000xf32, #tpu.memory_space<hbm>>, %arg8: memref<320000x16xf32, #tpu.memory_space<hbm>>, %arg9: memref<2x10000x16xf32, #tpu.memory_space<hbm>>, %arg10: memref<5x80xi32, #tpu.memory_space<vmem>>, %arg11: memref<5x80xi32, #tpu.memory_space<vmem>>, %arg12: memref<400x32xf32, #tpu.memory_space<vmem>>, %arg13: memref<400x32xf32, #tpu.memory_space<vmem>>, %arg14: memref<400x16xf32, #tpu.memory_space<vmem>>, %arg15: memref<400xf32, #tpu.memory_space<vmem>>, %arg16: memref<400x16xf32, #tpu.memory_space<vmem>>, %arg17: memref<400x16xf32, #tpu.memory_space<vmem>>, %arg18: memref<10000x16xf32, #tpu.memory_space<vmem_shared>>, %arg19: memref<!tpu.dma_semaphore, #tpu.memory_space<semaphore_mem>>) attributes {dimension_semantics = [#tpu.dimension_semantics<core_parallel>, #tpu.dimension_semantics<subcore_parallel>], iteration_bounds = array<i64: 2, 16>, scalar_prefetch = 0 : i64, scratch_operands = 10 : i64, tpu.core_type = #tpu.core_type<sc_vector_subcore>, window_params = [{transform_indices = #map}, {transform_indices = #map}, {transform_indices = #map1}, {transform_indices = #map1}, {transform_indices = #map}, {transform_indices = #map1}, {transform_indices = #map}, {transform_indices = #map2}]} {
    %mul3A = arith.constant 2 : i32
    %mul3A_0 = arith.muli %arg1, %mul3A : i32
    %add3A = arith.addi %mul3A_0, %arg0 : i32
    %broadcast_in_dim3A = arith.constant 0.000000e+00 : f32
    %broadcast_in_dim3A_1 = vector.broadcast %broadcast_in_dim3A : f32 to vector<16xf32>
    %scan3A = arith.constant 0 : i32
    %scan3A_2 = arith.constant 0 : i32
    %scan3A_3 = arith.constant 400 : i32
    %scan3A_4 = arith.addi %scan3A_2, %scan3A_3 : i32
    %scan3A_5 = arith.constant 1 : i32
    scf.for %scan3A_25 = %scan3A_2 to %scan3A_4 step %scan3A_5  : i32 {
      %swap3A = arith.index_cast %scan3A_25 : i32 to index
      %swap3A_26 = arith.constant 0 : index
      %swap3A_27 = tpu.vector_load %arg17[%swap3A, %swap3A_26] {strides = array<i32>} : memref<400x16xf32, #tpu.memory_space<vmem>>, vector<1x16xf32>,
      %swap3A_28 = vector.shape_cast %swap3A_27 : vector<1x16xf32> to vector<16xf32>
      %swap3A_29 = vector.shape_cast %broadcast_in_dim3A_1 : vector<16xf32> to vector<1x16xf32>
      tpu.vector_store %arg17[%swap3A, %swap3A_26], %swap3A_29 {strides = array<i32>} : memref<400x16xf32, #tpu.memory_space<vmem>>, vector<1x16xf32>,
    }
    %scan3A_6 = arith.constant 400 : i32
    %mul3A_7 = arith.constant 624 : i32
    %mul3A_8 = arith.muli %arg1, %mul3A_7 : i32
    "tpu.region"() ({
      %run_scoped3A = tpu.sem_alloc : memref<!tpu.dma_semaphore, #tpu.memory_space<semaphore_mem>>
      %dma_start3A = arith.constant 0 : i32
      %dma_start3A_25 = tpu.memref_slice %arg18[%mul3A_8, %dma_start3A] : memref<10000x16xf32, #tpu.memory_space<vmem_shared>> -> memref<400x16xf32, #tpu.memory_space<vmem_shared>>
      %dma_start3A_26 = arith.constant 0 : i32
      %dma_start3A_27 = tpu.memref_slice %arg18[%mul3A_8, %dma_start3A_26] : memref<10000x16xf32, #tpu.memory_space<vmem_shared>> -> memref<400x16xf32, #tpu.memory_space<vmem_shared>>
      tpu.enqueue_dma source(%arg17 : memref<400x16xf32, #tpu.memory_space<vmem>>) target(%dma_start3A_27 : memref<400x16xf32, #tpu.memory_space<vmem_shared>>) target_semaphore(%run_scoped3A : memref<!tpu.dma_semaphore, #tpu.memory_space<semaphore_mem>>)
      %dma_wait3A = arith.constant 0 : i32
      %dma_wait3A_28 = tpu.memref_slice %arg18[%mul3A_8, %dma_wait3A] : memref<10000x16xf32, #tpu.memory_space<vmem_shared>> -> memref<400x16xf32, #tpu.memory_space<vmem_shared>>
      %dma_wait3A_29 = arith.constant 0 : i32
      %dma_wait3A_30 = tpu.memref_slice %arg18[%mul3A_8, %dma_wait3A_29] : memref<10000x16xf32, #tpu.memory_space<vmem_shared>> -> memref<400x16xf32, #tpu.memory_space<vmem_shared>>
      tpu.wait_dma2 semaphore(%run_scoped3A : memref<!tpu.dma_semaphore, #tpu.memory_space<semaphore_mem>>) src(%arg17 : memref<400x16xf32, #tpu.memory_space<vmem>>) dst(%dma_wait3A_30 : memref<400x16xf32, #tpu.memory_space<vmem_shared>>)
      tpu.yield
    }) : () -> ()
    %add3A_9 = arith.constant 400 : i32
    %add3A_10 = arith.addi %mul3A_8, %add3A_9 : i32
    "tpu.region"() ({
      %run_scoped3A = tpu.sem_alloc : memref<!tpu.dma_semaphore, #tpu.memory_space<semaphore_mem>>
      %dma_start3A = arith.constant 0 : i32
      %dma_start3A_25 = arith.constant 0 : i32
      %dma_start3A_26 = tpu.memref_slice %arg17[%dma_start3A, %dma_start3A_25] : memref<400x16xf32, #tpu.memory_space<vmem>> -> memref<224x16xf32, #tpu.memory_space<vmem>>
      %dma_start3A_27 = arith.constant 0 : i32
      %dma_start3A_28 = tpu.memref_slice %arg18[%add3A_10, %dma_start3A_27] : memref<10000x16xf32, #tpu.memory_space<vmem_shared>> -> memref<224x16xf32, #tpu.memory_space<vmem_shared>>
      %dma_start3A_29 = arith.constant 0 : i32
      %dma_start3A_30 = tpu.memref_slice %arg18[%add3A_10, %dma_start3A_29] : memref<10000x16xf32, #tpu.memory_space<vmem_shared>> -> memref<224x16xf32, #tpu.memory_space<vmem_shared>>
      %dma_start3A_31 = arith.constant 0 : i32
      %dma_start3A_32 = arith.constant 0 : i32
      %dma_start3A_33 = tpu.memref_slice %arg17[%dma_start3A_31, %dma_start3A_32] : memref<400x16xf32, #tpu.memory_space<vmem>> -> memref<224x16xf32, #tpu.memory_space<vmem>>
      tpu.enqueue_dma source(%dma_start3A_33 : memref<224x16xf32, #tpu.memory_space<vmem>>) target(%dma_start3A_30 : memref<224x16xf32, #tpu.memory_space<vmem_shared>>) target_semaphore(%run_scoped3A : memref<!tpu.dma_semaphore, #tpu.memory_space<semaphore_mem>>)
      %dma_wait3A = arith.constant 0 : i32
      %dma_wait3A_34 = arith.constant 0 : i32
      %dma_wait3A_35 = tpu.memref_slice %arg17[%dma_wait3A, %dma_wait3A_34] : memref<400x16xf32, #tpu.memory_space<vmem>> -> memref<224x16xf32, #tpu.memory_space<vmem>>
      %dma_wait3A_36 = arith.constant 0 : i32
      %dma_wait3A_37 = tpu.memref_slice %arg18[%add3A_10, %dma_wait3A_36] : memref<10000x16xf32, #tpu.memory_space<vmem_shared>> -> memref<224x16xf32, #tpu.memory_space<vmem_shared>>
      %dma_wait3A_38 = arith.constant 0 : i32
      %dma_wait3A_39 = tpu.memref_slice %arg18[%add3A_10, %dma_wait3A_38] : memref<10000x16xf32, #tpu.memory_space<vmem_shared>> -> memref<224x16xf32, #tpu.memory_space<vmem_shared>>
      %dma_wait3A_40 = arith.constant 0 : i32
      %dma_wait3A_41 = arith.constant 0 : i32
      %dma_wait3A_42 = tpu.memref_slice %arg17[%dma_wait3A_40, %dma_wait3A_41] : memref<400x16xf32, #tpu.memory_space<vmem>> -> memref<224x16xf32, #tpu.memory_space<vmem>>
      tpu.wait_dma2 semaphore(%run_scoped3A : memref<!tpu.dma_semaphore, #tpu.memory_space<semaphore_mem>>) src(%dma_wait3A_42 : memref<224x16xf32, #tpu.memory_space<vmem>>) dst(%dma_wait3A_39 : memref<224x16xf32, #tpu.memory_space<vmem_shared>>)
      tpu.yield
    }) : () -> ()
    %eq3A = arith.constant 15 : i32
    %eq3A_11 = arith.cmpi eq, %arg1, %eq3A : i32
    %convert_element_type3A = arith.extui %eq3A_11 : i1 to i32
    %cond3A = arith.constant 0 : i32
    %cond3A_12 = arith.cmpi ne, %convert_element_type3A, %cond3A : i32
    scf.if %cond3A_12 {
      "tpu.region"() ({
        %run_scoped3A = tpu.sem_alloc : memref<!tpu.dma_semaphore, #tpu.memory_space<semaphore_mem>>
        %dma_start3A = arith.constant 0 : i32
        %dma_start3A_25 = arith.constant 0 : i32
        %dma_start3A_26 = tpu.memref_slice %arg17[%dma_start3A, %dma_start3A_25] : memref<400x16xf32, #tpu.memory_space<vmem>> -> memref<16x16xf32, #tpu.memory_space<vmem>>
        %dma_start3A_27 = arith.constant 9984 : i32
        %dma_start3A_28 = arith.constant 0 : i32
        %dma_start3A_29 = tpu.memref_slice %arg18[%dma_start3A_27, %dma_start3A_28] : memref<10000x16xf32, #tpu.memory_space<vmem_shared>> -> memref<16x16xf32, #tpu.memory_space<vmem_shared>>
        %dma_start3A_30 = arith.constant 9984 : i32
        %dma_start3A_31 = arith.constant 0 : i32
        %dma_start3A_32 = tpu.memref_slice %arg18[%dma_start3A_30, %dma_start3A_31] : memref<10000x16xf32, #tpu.memory_space<vmem_shared>> -> memref<16x16xf32, #tpu.memory_space<vmem_shared>>
        %dma_start3A_33 = arith.constant 0 : i32
        %dma_start3A_34 = arith.constant 0 : i32
        %dma_start3A_35 = tpu.memref_slice %arg17[%dma_start3A_33, %dma_start3A_34] : memref<400x16xf32, #tpu.memory_space<vmem>> -> memref<16x16xf32, #tpu.memory_space<vmem>>
        tpu.enqueue_dma source(%dma_start3A_35 : memref<16x16xf32, #tpu.memory_space<vmem>>) target(%dma_start3A_32 : memref<16x16xf32, #tpu.memory_space<vmem_shared>>) target_semaphore(%run_scoped3A : memref<!tpu.dma_semaphore, #tpu.memory_space<semaphore_mem>>)
        %dma_wait3A = arith.constant 0 : i32
        %dma_wait3A_36 = arith.constant 0 : i32
        %dma_wait3A_37 = tpu.memref_slice %arg17[%dma_wait3A, %dma_wait3A_36] : memref<400x16xf32, #tpu.memory_space<vmem>> -> memref<16x16xf32, #tpu.memory_space<vmem>>
        %dma_wait3A_38 = arith.constant 9984 : i32
        %dma_wait3A_39 = arith.constant 0 : i32
        %dma_wait3A_40 = tpu.memref_slice %arg18[%dma_wait3A_38, %dma_wait3A_39] : memref<10000x16xf32, #tpu.memory_space<vmem_shared>> -> memref<16x16xf32, #tpu.memory_space<vmem_shared>>
        %dma_wait3A_41 = arith.constant 9984 : i32
        %dma_wait3A_42 = arith.constant 0 : i32
        %dma_wait3A_43 = tpu.memref_slice %arg18[%dma_wait3A_41, %dma_wait3A_42] : memref<10000x16xf32, #tpu.memory_space<vmem_shared>> -> memref<16x16xf32, #tpu.memory_space<vmem_shared>>
        %dma_wait3A_44 = arith.constant 0 : i32
        %dma_wait3A_45 = arith.constant 0 : i32
        %dma_wait3A_46 = tpu.memref_slice %arg17[%dma_wait3A_44, %dma_wait3A_45] : memref<400x16xf32, #tpu.memory_space<vmem>> -> memref<16x16xf32, #tpu.memory_space<vmem>>
        tpu.wait_dma2 semaphore(%run_scoped3A : memref<!tpu.dma_semaphore, #tpu.memory_space<semaphore_mem>>) src(%dma_wait3A_46 : memref<16x16xf32, #tpu.memory_space<vmem>>) dst(%dma_wait3A_43 : memref<16x16xf32, #tpu.memory_space<vmem_shared>>)
        tpu.yield
      }) : () -> ()
    } else {
    }
    %barrier3A = arith.constant 0 : index
    tpu.barrier barrier_id(%barrier3A)
    %scan3A_13 = arith.constant 0 : i32
    %scan3A_14 = arith.constant 0 : i32
    %scan3A_15 = arith.constant 25 : i32
    %scan3A_16 = arith.addi %scan3A_14, %scan3A_15 : i32
    %scan3A_17 = arith.constant 1 : i32
    scf.for %scan3A_25 = %scan3A_14 to %scan3A_16 step %scan3A_17  : i32 {
      %mul3A_26 = arith.constant 10000 : i32
      %mul3A_27 = arith.muli %add3A, %mul3A_26 : i32
      %mul3A_28 = arith.constant 400 : i32
      %mul3A_29 = arith.muli %scan3A_25, %mul3A_28 : i32
      %add3A_30 = arith.addi %mul3A_27, %mul3A_29 : i32
      %add3A_31 = arith.constant 0 : i32
      %add3A_32 = arith.addi %add3A_30, %add3A_31 : i32
      %run_scoped3A = arith.constant 0 : i32
      "tpu.region"() ({
        %run_scoped3A_269 = tpu.sem_alloc : memref<!tpu.dma_semaphore, #tpu.memory_space<semaphore_mem>>
        %dma_start3A_270 = arith.constant 0 : i32
        %dma_start3A_271 = tpu.memref_slice %arg10[%run_scoped3A, %dma_start3A_270] : memref<5x80xi32, #tpu.memory_space<vmem>> -> memref<1x80xi32, #tpu.memory_space<vmem>>
        %dma_start3A_272 = tpu.memref_squeeze %dma_start3A_271 : memref<1x80xi32, #tpu.memory_space<vmem>> -> memref<80xi32, #tpu.memory_space<vmem>>
        %dma_start3A_273 = tpu.memref_slice %arg4[%add3A_32] : memref<320000xi32, #tpu.memory_space<hbm>> -> memref<80xi32, #tpu.memory_space<hbm>>
        %dma_start3A_274 = arith.constant 0 : i32
        %dma_start3A_275 = tpu.memref_slice %arg10[%run_scoped3A, %dma_start3A_274] : memref<5x80xi32, #tpu.memory_space<vmem>> -> memref<1x80xi32, #tpu.memory_space<vmem>>
        %dma_start3A_276 = tpu.memref_squeeze %dma_start3A_275 : memref<1x80xi32, #tpu.memory_space<vmem>> -> memref<80xi32, #tpu.memory_space<vmem>>
        %dma_start3A_277 = tpu.memref_slice %arg4[%add3A_32] : memref<320000xi32, #tpu.memory_space<hbm>> -> memref<80xi32, #tpu.memory_space<hbm>>
        tpu.enqueue_dma source(%dma_start3A_277 : memref<80xi32, #tpu.memory_space<hbm>>) target(%dma_start3A_276 : memref<80xi32, #tpu.memory_space<vmem>>) target_semaphore(%run_scoped3A_269 : memref<!tpu.dma_semaphore, #tpu.memory_space<semaphore_mem>>)
        %dma_wait3A_278 = arith.constant 0 : i32
        %dma_wait3A_279 = tpu.memref_slice %arg10[%run_scoped3A, %dma_wait3A_278] : memref<5x80xi32, #tpu.memory_space<vmem>> -> memref<1x80xi32, #tpu.memory_space<vmem>>
        %dma_wait3A_280 = tpu.memref_squeeze %dma_wait3A_279 : memref<1x80xi32, #tpu.memory_space<vmem>> -> memref<80xi32, #tpu.memory_space<vmem>>
        %dma_wait3A_281 = tpu.memref_slice %arg4[%add3A_32] : memref<320000xi32, #tpu.memory_space<hbm>> -> memref<80xi32, #tpu.memory_space<hbm>>
        %dma_wait3A_282 = arith.constant 0 : i32
        %dma_wait3A_283 = tpu.memref_slice %arg10[%run_scoped3A, %dma_wait3A_282] : memref<5x80xi32, #tpu.memory_space<vmem>> -> memref<1x80xi32, #tpu.memory_space<vmem>>
        %dma_wait3A_284 = tpu.memref_squeeze %dma_wait3A_283 : memref<1x80xi32, #tpu.memory_space<vmem>> -> memref<80xi32, #tpu.memory_space<vmem>>
        %dma_wait3A_285 = tpu.memref_slice %arg4[%add3A_32] : memref<320000xi32, #tpu.memory_space<hbm>> -> memref<80xi32, #tpu.memory_space<hbm>>
        tpu.wait_dma2 semaphore(%run_scoped3A_269 : memref<!tpu.dma_semaphore, #tpu.memory_space<semaphore_mem>>) src(%dma_wait3A_285 : memref<80xi32, #tpu.memory_space<hbm>>) dst(%dma_wait3A_284 : memref<80xi32, #tpu.memory_space<vmem>>)
        tpu.yield
      }) : () -> ()
      %add3A_33 = arith.constant 0 : i32
      %add3A_34 = arith.addi %add3A_30, %add3A_33 : i32
      %run_scoped3A_35 = arith.constant 0 : i32
      "tpu.region"() ({
        %run_scoped3A_269 = tpu.sem_alloc : memref<!tpu.dma_semaphore, #tpu.memory_space<semaphore_mem>>
        %dma_start3A_270 = arith.constant 0 : i32
        %dma_start3A_271 = tpu.memref_slice %arg11[%run_scoped3A_35, %dma_start3A_270] : memref<5x80xi32, #tpu.memory_space<vmem>> -> memref<1x80xi32, #tpu.memory_space<vmem>>
        %dma_start3A_272 = tpu.memref_squeeze %dma_start3A_271 : memref<1x80xi32, #tpu.memory_space<vmem>> -> memref<80xi32, #tpu.memory_space<vmem>>
        %dma_start3A_273 = tpu.memref_slice %arg5[%add3A_34] : memref<320000xi32, #tpu.memory_space<hbm>> -> memref<80xi32, #tpu.memory_space<hbm>>
        %dma_start3A_274 = arith.constant 0 : i32
        %dma_start3A_275 = tpu.memref_slice %arg11[%run_scoped3A_35, %dma_start3A_274] : memref<5x80xi32, #tpu.memory_space<vmem>> -> memref<1x80xi32, #tpu.memory_space<vmem>>
        %dma_start3A_276 = tpu.memref_squeeze %dma_start3A_275 : memref<1x80xi32, #tpu.memory_space<vmem>> -> memref<80xi32, #tpu.memory_space<vmem>>
        %dma_start3A_277 = tpu.memref_slice %arg5[%add3A_34] : memref<320000xi32, #tpu.memory_space<hbm>> -> memref<80xi32, #tpu.memory_space<hbm>>
        tpu.enqueue_dma source(%dma_start3A_277 : memref<80xi32, #tpu.memory_space<hbm>>) target(%dma_start3A_276 : memref<80xi32, #tpu.memory_space<vmem>>) target_semaphore(%run_scoped3A_269 : memref<!tpu.dma_semaphore, #tpu.memory_space<semaphore_mem>>)
        %dma_wait3A_278 = arith.constant 0 : i32
        %dma_wait3A_279 = tpu.memref_slice %arg11[%run_scoped3A_35, %dma_wait3A_278] : memref<5x80xi32, #tpu.memory_space<vmem>> -> memref<1x80xi32, #tpu.memory_space<vmem>>
        %dma_wait3A_280 = tpu.memref_squeeze %dma_wait3A_279 : memref<1x80xi32, #tpu.memory_space<vmem>> -> memref<80xi32, #tpu.memory_space<vmem>>
        %dma_wait3A_281 = tpu.memref_slice %arg5[%add3A_34] : memref<320000xi32, #tpu.memory_space<hbm>> -> memref<80xi32, #tpu.memory_space<hbm>>
        %dma_wait3A_282 = arith.constant 0 : i32
        %dma_wait3A_283 = tpu.memref_slice %arg11[%run_scoped3A_35, %dma_wait3A_282] : memref<5x80xi32, #tpu.memory_space<vmem>> -> memref<1x80xi32, #tpu.memory_space<vmem>>
        %dma_wait3A_284 = tpu.memref_squeeze %dma_wait3A_283 : memref<1x80xi32, #tpu.memory_space<vmem>> -> memref<80xi32, #tpu.memory_space<vmem>>
        %dma_wait3A_285 = tpu.memref_slice %arg5[%add3A_34] : memref<320000xi32, #tpu.memory_space<hbm>> -> memref<80xi32, #tpu.memory_space<hbm>>
        tpu.wait_dma2 semaphore(%run_scoped3A_269 : memref<!tpu.dma_semaphore, #tpu.memory_space<semaphore_mem>>) src(%dma_wait3A_285 : memref<80xi32, #tpu.memory_space<hbm>>) dst(%dma_wait3A_284 : memref<80xi32, #tpu.memory_space<vmem>>)
        tpu.yield
      }) : () -> ()
      %add3A_36 = arith.constant 80 : i32
      %add3A_37 = arith.addi %add3A_30, %add3A_36 : i32
      %run_scoped3A_38 = arith.constant 1 : i32
      "tpu.region"() ({
        %run_scoped3A_269 = tpu.sem_alloc : memref<!tpu.dma_semaphore, #tpu.memory_space<semaphore_mem>>
        %dma_start3A_270 = arith.constant 0 : i32
        %dma_start3A_271 = tpu.memref_slice %arg10[%run_scoped3A_38, %dma_start3A_270] : memref<5x80xi32, #tpu.memory_space<vmem>> -> memref<1x80xi32, #tpu.memory_space<vmem>>
        %dma_start3A_272 = tpu.memref_squeeze %dma_start3A_271 : memref<1x80xi32, #tpu.memory_space<vmem>> -> memref<80xi32, #tpu.memory_space<vmem>>
        %dma_start3A_273 = tpu.memref_slice %arg4[%add3A_37] : memref<320000xi32, #tpu.memory_space<hbm>> -> memref<80xi32, #tpu.memory_space<hbm>>
        %dma_start3A_274 = arith.constant 0 : i32
        %dma_start3A_275 = tpu.memref_slice %arg10[%run_scoped3A_38, %dma_start3A_274] : memref<5x80xi32, #tpu.memory_space<vmem>> -> memref<1x80xi32, #tpu.memory_space<vmem>>
        %dma_start3A_276 = tpu.memref_squeeze %dma_start3A_275 : memref<1x80xi32, #tpu.memory_space<vmem>> -> memref<80xi32, #tpu.memory_space<vmem>>
        %dma_start3A_277 = tpu.memref_slice %arg4[%add3A_37] : memref<320000xi32, #tpu.memory_space<hbm>> -> memref<80xi32, #tpu.memory_space<hbm>>
        tpu.enqueue_dma source(%dma_start3A_277 : memref<80xi32, #tpu.memory_space<hbm>>) target(%dma_start3A_276 : memref<80xi32, #tpu.memory_space<vmem>>) target_semaphore(%run_scoped3A_269 : memref<!tpu.dma_semaphore, #tpu.memory_space<semaphore_mem>>)
        %dma_wait3A_278 = arith.constant 0 : i32
        %dma_wait3A_279 = tpu.memref_slice %arg10[%run_scoped3A_38, %dma_wait3A_278] : memref<5x80xi32, #tpu.memory_space<vmem>> -> memref<1x80xi32, #tpu.memory_space<vmem>>
        %dma_wait3A_280 = tpu.memref_squeeze %dma_wait3A_279 : memref<1x80xi32, #tpu.memory_space<vmem>> -> memref<80xi32, #tpu.memory_space<vmem>>
        %dma_wait3A_281 = tpu.memref_slice %arg4[%add3A_37] : memref<320000xi32, #tpu.memory_space<hbm>> -> memref<80xi32, #tpu.memory_space<hbm>>
        %dma_wait3A_282 = arith.constant 0 : i32
        %dma_wait3A_283 = tpu.memref_slice %arg10[%run_scoped3A_38, %dma_wait3A_282] : memref<5x80xi32, #tpu.memory_space<vmem>> -> memref<1x80xi32, #tpu.memory_space<vmem>>
        %dma_wait3A_284 = tpu.memref_squeeze %dma_wait3A_283 : memref<1x80xi32, #tpu.memory_space<vmem>> -> memref<80xi32, #tpu.memory_space<vmem>>
        %dma_wait3A_285 = tpu.memref_slice %arg4[%add3A_37] : memref<320000xi32, #tpu.memory_space<hbm>> -> memref<80xi32, #tpu.memory_space<hbm>>
        tpu.wait_dma2 semaphore(%run_scoped3A_269 : memref<!tpu.dma_semaphore, #tpu.memory_space<semaphore_mem>>) src(%dma_wait3A_285 : memref<80xi32, #tpu.memory_space<hbm>>) dst(%dma_wait3A_284 : memref<80xi32, #tpu.memory_space<vmem>>)
        tpu.yield
      }) : () -> ()
      %add3A_39 = arith.constant 80 : i32
      %add3A_40 = arith.addi %add3A_30, %add3A_39 : i32
      %run_scoped3A_41 = arith.constant 1 : i32
      "tpu.region"() ({
        %run_scoped3A_269 = tpu.sem_alloc : memref<!tpu.dma_semaphore, #tpu.memory_space<semaphore_mem>>
        %dma_start3A_270 = arith.constant 0 : i32
        %dma_start3A_271 = tpu.memref_slice %arg11[%run_scoped3A_41, %dma_start3A_270] : memref<5x80xi32, #tpu.memory_space<vmem>> -> memref<1x80xi32, #tpu.memory_space<vmem>>
        %dma_start3A_272 = tpu.memref_squeeze %dma_start3A_271 : memref<1x80xi32, #tpu.memory_space<vmem>> -> memref<80xi32, #tpu.memory_space<vmem>>
        %dma_start3A_273 = tpu.memref_slice %arg5[%add3A_40] : memref<320000xi32, #tpu.memory_space<hbm>> -> memref<80xi32, #tpu.memory_space<hbm>>
        %dma_start3A_274 = arith.constant 0 : i32
        %dma_start3A_275 = tpu.memref_slice %arg11[%run_scoped3A_41, %dma_start3A_274] : memref<5x80xi32, #tpu.memory_space<vmem>> -> memref<1x80xi32, #tpu.memory_space<vmem>>
        %dma_start3A_276 = tpu.memref_squeeze %dma_start3A_275 : memref<1x80xi32, #tpu.memory_space<vmem>> -> memref<80xi32, #tpu.memory_space<vmem>>
        %dma_start3A_277 = tpu.memref_slice %arg5[%add3A_40] : memref<320000xi32, #tpu.memory_space<hbm>> -> memref<80xi32, #tpu.memory_space<hbm>>
        tpu.enqueue_dma source(%dma_start3A_277 : memref<80xi32, #tpu.memory_space<hbm>>) target(%dma_start3A_276 : memref<80xi32, #tpu.memory_space<vmem>>) target_semaphore(%run_scoped3A_269 : memref<!tpu.dma_semaphore, #tpu.memory_space<semaphore_mem>>)
        %dma_wait3A_278 = arith.constant 0 : i32
        %dma_wait3A_279 = tpu.memref_slice %arg11[%run_scoped3A_41, %dma_wait3A_278] : memref<5x80xi32, #tpu.memory_space<vmem>> -> memref<1x80xi32, #tpu.memory_space<vmem>>
        %dma_wait3A_280 = tpu.memref_squeeze %dma_wait3A_279 : memref<1x80xi32, #tpu.memory_space<vmem>> -> memref<80xi32, #tpu.memory_space<vmem>>
        %dma_wait3A_281 = tpu.memref_slice %arg5[%add3A_40] : memref<320000xi32, #tpu.memory_space<hbm>> -> memref<80xi32, #tpu.memory_space<hbm>>
        %dma_wait3A_282 = arith.constant 0 : i32
        %dma_wait3A_283 = tpu.memref_slice %arg11[%run_scoped3A_41, %dma_wait3A_282] : memref<5x80xi32, #tpu.memory_space<vmem>> -> memref<1x80xi32, #tpu.memory_space<vmem>>
        %dma_wait3A_284 = tpu.memref_squeeze %dma_wait3A_283 : memref<1x80xi32, #tpu.memory_space<vmem>> -> memref<80xi32, #tpu.memory_space<vmem>>
        %dma_wait3A_285 = tpu.memref_slice %arg5[%add3A_40] : memref<320000xi32, #tpu.memory_space<hbm>> -> memref<80xi32, #tpu.memory_space<hbm>>
        tpu.wait_dma2 semaphore(%run_scoped3A_269 : memref<!tpu.dma_semaphore, #tpu.memory_space<semaphore_mem>>) src(%dma_wait3A_285 : memref<80xi32, #tpu.memory_space<hbm>>) dst(%dma_wait3A_284 : memref<80xi32, #tpu.memory_space<vmem>>)
        tpu.yield
      }) : () -> ()
      %add3A_42 = arith.constant 160 : i32
      %add3A_43 = arith.addi %add3A_30, %add3A_42 : i32
      %run_scoped3A_44 = arith.constant 2 : i32
      "tpu.region"() ({
        %run_scoped3A_269 = tpu.sem_alloc : memref<!tpu.dma_semaphore, #tpu.memory_space<semaphore_mem>>
        %dma_start3A_270 = arith.constant 0 : i32
        %dma_start3A_271 = tpu.memref_slice %arg10[%run_scoped3A_44, %dma_start3A_270] : memref<5x80xi32, #tpu.memory_space<vmem>> -> memref<1x80xi32, #tpu.memory_space<vmem>>
        %dma_start3A_272 = tpu.memref_squeeze %dma_start3A_271 : memref<1x80xi32, #tpu.memory_space<vmem>> -> memref<80xi32, #tpu.memory_space<vmem>>
        %dma_start3A_273 = tpu.memref_slice %arg4[%add3A_43] : memref<320000xi32, #tpu.memory_space<hbm>> -> memref<80xi32, #tpu.memory_space<hbm>>
        %dma_start3A_274 = arith.constant 0 : i32
        %dma_start3A_275 = tpu.memref_slice %arg10[%run_scoped3A_44, %dma_start3A_274] : memref<5x80xi32, #tpu.memory_space<vmem>> -> memref<1x80xi32, #tpu.memory_space<vmem>>
        %dma_start3A_276 = tpu.memref_squeeze %dma_start3A_275 : memref<1x80xi32, #tpu.memory_space<vmem>> -> memref<80xi32, #tpu.memory_space<vmem>>
        %dma_start3A_277 = tpu.memref_slice %arg4[%add3A_43] : memref<320000xi32, #tpu.memory_space<hbm>> -> memref<80xi32, #tpu.memory_space<hbm>>
        tpu.enqueue_dma source(%dma_start3A_277 : memref<80xi32, #tpu.memory_space<hbm>>) target(%dma_start3A_276 : memref<80xi32, #tpu.memory_space<vmem>>) target_semaphore(%run_scoped3A_269 : memref<!tpu.dma_semaphore, #tpu.memory_space<semaphore_mem>>)
        %dma_wait3A_278 = arith.constant 0 : i32
        %dma_wait3A_279 = tpu.memref_slice %arg10[%run_scoped3A_44, %dma_wait3A_278] : memref<5x80xi32, #tpu.memory_space<vmem>> -> memref<1x80xi32, #tpu.memory_space<vmem>>
        %dma_wait3A_280 = tpu.memref_squeeze %dma_wait3A_279 : memref<1x80xi32, #tpu.memory_space<vmem>> -> memref<80xi32, #tpu.memory_space<vmem>>
        %dma_wait3A_281 = tpu.memref_slice %arg4[%add3A_43] : memref<320000xi32, #tpu.memory_space<hbm>> -> memref<80xi32, #tpu.memory_space<hbm>>
        %dma_wait3A_282 = arith.constant 0 : i32
        %dma_wait3A_283 = tpu.memref_slice %arg10[%run_scoped3A_44, %dma_wait3A_282] : memref<5x80xi32, #tpu.memory_space<vmem>> -> memref<1x80xi32, #tpu.memory_space<vmem>>
        %dma_wait3A_284 = tpu.memref_squeeze %dma_wait3A_283 : memref<1x80xi32, #tpu.memory_space<vmem>> -> memref<80xi32, #tpu.memory_space<vmem>>
        %dma_wait3A_285 = tpu.memref_slice %arg4[%add3A_43] : memref<320000xi32, #tpu.memory_space<hbm>> -> memref<80xi32, #tpu.memory_space<hbm>>
        tpu.wait_dma2 semaphore(%run_scoped3A_269 : memref<!tpu.dma_semaphore, #tpu.memory_space<semaphore_mem>>) src(%dma_wait3A_285 : memref<80xi32, #tpu.memory_space<hbm>>) dst(%dma_wait3A_284 : memref<80xi32, #tpu.memory_space<vmem>>)
        tpu.yield
      }) : () -> ()
      %add3A_45 = arith.constant 160 : i32
      %add3A_46 = arith.addi %add3A_30, %add3A_45 : i32
      %run_scoped3A_47 = arith.constant 2 : i32
      "tpu.region"() ({
        %run_scoped3A_269 = tpu.sem_alloc : memref<!tpu.dma_semaphore, #tpu.memory_space<semaphore_mem>>
        %dma_start3A_270 = arith.constant 0 : i32
        %dma_start3A_271 = tpu.memref_slice %arg11[%run_scoped3A_47, %dma_start3A_270] : memref<5x80xi32, #tpu.memory_space<vmem>> -> memref<1x80xi32, #tpu.memory_space<vmem>>
        %dma_start3A_272 = tpu.memref_squeeze %dma_start3A_271 : memref<1x80xi32, #tpu.memory_space<vmem>> -> memref<80xi32, #tpu.memory_space<vmem>>
        %dma_start3A_273 = tpu.memref_slice %arg5[%add3A_46] : memref<320000xi32, #tpu.memory_space<hbm>> -> memref<80xi32, #tpu.memory_space<hbm>>
        %dma_start3A_274 = arith.constant 0 : i32
        %dma_start3A_275 = tpu.memref_slice %arg11[%run_scoped3A_47, %dma_start3A_274] : memref<5x80xi32, #tpu.memory_space<vmem>> -> memref<1x80xi32, #tpu.memory_space<vmem>>
        %dma_start3A_276 = tpu.memref_squeeze %dma_start3A_275 : memref<1x80xi32, #tpu.memory_space<vmem>> -> memref<80xi32, #tpu.memory_space<vmem>>
        %dma_start3A_277 = tpu.memref_slice %arg5[%add3A_46] : memref<320000xi32, #tpu.memory_space<hbm>> -> memref<80xi32, #tpu.memory_space<hbm>>
        tpu.enqueue_dma source(%dma_start3A_277 : memref<80xi32, #tpu.memory_space<hbm>>) target(%dma_start3A_276 : memref<80xi32, #tpu.memory_space<vmem>>) target_semaphore(%run_scoped3A_269 : memref<!tpu.dma_semaphore, #tpu.memory_space<semaphore_mem>>)
        %dma_wait3A_278 = arith.constant 0 : i32
        %dma_wait3A_279 = tpu.memref_slice %arg11[%run_scoped3A_47, %dma_wait3A_278] : memref<5x80xi32, #tpu.memory_space<vmem>> -> memref<1x80xi32, #tpu.memory_space<vmem>>
        %dma_wait3A_280 = tpu.memref_squeeze %dma_wait3A_279 : memref<1x80xi32, #tpu.memory_space<vmem>> -> memref<80xi32, #tpu.memory_space<vmem>>
        %dma_wait3A_281 = tpu.memref_slice %arg5[%add3A_46] : memref<320000xi32, #tpu.memory_space<hbm>> -> memref<80xi32, #tpu.memory_space<hbm>>
        %dma_wait3A_282 = arith.constant 0 : i32
        %dma_wait3A_283 = tpu.memref_slice %arg11[%run_scoped3A_47, %dma_wait3A_282] : memref<5x80xi32, #tpu.memory_space<vmem>> -> memref<1x80xi32, #tpu.memory_space<vmem>>
        %dma_wait3A_284 = tpu.memref_squeeze %dma_wait3A_283 : memref<1x80xi32, #tpu.memory_space<vmem>> -> memref<80xi32, #tpu.memory_space<vmem>>
        %dma_wait3A_285 = tpu.memref_slice %arg5[%add3A_46] : memref<320000xi32, #tpu.memory_space<hbm>> -> memref<80xi32, #tpu.memory_space<hbm>>
        tpu.wait_dma2 semaphore(%run_scoped3A_269 : memref<!tpu.dma_semaphore, #tpu.memory_space<semaphore_mem>>) src(%dma_wait3A_285 : memref<80xi32, #tpu.memory_space<hbm>>) dst(%dma_wait3A_284 : memref<80xi32, #tpu.memory_space<vmem>>)
        tpu.yield
      }) : () -> ()
      %add3A_48 = arith.constant 240 : i32
      %add3A_49 = arith.addi %add3A_30, %add3A_48 : i32
      %run_scoped3A_50 = arith.constant 3 : i32
      "tpu.region"() ({
        %run_scoped3A_269 = tpu.sem_alloc : memref<!tpu.dma_semaphore, #tpu.memory_space<semaphore_mem>>
        %dma_start3A_270 = arith.constant 0 : i32
        %dma_start3A_271 = tpu.memref_slice %arg10[%run_scoped3A_50, %dma_start3A_270] : memref<5x80xi32, #tpu.memory_space<vmem>> -> memref<1x80xi32, #tpu.memory_space<vmem>>
        %dma_start3A_272 = tpu.memref_squeeze %dma_start3A_271 : memref<1x80xi32, #tpu.memory_space<vmem>> -> memref<80xi32, #tpu.memory_space<vmem>>
        %dma_start3A_273 = tpu.memref_slice %arg4[%add3A_49] : memref<320000xi32, #tpu.memory_space<hbm>> -> memref<80xi32, #tpu.memory_space<hbm>>
        %dma_start3A_274 = arith.constant 0 : i32
        %dma_start3A_275 = tpu.memref_slice %arg10[%run_scoped3A_50, %dma_start3A_274] : memref<5x80xi32, #tpu.memory_space<vmem>> -> memref<1x80xi32, #tpu.memory_space<vmem>>
        %dma_start3A_276 = tpu.memref_squeeze %dma_start3A_275 : memref<1x80xi32, #tpu.memory_space<vmem>> -> memref<80xi32, #tpu.memory_space<vmem>>
        %dma_start3A_277 = tpu.memref_slice %arg4[%add3A_49] : memref<320000xi32, #tpu.memory_space<hbm>> -> memref<80xi32, #tpu.memory_space<hbm>>
        tpu.enqueue_dma source(%dma_start3A_277 : memref<80xi32, #tpu.memory_space<hbm>>) target(%dma_start3A_276 : memref<80xi32, #tpu.memory_space<vmem>>) target_semaphore(%run_scoped3A_269 : memref<!tpu.dma_semaphore, #tpu.memory_space<semaphore_mem>>)
        %dma_wait3A_278 = arith.constant 0 : i32
        %dma_wait3A_279 = tpu.memref_slice %arg10[%run_scoped3A_50, %dma_wait3A_278] : memref<5x80xi32, #tpu.memory_space<vmem>> -> memref<1x80xi32, #tpu.memory_space<vmem>>
        %dma_wait3A_280 = tpu.memref_squeeze %dma_wait3A_279 : memref<1x80xi32, #tpu.memory_space<vmem>> -> memref<80xi32, #tpu.memory_space<vmem>>
        %dma_wait3A_281 = tpu.memref_slice %arg4[%add3A_49] : memref<320000xi32, #tpu.memory_space<hbm>> -> memref<80xi32, #tpu.memory_space<hbm>>
        %dma_wait3A_282 = arith.constant 0 : i32
        %dma_wait3A_283 = tpu.memref_slice %arg10[%run_scoped3A_50, %dma_wait3A_282] : memref<5x80xi32, #tpu.memory_space<vmem>> -> memref<1x80xi32, #tpu.memory_space<vmem>>
        %dma_wait3A_284 = tpu.memref_squeeze %dma_wait3A_283 : memref<1x80xi32, #tpu.memory_space<vmem>> -> memref<80xi32, #tpu.memory_space<vmem>>
        %dma_wait3A_285 = tpu.memref_slice %arg4[%add3A_49] : memref<320000xi32, #tpu.memory_space<hbm>> -> memref<80xi32, #tpu.memory_space<hbm>>
        tpu.wait_dma2 semaphore(%run_scoped3A_269 : memref<!tpu.dma_semaphore, #tpu.memory_space<semaphore_mem>>) src(%dma_wait3A_285 : memref<80xi32, #tpu.memory_space<hbm>>) dst(%dma_wait3A_284 : memref<80xi32, #tpu.memory_space<vmem>>)
        tpu.yield
      }) : () -> ()
      %add3A_51 = arith.constant 240 : i32
      %add3A_52 = arith.addi %add3A_30, %add3A_51 : i32
      %run_scoped3A_53 = arith.constant 3 : i32
      "tpu.region"() ({
        %run_scoped3A_269 = tpu.sem_alloc : memref<!tpu.dma_semaphore, #tpu.memory_space<semaphore_mem>>
        %dma_start3A_270 = arith.constant 0 : i32
        %dma_start3A_271 = tpu.memref_slice %arg11[%run_scoped3A_53, %dma_start3A_270] : memref<5x80xi32, #tpu.memory_space<vmem>> -> memref<1x80xi32, #tpu.memory_space<vmem>>
        %dma_start3A_272 = tpu.memref_squeeze %dma_start3A_271 : memref<1x80xi32, #tpu.memory_space<vmem>> -> memref<80xi32, #tpu.memory_space<vmem>>
        %dma_start3A_273 = tpu.memref_slice %arg5[%add3A_52] : memref<320000xi32, #tpu.memory_space<hbm>> -> memref<80xi32, #tpu.memory_space<hbm>>
        %dma_start3A_274 = arith.constant 0 : i32
        %dma_start3A_275 = tpu.memref_slice %arg11[%run_scoped3A_53, %dma_start3A_274] : memref<5x80xi32, #tpu.memory_space<vmem>> -> memref<1x80xi32, #tpu.memory_space<vmem>>
        %dma_start3A_276 = tpu.memref_squeeze %dma_start3A_275 : memref<1x80xi32, #tpu.memory_space<vmem>> -> memref<80xi32, #tpu.memory_space<vmem>>
        %dma_start3A_277 = tpu.memref_slice %arg5[%add3A_52] : memref<320000xi32, #tpu.memory_space<hbm>> -> memref<80xi32, #tpu.memory_space<hbm>>
        tpu.enqueue_dma source(%dma_start3A_277 : memref<80xi32, #tpu.memory_space<hbm>>) target(%dma_start3A_276 : memref<80xi32, #tpu.memory_space<vmem>>) target_semaphore(%run_scoped3A_269 : memref<!tpu.dma_semaphore, #tpu.memory_space<semaphore_mem>>)
        %dma_wait3A_278 = arith.constant 0 : i32
        %dma_wait3A_279 = tpu.memref_slice %arg11[%run_scoped3A_53, %dma_wait3A_278] : memref<5x80xi32, #tpu.memory_space<vmem>> -> memref<1x80xi32, #tpu.memory_space<vmem>>
        %dma_wait3A_280 = tpu.memref_squeeze %dma_wait3A_279 : memref<1x80xi32, #tpu.memory_space<vmem>> -> memref<80xi32, #tpu.memory_space<vmem>>
        %dma_wait3A_281 = tpu.memref_slice %arg5[%add3A_52] : memref<320000xi32, #tpu.memory_space<hbm>> -> memref<80xi32, #tpu.memory_space<hbm>>
        %dma_wait3A_282 = arith.constant 0 : i32
        %dma_wait3A_283 = tpu.memref_slice %arg11[%run_scoped3A_53, %dma_wait3A_282] : memref<5x80xi32, #tpu.memory_space<vmem>> -> memref<1x80xi32, #tpu.memory_space<vmem>>
        %dma_wait3A_284 = tpu.memref_squeeze %dma_wait3A_283 : memref<1x80xi32, #tpu.memory_space<vmem>> -> memref<80xi32, #tpu.memory_space<vmem>>
        %dma_wait3A_285 = tpu.memref_slice %arg5[%add3A_52] : memref<320000xi32, #tpu.memory_space<hbm>> -> memref<80xi32, #tpu.memory_space<hbm>>
        tpu.wait_dma2 semaphore(%run_scoped3A_269 : memref<!tpu.dma_semaphore, #tpu.memory_space<semaphore_mem>>) src(%dma_wait3A_285 : memref<80xi32, #tpu.memory_space<hbm>>) dst(%dma_wait3A_284 : memref<80xi32, #tpu.memory_space<vmem>>)
        tpu.yield
      }) : () -> ()
      %add3A_54 = arith.constant 320 : i32
      %add3A_55 = arith.addi %add3A_30, %add3A_54 : i32
      %run_scoped3A_56 = arith.constant 4 : i32
      "tpu.region"() ({
        %run_scoped3A_269 = tpu.sem_alloc : memref<!tpu.dma_semaphore, #tpu.memory_space<semaphore_mem>>
        %dma_start3A_270 = arith.constant 0 : i32
        %dma_start3A_271 = tpu.memref_slice %arg10[%run_scoped3A_56, %dma_start3A_270] : memref<5x80xi32, #tpu.memory_space<vmem>> -> memref<1x80xi32, #tpu.memory_space<vmem>>
        %dma_start3A_272 = tpu.memref_squeeze %dma_start3A_271 : memref<1x80xi32, #tpu.memory_space<vmem>> -> memref<80xi32, #tpu.memory_space<vmem>>
        %dma_start3A_273 = tpu.memref_slice %arg4[%add3A_55] : memref<320000xi32, #tpu.memory_space<hbm>> -> memref<80xi32, #tpu.memory_space<hbm>>
        %dma_start3A_274 = arith.constant 0 : i32
        %dma_start3A_275 = tpu.memref_slice %arg10[%run_scoped3A_56, %dma_start3A_274] : memref<5x80xi32, #tpu.memory_space<vmem>> -> memref<1x80xi32, #tpu.memory_space<vmem>>
        %dma_start3A_276 = tpu.memref_squeeze %dma_start3A_275 : memref<1x80xi32, #tpu.memory_space<vmem>> -> memref<80xi32, #tpu.memory_space<vmem>>
        %dma_start3A_277 = tpu.memref_slice %arg4[%add3A_55] : memref<320000xi32, #tpu.memory_space<hbm>> -> memref<80xi32, #tpu.memory_space<hbm>>
        tpu.enqueue_dma source(%dma_start3A_277 : memref<80xi32, #tpu.memory_space<hbm>>) target(%dma_start3A_276 : memref<80xi32, #tpu.memory_space<vmem>>) target_semaphore(%run_scoped3A_269 : memref<!tpu.dma_semaphore, #tpu.memory_space<semaphore_mem>>)
        %dma_wait3A_278 = arith.constant 0 : i32
        %dma_wait3A_279 = tpu.memref_slice %arg10[%run_scoped3A_56, %dma_wait3A_278] : memref<5x80xi32, #tpu.memory_space<vmem>> -> memref<1x80xi32, #tpu.memory_space<vmem>>
        %dma_wait3A_280 = tpu.memref_squeeze %dma_wait3A_279 : memref<1x80xi32, #tpu.memory_space<vmem>> -> memref<80xi32, #tpu.memory_space<vmem>>
        %dma_wait3A_281 = tpu.memref_slice %arg4[%add3A_55] : memref<320000xi32, #tpu.memory_space<hbm>> -> memref<80xi32, #tpu.memory_space<hbm>>
        %dma_wait3A_282 = arith.constant 0 : i32
        %dma_wait3A_283 = tpu.memref_slice %arg10[%run_scoped3A_56, %dma_wait3A_282] : memref<5x80xi32, #tpu.memory_space<vmem>> -> memref<1x80xi32, #tpu.memory_space<vmem>>
        %dma_wait3A_284 = tpu.memref_squeeze %dma_wait3A_283 : memref<1x80xi32, #tpu.memory_space<vmem>> -> memref<80xi32, #tpu.memory_space<vmem>>
        %dma_wait3A_285 = tpu.memref_slice %arg4[%add3A_55] : memref<320000xi32, #tpu.memory_space<hbm>> -> memref<80xi32, #tpu.memory_space<hbm>>
        tpu.wait_dma2 semaphore(%run_scoped3A_269 : memref<!tpu.dma_semaphore, #tpu.memory_space<semaphore_mem>>) src(%dma_wait3A_285 : memref<80xi32, #tpu.memory_space<hbm>>) dst(%dma_wait3A_284 : memref<80xi32, #tpu.memory_space<vmem>>)
        tpu.yield
      }) : () -> ()
      %add3A_57 = arith.constant 320 : i32
      %add3A_58 = arith.addi %add3A_30, %add3A_57 : i32
      %run_scoped3A_59 = arith.constant 4 : i32
      "tpu.region"() ({
        %run_scoped3A_269 = tpu.sem_alloc : memref<!tpu.dma_semaphore, #tpu.memory_space<semaphore_mem>>
        %dma_start3A_270 = arith.constant 0 : i32
        %dma_start3A_271 = tpu.memref_slice %arg11[%run_scoped3A_59, %dma_start3A_270] : memref<5x80xi32, #tpu.memory_space<vmem>> -> memref<1x80xi32, #tpu.memory_space<vmem>>
        %dma_start3A_272 = tpu.memref_squeeze %dma_start3A_271 : memref<1x80xi32, #tpu.memory_space<vmem>> -> memref<80xi32, #tpu.memory_space<vmem>>
        %dma_start3A_273 = tpu.memref_slice %arg5[%add3A_58] : memref<320000xi32, #tpu.memory_space<hbm>> -> memref<80xi32, #tpu.memory_space<hbm>>
        %dma_start3A_274 = arith.constant 0 : i32
        %dma_start3A_275 = tpu.memref_slice %arg11[%run_scoped3A_59, %dma_start3A_274] : memref<5x80xi32, #tpu.memory_space<vmem>> -> memref<1x80xi32, #tpu.memory_space<vmem>>
        %dma_start3A_276 = tpu.memref_squeeze %dma_start3A_275 : memref<1x80xi32, #tpu.memory_space<vmem>> -> memref<80xi32, #tpu.memory_space<vmem>>
        %dma_start3A_277 = tpu.memref_slice %arg5[%add3A_58] : memref<320000xi32, #tpu.memory_space<hbm>> -> memref<80xi32, #tpu.memory_space<hbm>>
        tpu.enqueue_dma source(%dma_start3A_277 : memref<80xi32, #tpu.memory_space<hbm>>) target(%dma_start3A_276 : memref<80xi32, #tpu.memory_space<vmem>>) target_semaphore(%run_scoped3A_269 : memref<!tpu.dma_semaphore, #tpu.memory_space<semaphore_mem>>)
        %dma_wait3A_278 = arith.constant 0 : i32
        %dma_wait3A_279 = tpu.memref_slice %arg11[%run_scoped3A_59, %dma_wait3A_278] : memref<5x80xi32, #tpu.memory_space<vmem>> -> memref<1x80xi32, #tpu.memory_space<vmem>>
        %dma_wait3A_280 = tpu.memref_squeeze %dma_wait3A_279 : memref<1x80xi32, #tpu.memory_space<vmem>> -> memref<80xi32, #tpu.memory_space<vmem>>
        %dma_wait3A_281 = tpu.memref_slice %arg5[%add3A_58] : memref<320000xi32, #tpu.memory_space<hbm>> -> memref<80xi32, #tpu.memory_space<hbm>>
        %dma_wait3A_282 = arith.constant 0 : i32
        %dma_wait3A_283 = tpu.memref_slice %arg11[%run_scoped3A_59, %dma_wait3A_282] : memref<5x80xi32, #tpu.memory_space<vmem>> -> memref<1x80xi32, #tpu.memory_space<vmem>>
        %dma_wait3A_284 = tpu.memref_squeeze %dma_wait3A_283 : memref<1x80xi32, #tpu.memory_space<vmem>> -> memref<80xi32, #tpu.memory_space<vmem>>
        %dma_wait3A_285 = tpu.memref_slice %arg5[%add3A_58] : memref<320000xi32, #tpu.memory_space<hbm>> -> memref<80xi32, #tpu.memory_space<hbm>>
        tpu.wait_dma2 semaphore(%run_scoped3A_269 : memref<!tpu.dma_semaphore, #tpu.memory_space<semaphore_mem>>) src(%dma_wait3A_285 : memref<80xi32, #tpu.memory_space<hbm>>) dst(%dma_wait3A_284 : memref<80xi32, #tpu.memory_space<vmem>>)
        tpu.yield
      }) : () -> ()
      "tpu.region"() ({
        %run_scoped3A_269 = tpu.sem_alloc : memref<!tpu.dma_semaphore, #tpu.memory_space<semaphore_mem>>
        %dma_start3A_270 = arith.constant 0 : i32
        %dma_start3A_271 = tpu.memref_slice %arg6[%add3A_30, %dma_start3A_270] : memref<320000x16xf32, #tpu.memory_space<hbm>> -> memref<400x16xf32, #tpu.memory_space<hbm>>
        %dma_start3A_272 = arith.constant 0 : i32
        %dma_start3A_273 = tpu.memref_slice %arg6[%add3A_30, %dma_start3A_272] : memref<320000x16xf32, #tpu.memory_space<hbm>> -> memref<400x16xf32, #tpu.memory_space<hbm>>
        tpu.enqueue_dma source(%dma_start3A_273 : memref<400x16xf32, #tpu.memory_space<hbm>>) target(%arg14 : memref<400x16xf32, #tpu.memory_space<vmem>>) target_semaphore(%run_scoped3A_269 : memref<!tpu.dma_semaphore, #tpu.memory_space<semaphore_mem>>)
        %dma_wait3A_274 = arith.constant 0 : i32
        %dma_wait3A_275 = tpu.memref_slice %arg6[%add3A_30, %dma_wait3A_274] : memref<320000x16xf32, #tpu.memory_space<hbm>> -> memref<400x16xf32, #tpu.memory_space<hbm>>
        %dma_wait3A_276 = arith.constant 0 : i32
        %dma_wait3A_277 = tpu.memref_slice %arg6[%add3A_30, %dma_wait3A_276] : memref<320000x16xf32, #tpu.memory_space<hbm>> -> memref<400x16xf32, #tpu.memory_space<hbm>>
        tpu.wait_dma2 semaphore(%run_scoped3A_269 : memref<!tpu.dma_semaphore, #tpu.memory_space<semaphore_mem>>) src(%dma_wait3A_277 : memref<400x16xf32, #tpu.memory_space<hbm>>) dst(%arg14 : memref<400x16xf32, #tpu.memory_space<vmem>>)
        tpu.yield
      }) : () -> ()
      "tpu.region"() ({
        %run_scoped3A_269 = tpu.sem_alloc : memref<!tpu.dma_semaphore, #tpu.memory_space<semaphore_mem>>
        %dma_start3A_270 = tpu.memref_slice %arg7[%add3A_30] : memref<320000xf32, #tpu.memory_space<hbm>> -> memref<400xf32, #tpu.memory_space<hbm>>
        %dma_start3A_271 = tpu.memref_slice %arg7[%add3A_30] : memref<320000xf32, #tpu.memory_space<hbm>> -> memref<400xf32, #tpu.memory_space<hbm>>
        tpu.enqueue_dma source(%dma_start3A_271 : memref<400xf32, #tpu.memory_space<hbm>>) target(%arg15 : memref<400xf32, #tpu.memory_space<vmem>>) target_semaphore(%run_scoped3A_269 : memref<!tpu.dma_semaphore, #tpu.memory_space<semaphore_mem>>)
        %dma_wait3A_272 = tpu.memref_slice %arg7[%add3A_30] : memref<320000xf32, #tpu.memory_space<hbm>> -> memref<400xf32, #tpu.memory_space<hbm>>
        %dma_wait3A_273 = tpu.memref_slice %arg7[%add3A_30] : memref<320000xf32, #tpu.memory_space<hbm>> -> memref<400xf32, #tpu.memory_space<hbm>>
        tpu.wait_dma2 semaphore(%run_scoped3A_269 : memref<!tpu.dma_semaphore, #tpu.memory_space<semaphore_mem>>) src(%dma_wait3A_273 : memref<400xf32, #tpu.memory_space<hbm>>) dst(%arg15 : memref<400xf32, #tpu.memory_space<vmem>>)
        tpu.yield
      }) : () -> ()
      %dma_start3A = arith.constant 0 : i32
      %dma_start3A_60 = arith.constant 0 : i32
      %dma_start3A_61 = arith.constant 0 : i32
      %dma_start3A_62 = tpu.memref_slice %arg12[%dma_start3A_60, %dma_start3A_61] : memref<400x32xf32, #tpu.memory_space<vmem>> -> memref<80x32xf32, #tpu.memory_space<vmem>>
      %dma_start3A_63 = arith.constant 0 : i32
      %dma_start3A_64 = tpu.memref_slice %arg10[%dma_start3A, %dma_start3A_63] : memref<5x80xi32, #tpu.memory_space<vmem>> -> memref<1x80xi32, #tpu.memory_space<vmem>>
      %dma_start3A_65 = tpu.memref_squeeze %dma_start3A_64 : memref<1x80xi32, #tpu.memory_space<vmem>> -> memref<80xi32, #tpu.memory_space<vmem>>
      %dma_start3A_66 = arith.constant 0 : i32
      %dma_start3A_67 = arith.constant 0 : i32
      %dma_start3A_68 = tpu.memref_slice %arg2[%dma_start3A_66, %dma_start3A_67] : memref<10000x32xf32, #tpu.memory_space<hbm>> -> memref<10000x32xf32, #tpu.memory_space<hbm>>
      tpu.enqueue_indirect_dma source(%dma_start3A_68 : memref<10000x32xf32, #tpu.memory_space<hbm>>) target(%dma_start3A_62 : memref<80x32xf32, #tpu.memory_space<vmem>>) offsets(%dma_start3A_65 : memref<80xi32, #tpu.memory_space<vmem>>) semaphore(%arg19 : memref<!tpu.dma_semaphore, #tpu.memory_space<semaphore_mem>>)
      %dma_start3A_69 = arith.constant 0 : i32
      %dma_start3A_70 = arith.constant 0 : i32
      %dma_start3A_71 = arith.constant 0 : i32
      %dma_start3A_72 = tpu.memref_slice %arg13[%dma_start3A_70, %dma_start3A_71] : memref<400x32xf32, #tpu.memory_space<vmem>> -> memref<80x32xf32, #tpu.memory_space<vmem>>
      %dma_start3A_73 = arith.constant 0 : i32
      %dma_start3A_74 = tpu.memref_slice %arg11[%dma_start3A_69, %dma_start3A_73] : memref<5x80xi32, #tpu.memory_space<vmem>> -> memref<1x80xi32, #tpu.memory_space<vmem>>
      %dma_start3A_75 = tpu.memref_squeeze %dma_start3A_74 : memref<1x80xi32, #tpu.memory_space<vmem>> -> memref<80xi32, #tpu.memory_space<vmem>>
      %dma_start3A_76 = arith.constant 0 : i32
      %dma_start3A_77 = arith.constant 0 : i32
      %dma_start3A_78 = tpu.memref_slice %arg3[%dma_start3A_76, %dma_start3A_77] : memref<10000x32xf32, #tpu.memory_space<hbm>> -> memref<10000x32xf32, #tpu.memory_space<hbm>>
      tpu.enqueue_indirect_dma source(%dma_start3A_78 : memref<10000x32xf32, #tpu.memory_space<hbm>>) target(%dma_start3A_72 : memref<80x32xf32, #tpu.memory_space<vmem>>) offsets(%dma_start3A_75 : memref<80xi32, #tpu.memory_space<vmem>>) semaphore(%arg19 : memref<!tpu.dma_semaphore, #tpu.memory_space<semaphore_mem>>)
      %dma_start3A_79 = arith.constant 1 : i32
      %dma_start3A_80 = arith.constant 80 : i32
      %dma_start3A_81 = arith.constant 0 : i32
      %dma_start3A_82 = tpu.memref_slice %arg12[%dma_start3A_80, %dma_start3A_81] : memref<400x32xf32, #tpu.memory_space<vmem>> -> memref<80x32xf32, #tpu.memory_space<vmem>>
      %dma_start3A_83 = arith.constant 0 : i32
      %dma_start3A_84 = tpu.memref_slice %arg10[%dma_start3A_79, %dma_start3A_83] : memref<5x80xi32, #tpu.memory_space<vmem>> -> memref<1x80xi32, #tpu.memory_space<vmem>>
      %dma_start3A_85 = tpu.memref_squeeze %dma_start3A_84 : memref<1x80xi32, #tpu.memory_space<vmem>> -> memref<80xi32, #tpu.memory_space<vmem>>
      %dma_start3A_86 = arith.constant 0 : i32
      %dma_start3A_87 = arith.constant 0 : i32
      %dma_start3A_88 = tpu.memref_slice %arg2[%dma_start3A_86, %dma_start3A_87] : memref<10000x32xf32, #tpu.memory_space<hbm>> -> memref<10000x32xf32, #tpu.memory_space<hbm>>
      tpu.enqueue_indirect_dma source(%dma_start3A_88 : memref<10000x32xf32, #tpu.memory_space<hbm>>) target(%dma_start3A_82 : memref<80x32xf32, #tpu.memory_space<vmem>>) offsets(%dma_start3A_85 : memref<80xi32, #tpu.memory_space<vmem>>) semaphore(%arg19 : memref<!tpu.dma_semaphore, #tpu.memory_space<semaphore_mem>>)
      %dma_start3A_89 = arith.constant 1 : i32
      %dma_start3A_90 = arith.constant 80 : i32
      %dma_start3A_91 = arith.constant 0 : i32
      %dma_start3A_92 = tpu.memref_slice %arg13[%dma_start3A_90, %dma_start3A_91] : memref<400x32xf32, #tpu.memory_space<vmem>> -> memref<80x32xf32, #tpu.memory_space<vmem>>
      %dma_start3A_93 = arith.constant 0 : i32
      %dma_start3A_94 = tpu.memref_slice %arg11[%dma_start3A_89, %dma_start3A_93] : memref<5x80xi32, #tpu.memory_space<vmem>> -> memref<1x80xi32, #tpu.memory_space<vmem>>
      %dma_start3A_95 = tpu.memref_squeeze %dma_start3A_94 : memref<1x80xi32, #tpu.memory_space<vmem>> -> memref<80xi32, #tpu.memory_space<vmem>>
      %dma_start3A_96 = arith.constant 0 : i32
      %dma_start3A_97 = arith.constant 0 : i32
      %dma_start3A_98 = tpu.memref_slice %arg3[%dma_start3A_96, %dma_start3A_97] : memref<10000x32xf32, #tpu.memory_space<hbm>> -> memref<10000x32xf32, #tpu.memory_space<hbm>>
      tpu.enqueue_indirect_dma source(%dma_start3A_98 : memref<10000x32xf32, #tpu.memory_space<hbm>>) target(%dma_start3A_92 : memref<80x32xf32, #tpu.memory_space<vmem>>) offsets(%dma_start3A_95 : memref<80xi32, #tpu.memory_space<vmem>>) semaphore(%arg19 : memref<!tpu.dma_semaphore, #tpu.memory_space<semaphore_mem>>)
      %dma_start3A_99 = arith.constant 2 : i32
      %dma_start3A_100 = arith.constant 160 : i32
      %dma_start3A_101 = arith.constant 0 : i32
      %dma_start3A_102 = tpu.memref_slice %arg12[%dma_start3A_100, %dma_start3A_101] : memref<400x32xf32, #tpu.memory_space<vmem>> -> memref<80x32xf32, #tpu.memory_space<vmem>>
      %dma_start3A_103 = arith.constant 0 : i32
      %dma_start3A_104 = tpu.memref_slice %arg10[%dma_start3A_99, %dma_start3A_103] : memref<5x80xi32, #tpu.memory_space<vmem>> -> memref<1x80xi32, #tpu.memory_space<vmem>>
      %dma_start3A_105 = tpu.memref_squeeze %dma_start3A_104 : memref<1x80xi32, #tpu.memory_space<vmem>> -> memref<80xi32, #tpu.memory_space<vmem>>
      %dma_start3A_106 = arith.constant 0 : i32
      %dma_start3A_107 = arith.constant 0 : i32
      %dma_start3A_108 = tpu.memref_slice %arg2[%dma_start3A_106, %dma_start3A_107] : memref<10000x32xf32, #tpu.memory_space<hbm>> -> memref<10000x32xf32, #tpu.memory_space<hbm>>
      tpu.enqueue_indirect_dma source(%dma_start3A_108 : memref<10000x32xf32, #tpu.memory_space<hbm>>) target(%dma_start3A_102 : memref<80x32xf32, #tpu.memory_space<vmem>>) offsets(%dma_start3A_105 : memref<80xi32, #tpu.memory_space<vmem>>) semaphore(%arg19 : memref<!tpu.dma_semaphore, #tpu.memory_space<semaphore_mem>>)
      %dma_start3A_109 = arith.constant 2 : i32
      %dma_start3A_110 = arith.constant 160 : i32
      %dma_start3A_111 = arith.constant 0 : i32
      %dma_start3A_112 = tpu.memref_slice %arg13[%dma_start3A_110, %dma_start3A_111] : memref<400x32xf32, #tpu.memory_space<vmem>> -> memref<80x32xf32, #tpu.memory_space<vmem>>
      %dma_start3A_113 = arith.constant 0 : i32
      %dma_start3A_114 = tpu.memref_slice %arg11[%dma_start3A_109, %dma_start3A_113] : memref<5x80xi32, #tpu.memory_space<vmem>> -> memref<1x80xi32, #tpu.memory_space<vmem>>
      %dma_start3A_115 = tpu.memref_squeeze %dma_start3A_114 : memref<1x80xi32, #tpu.memory_space<vmem>> -> memref<80xi32, #tpu.memory_space<vmem>>
      %dma_start3A_116 = arith.constant 0 : i32
      %dma_start3A_117 = arith.constant 0 : i32
      %dma_start3A_118 = tpu.memref_slice %arg3[%dma_start3A_116, %dma_start3A_117] : memref<10000x32xf32, #tpu.memory_space<hbm>> -> memref<10000x32xf32, #tpu.memory_space<hbm>>
      tpu.enqueue_indirect_dma source(%dma_start3A_118 : memref<10000x32xf32, #tpu.memory_space<hbm>>) target(%dma_start3A_112 : memref<80x32xf32, #tpu.memory_space<vmem>>) offsets(%dma_start3A_115 : memref<80xi32, #tpu.memory_space<vmem>>) semaphore(%arg19 : memref<!tpu.dma_semaphore, #tpu.memory_space<semaphore_mem>>)
      %dma_start3A_119 = arith.constant 3 : i32
      %dma_start3A_120 = arith.constant 240 : i32
      %dma_start3A_121 = arith.constant 0 : i32
      %dma_start3A_122 = tpu.memref_slice %arg12[%dma_start3A_120, %dma_start3A_121] : memref<400x32xf32, #tpu.memory_space<vmem>> -> memref<80x32xf32, #tpu.memory_space<vmem>>
      %dma_start3A_123 = arith.constant 0 : i32
      %dma_start3A_124 = tpu.memref_slice %arg10[%dma_start3A_119, %dma_start3A_123] : memref<5x80xi32, #tpu.memory_space<vmem>> -> memref<1x80xi32, #tpu.memory_space<vmem>>
      %dma_start3A_125 = tpu.memref_squeeze %dma_start3A_124 : memref<1x80xi32, #tpu.memory_space<vmem>> -> memref<80xi32, #tpu.memory_space<vmem>>
      %dma_start3A_126 = arith.constant 0 : i32
      %dma_start3A_127 = arith.constant 0 : i32
      %dma_start3A_128 = tpu.memref_slice %arg2[%dma_start3A_126, %dma_start3A_127] : memref<10000x32xf32, #tpu.memory_space<hbm>> -> memref<10000x32xf32, #tpu.memory_space<hbm>>
      tpu.enqueue_indirect_dma source(%dma_start3A_128 : memref<10000x32xf32, #tpu.memory_space<hbm>>) target(%dma_start3A_122 : memref<80x32xf32, #tpu.memory_space<vmem>>) offsets(%dma_start3A_125 : memref<80xi32, #tpu.memory_space<vmem>>) semaphore(%arg19 : memref<!tpu.dma_semaphore, #tpu.memory_space<semaphore_mem>>)
      %dma_start3A_129 = arith.constant 3 : i32
      %dma_start3A_130 = arith.constant 240 : i32
      %dma_start3A_131 = arith.constant 0 : i32
      %dma_start3A_132 = tpu.memref_slice %arg13[%dma_start3A_130, %dma_start3A_131] : memref<400x32xf32, #tpu.memory_space<vmem>> -> memref<80x32xf32, #tpu.memory_space<vmem>>
      %dma_start3A_133 = arith.constant 0 : i32
      %dma_start3A_134 = tpu.memref_slice %arg11[%dma_start3A_129, %dma_start3A_133] : memref<5x80xi32, #tpu.memory_space<vmem>> -> memref<1x80xi32, #tpu.memory_space<vmem>>
      %dma_start3A_135 = tpu.memref_squeeze %dma_start3A_134 : memref<1x80xi32, #tpu.memory_space<vmem>> -> memref<80xi32, #tpu.memory_space<vmem>>
      %dma_start3A_136 = arith.constant 0 : i32
      %dma_start3A_137 = arith.constant 0 : i32
      %dma_start3A_138 = tpu.memref_slice %arg3[%dma_start3A_136, %dma_start3A_137] : memref<10000x32xf32, #tpu.memory_space<hbm>> -> memref<10000x32xf32, #tpu.memory_space<hbm>>
      tpu.enqueue_indirect_dma source(%dma_start3A_138 : memref<10000x32xf32, #tpu.memory_space<hbm>>) target(%dma_start3A_132 : memref<80x32xf32, #tpu.memory_space<vmem>>) offsets(%dma_start3A_135 : memref<80xi32, #tpu.memory_space<vmem>>) semaphore(%arg19 : memref<!tpu.dma_semaphore, #tpu.memory_space<semaphore_mem>>)
      %dma_start3A_139 = arith.constant 4 : i32
      %dma_start3A_140 = arith.constant 320 : i32
      %dma_start3A_141 = arith.constant 0 : i32
      %dma_start3A_142 = tpu.memref_slice %arg12[%dma_start3A_140, %dma_start3A_141] : memref<400x32xf32, #tpu.memory_space<vmem>> -> memref<80x32xf32, #tpu.memory_space<vmem>>
      %dma_start3A_143 = arith.constant 0 : i32
      %dma_start3A_144 = tpu.memref_slice %arg10[%dma_start3A_139, %dma_start3A_143] : memref<5x80xi32, #tpu.memory_space<vmem>> -> memref<1x80xi32, #tpu.memory_space<vmem>>
      %dma_start3A_145 = tpu.memref_squeeze %dma_start3A_144 : memref<1x80xi32, #tpu.memory_space<vmem>> -> memref<80xi32, #tpu.memory_space<vmem>>
      %dma_start3A_146 = arith.constant 0 : i32
      %dma_start3A_147 = arith.constant 0 : i32
      %dma_start3A_148 = tpu.memref_slice %arg2[%dma_start3A_146, %dma_start3A_147] : memref<10000x32xf32, #tpu.memory_space<hbm>> -> memref<10000x32xf32, #tpu.memory_space<hbm>>
      tpu.enqueue_indirect_dma source(%dma_start3A_148 : memref<10000x32xf32, #tpu.memory_space<hbm>>) target(%dma_start3A_142 : memref<80x32xf32, #tpu.memory_space<vmem>>) offsets(%dma_start3A_145 : memref<80xi32, #tpu.memory_space<vmem>>) semaphore(%arg19 : memref<!tpu.dma_semaphore, #tpu.memory_space<semaphore_mem>>)
      %dma_start3A_149 = arith.constant 4 : i32
      %dma_start3A_150 = arith.constant 320 : i32
      %dma_start3A_151 = arith.constant 0 : i32
      %dma_start3A_152 = tpu.memref_slice %arg13[%dma_start3A_150, %dma_start3A_151] : memref<400x32xf32, #tpu.memory_space<vmem>> -> memref<80x32xf32, #tpu.memory_space<vmem>>
      %dma_start3A_153 = arith.constant 0 : i32
      %dma_start3A_154 = tpu.memref_slice %arg11[%dma_start3A_149, %dma_start3A_153] : memref<5x80xi32, #tpu.memory_space<vmem>> -> memref<1x80xi32, #tpu.memory_space<vmem>>
      %dma_start3A_155 = tpu.memref_squeeze %dma_start3A_154 : memref<1x80xi32, #tpu.memory_space<vmem>> -> memref<80xi32, #tpu.memory_space<vmem>>
      %dma_start3A_156 = arith.constant 0 : i32
      %dma_start3A_157 = arith.constant 0 : i32
      %dma_start3A_158 = tpu.memref_slice %arg3[%dma_start3A_156, %dma_start3A_157] : memref<10000x32xf32, #tpu.memory_space<hbm>> -> memref<10000x32xf32, #tpu.memory_space<hbm>>
      tpu.enqueue_indirect_dma source(%dma_start3A_158 : memref<10000x32xf32, #tpu.memory_space<hbm>>) target(%dma_start3A_152 : memref<80x32xf32, #tpu.memory_space<vmem>>) offsets(%dma_start3A_155 : memref<80xi32, #tpu.memory_space<vmem>>) semaphore(%arg19 : memref<!tpu.dma_semaphore, #tpu.memory_space<semaphore_mem>>)
      %dma_wait3A = arith.constant 0 : i32
      %dma_wait3A_159 = arith.constant 0 : i32
      %dma_wait3A_160 = arith.constant 0 : i32
      %dma_wait3A_161 = tpu.memref_slice %arg12[%dma_wait3A_159, %dma_wait3A_160] : memref<400x32xf32, #tpu.memory_space<vmem>> -> memref<80x32xf32, #tpu.memory_space<vmem>>
      %dma_wait3A_162 = arith.constant 0 : i32
      %dma_wait3A_163 = tpu.memref_slice %arg10[%dma_wait3A, %dma_wait3A_162] : memref<5x80xi32, #tpu.memory_space<vmem>> -> memref<1x80xi32, #tpu.memory_space<vmem>>
      %dma_wait3A_164 = tpu.memref_squeeze %dma_wait3A_163 : memref<1x80xi32, #tpu.memory_space<vmem>> -> memref<80xi32, #tpu.memory_space<vmem>>
      %dma_wait3A_165 = arith.constant 0 : i32
      %dma_wait3A_166 = arith.constant 0 : i32
      %dma_wait3A_167 = tpu.memref_slice %arg2[%dma_wait3A_165, %dma_wait3A_166] : memref<10000x32xf32, #tpu.memory_space<hbm>> -> memref<10000x32xf32, #tpu.memory_space<hbm>>
      tpu.wait_indirect_dma semaphore(%arg19 : memref<!tpu.dma_semaphore, #tpu.memory_space<semaphore_mem>>) src(%dma_wait3A_167 : memref<10000x32xf32, #tpu.memory_space<hbm>>) dst(%dma_wait3A_161 : memref<80x32xf32, #tpu.memory_space<vmem>>)
      %dma_wait3A_168 = arith.constant 0 : i32
      %dma_wait3A_169 = arith.constant 0 : i32
      %dma_wait3A_170 = arith.constant 0 : i32
      %dma_wait3A_171 = tpu.memref_slice %arg13[%dma_wait3A_169, %dma_wait3A_170] : memref<400x32xf32, #tpu.memory_space<vmem>> -> memref<80x32xf32, #tpu.memory_space<vmem>>
      %dma_wait3A_172 = arith.constant 0 : i32
      %dma_wait3A_173 = tpu.memref_slice %arg11[%dma_wait3A_168, %dma_wait3A_172] : memref<5x80xi32, #tpu.memory_space<vmem>> -> memref<1x80xi32, #tpu.memory_space<vmem>>
      %dma_wait3A_174 = tpu.memref_squeeze %dma_wait3A_173 : memref<1x80xi32, #tpu.memory_space<vmem>> -> memref<80xi32, #tpu.memory_space<vmem>>
      %dma_wait3A_175 = arith.constant 0 : i32
      %dma_wait3A_176 = arith.constant 0 : i32
      %dma_wait3A_177 = tpu.memref_slice %arg3[%dma_wait3A_175, %dma_wait3A_176] : memref<10000x32xf32, #tpu.memory_space<hbm>> -> memref<10000x32xf32, #tpu.memory_space<hbm>>
      tpu.wait_indirect_dma semaphore(%arg19 : memref<!tpu.dma_semaphore, #tpu.memory_space<semaphore_mem>>) src(%dma_wait3A_177 : memref<10000x32xf32, #tpu.memory_space<hbm>>) dst(%dma_wait3A_171 : memref<80x32xf32, #tpu.memory_space<vmem>>)
      %dma_wait3A_178 = arith.constant 1 : i32
      %dma_wait3A_179 = arith.constant 80 : i32
      %dma_wait3A_180 = arith.constant 0 : i32
      %dma_wait3A_181 = tpu.memref_slice %arg12[%dma_wait3A_179, %dma_wait3A_180] : memref<400x32xf32, #tpu.memory_space<vmem>> -> memref<80x32xf32, #tpu.memory_space<vmem>>
      %dma_wait3A_182 = arith.constant 0 : i32
      %dma_wait3A_183 = tpu.memref_slice %arg10[%dma_wait3A_178, %dma_wait3A_182] : memref<5x80xi32, #tpu.memory_space<vmem>> -> memref<1x80xi32, #tpu.memory_space<vmem>>
      %dma_wait3A_184 = tpu.memref_squeeze %dma_wait3A_183 : memref<1x80xi32, #tpu.memory_space<vmem>> -> memref<80xi32, #tpu.memory_space<vmem>>
      %dma_wait3A_185 = arith.constant 0 : i32
      %dma_wait3A_186 = arith.constant 0 : i32
      %dma_wait3A_187 = tpu.memref_slice %arg2[%dma_wait3A_185, %dma_wait3A_186] : memref<10000x32xf32, #tpu.memory_space<hbm>> -> memref<10000x32xf32, #tpu.memory_space<hbm>>
      tpu.wait_indirect_dma semaphore(%arg19 : memref<!tpu.dma_semaphore, #tpu.memory_space<semaphore_mem>>) src(%dma_wait3A_187 : memref<10000x32xf32, #tpu.memory_space<hbm>>) dst(%dma_wait3A_181 : memref<80x32xf32, #tpu.memory_space<vmem>>)
      %dma_wait3A_188 = arith.constant 1 : i32
      %dma_wait3A_189 = arith.constant 80 : i32
      %dma_wait3A_190 = arith.constant 0 : i32
      %dma_wait3A_191 = tpu.memref_slice %arg13[%dma_wait3A_189, %dma_wait3A_190] : memref<400x32xf32, #tpu.memory_space<vmem>> -> memref<80x32xf32, #tpu.memory_space<vmem>>
      %dma_wait3A_192 = arith.constant 0 : i32
      %dma_wait3A_193 = tpu.memref_slice %arg11[%dma_wait3A_188, %dma_wait3A_192] : memref<5x80xi32, #tpu.memory_space<vmem>> -> memref<1x80xi32, #tpu.memory_space<vmem>>
      %dma_wait3A_194 = tpu.memref_squeeze %dma_wait3A_193 : memref<1x80xi32, #tpu.memory_space<vmem>> -> memref<80xi32, #tpu.memory_space<vmem>>
      %dma_wait3A_195 = arith.constant 0 : i32
      %dma_wait3A_196 = arith.constant 0 : i32
      %dma_wait3A_197 = tpu.memref_slice %arg3[%dma_wait3A_195, %dma_wait3A_196] : memref<10000x32xf32, #tpu.memory_space<hbm>> -> memref<10000x32xf32, #tpu.memory_space<hbm>>
      tpu.wait_indirect_dma semaphore(%arg19 : memref<!tpu.dma_semaphore, #tpu.memory_space<semaphore_mem>>) src(%dma_wait3A_197 : memref<10000x32xf32, #tpu.memory_space<hbm>>) dst(%dma_wait3A_191 : memref<80x32xf32, #tpu.memory_space<vmem>>)
      %dma_wait3A_198 = arith.constant 2 : i32
      %dma_wait3A_199 = arith.constant 160 : i32
      %dma_wait3A_200 = arith.constant 0 : i32
      %dma_wait3A_201 = tpu.memref_slice %arg12[%dma_wait3A_199, %dma_wait3A_200] : memref<400x32xf32, #tpu.memory_space<vmem>> -> memref<80x32xf32, #tpu.memory_space<vmem>>
      %dma_wait3A_202 = arith.constant 0 : i32
      %dma_wait3A_203 = tpu.memref_slice %arg10[%dma_wait3A_198, %dma_wait3A_202] : memref<5x80xi32, #tpu.memory_space<vmem>> -> memref<1x80xi32, #tpu.memory_space<vmem>>
      %dma_wait3A_204 = tpu.memref_squeeze %dma_wait3A_203 : memref<1x80xi32, #tpu.memory_space<vmem>> -> memref<80xi32, #tpu.memory_space<vmem>>
      %dma_wait3A_205 = arith.constant 0 : i32
      %dma_wait3A_206 = arith.constant 0 : i32
      %dma_wait3A_207 = tpu.memref_slice %arg2[%dma_wait3A_205, %dma_wait3A_206] : memref<10000x32xf32, #tpu.memory_space<hbm>> -> memref<10000x32xf32, #tpu.memory_space<hbm>>
      tpu.wait_indirect_dma semaphore(%arg19 : memref<!tpu.dma_semaphore, #tpu.memory_space<semaphore_mem>>) src(%dma_wait3A_207 : memref<10000x32xf32, #tpu.memory_space<hbm>>) dst(%dma_wait3A_201 : memref<80x32xf32, #tpu.memory_space<vmem>>)
      %dma_wait3A_208 = arith.constant 2 : i32
      %dma_wait3A_209 = arith.constant 160 : i32
      %dma_wait3A_210 = arith.constant 0 : i32
      %dma_wait3A_211 = tpu.memref_slice %arg13[%dma_wait3A_209, %dma_wait3A_210] : memref<400x32xf32, #tpu.memory_space<vmem>> -> memref<80x32xf32, #tpu.memory_space<vmem>>
      %dma_wait3A_212 = arith.constant 0 : i32
      %dma_wait3A_213 = tpu.memref_slice %arg11[%dma_wait3A_208, %dma_wait3A_212] : memref<5x80xi32, #tpu.memory_space<vmem>> -> memref<1x80xi32, #tpu.memory_space<vmem>>
      %dma_wait3A_214 = tpu.memref_squeeze %dma_wait3A_213 : memref<1x80xi32, #tpu.memory_space<vmem>> -> memref<80xi32, #tpu.memory_space<vmem>>
      %dma_wait3A_215 = arith.constant 0 : i32
      %dma_wait3A_216 = arith.constant 0 : i32
      %dma_wait3A_217 = tpu.memref_slice %arg3[%dma_wait3A_215, %dma_wait3A_216] : memref<10000x32xf32, #tpu.memory_space<hbm>> -> memref<10000x32xf32, #tpu.memory_space<hbm>>
      tpu.wait_indirect_dma semaphore(%arg19 : memref<!tpu.dma_semaphore, #tpu.memory_space<semaphore_mem>>) src(%dma_wait3A_217 : memref<10000x32xf32, #tpu.memory_space<hbm>>) dst(%dma_wait3A_211 : memref<80x32xf32, #tpu.memory_space<vmem>>)
      %dma_wait3A_218 = arith.constant 3 : i32
      %dma_wait3A_219 = arith.constant 240 : i32
      %dma_wait3A_220 = arith.constant 0 : i32
      %dma_wait3A_221 = tpu.memref_slice %arg12[%dma_wait3A_219, %dma_wait3A_220] : memref<400x32xf32, #tpu.memory_space<vmem>> -> memref<80x32xf32, #tpu.memory_space<vmem>>
      %dma_wait3A_222 = arith.constant 0 : i32
      %dma_wait3A_223 = tpu.memref_slice %arg10[%dma_wait3A_218, %dma_wait3A_222] : memref<5x80xi32, #tpu.memory_space<vmem>> -> memref<1x80xi32, #tpu.memory_space<vmem>>
      %dma_wait3A_224 = tpu.memref_squeeze %dma_wait3A_223 : memref<1x80xi32, #tpu.memory_space<vmem>> -> memref<80xi32, #tpu.memory_space<vmem>>
      %dma_wait3A_225 = arith.constant 0 : i32
      %dma_wait3A_226 = arith.constant 0 : i32
      %dma_wait3A_227 = tpu.memref_slice %arg2[%dma_wait3A_225, %dma_wait3A_226] : memref<10000x32xf32, #tpu.memory_space<hbm>> -> memref<10000x32xf32, #tpu.memory_space<hbm>>
      tpu.wait_indirect_dma semaphore(%arg19 : memref<!tpu.dma_semaphore, #tpu.memory_space<semaphore_mem>>) src(%dma_wait3A_227 : memref<10000x32xf32, #tpu.memory_space<hbm>>) dst(%dma_wait3A_221 : memref<80x32xf32, #tpu.memory_space<vmem>>)
      %dma_wait3A_228 = arith.constant 3 : i32
      %dma_wait3A_229 = arith.constant 240 : i32
      %dma_wait3A_230 = arith.constant 0 : i32
      %dma_wait3A_231 = tpu.memref_slice %arg13[%dma_wait3A_229, %dma_wait3A_230] : memref<400x32xf32, #tpu.memory_space<vmem>> -> memref<80x32xf32, #tpu.memory_space<vmem>>
      %dma_wait3A_232 = arith.constant 0 : i32
      %dma_wait3A_233 = tpu.memref_slice %arg11[%dma_wait3A_228, %dma_wait3A_232] : memref<5x80xi32, #tpu.memory_space<vmem>> -> memref<1x80xi32, #tpu.memory_space<vmem>>
      %dma_wait3A_234 = tpu.memref_squeeze %dma_wait3A_233 : memref<1x80xi32, #tpu.memory_space<vmem>> -> memref<80xi32, #tpu.memory_space<vmem>>
      %dma_wait3A_235 = arith.constant 0 : i32
      %dma_wait3A_236 = arith.constant 0 : i32
      %dma_wait3A_237 = tpu.memref_slice %arg3[%dma_wait3A_235, %dma_wait3A_236] : memref<10000x32xf32, #tpu.memory_space<hbm>> -> memref<10000x32xf32, #tpu.memory_space<hbm>>
      tpu.wait_indirect_dma semaphore(%arg19 : memref<!tpu.dma_semaphore, #tpu.memory_space<semaphore_mem>>) src(%dma_wait3A_237 : memref<10000x32xf32, #tpu.memory_space<hbm>>) dst(%dma_wait3A_231 : memref<80x32xf32, #tpu.memory_space<vmem>>)
      %dma_wait3A_238 = arith.constant 4 : i32
      %dma_wait3A_239 = arith.constant 320 : i32
      %dma_wait3A_240 = arith.constant 0 : i32
      %dma_wait3A_241 = tpu.memref_slice %arg12[%dma_wait3A_239, %dma_wait3A_240] : memref<400x32xf32, #tpu.memory_space<vmem>> -> memref<80x32xf32, #tpu.memory_space<vmem>>
      %dma_wait3A_242 = arith.constant 0 : i32
      %dma_wait3A_243 = tpu.memref_slice %arg10[%dma_wait3A_238, %dma_wait3A_242] : memref<5x80xi32, #tpu.memory_space<vmem>> -> memref<1x80xi32, #tpu.memory_space<vmem>>
      %dma_wait3A_244 = tpu.memref_squeeze %dma_wait3A_243 : memref<1x80xi32, #tpu.memory_space<vmem>> -> memref<80xi32, #tpu.memory_space<vmem>>
      %dma_wait3A_245 = arith.constant 0 : i32
      %dma_wait3A_246 = arith.constant 0 : i32
      %dma_wait3A_247 = tpu.memref_slice %arg2[%dma_wait3A_245, %dma_wait3A_246] : memref<10000x32xf32, #tpu.memory_space<hbm>> -> memref<10000x32xf32, #tpu.memory_space<hbm>>
      tpu.wait_indirect_dma semaphore(%arg19 : memref<!tpu.dma_semaphore, #tpu.memory_space<semaphore_mem>>) src(%dma_wait3A_247 : memref<10000x32xf32, #tpu.memory_space<hbm>>) dst(%dma_wait3A_241 : memref<80x32xf32, #tpu.memory_space<vmem>>)
      %dma_wait3A_248 = arith.constant 4 : i32
      %dma_wait3A_249 = arith.constant 320 : i32
      %dma_wait3A_250 = arith.constant 0 : i32
      %dma_wait3A_251 = tpu.memref_slice %arg13[%dma_wait3A_249, %dma_wait3A_250] : memref<400x32xf32, #tpu.memory_space<vmem>> -> memref<80x32xf32, #tpu.memory_space<vmem>>
      %dma_wait3A_252 = arith.constant 0 : i32
      %dma_wait3A_253 = tpu.memref_slice %arg11[%dma_wait3A_248, %dma_wait3A_252] : memref<5x80xi32, #tpu.memory_space<vmem>> -> memref<1x80xi32, #tpu.memory_space<vmem>>
      %dma_wait3A_254 = tpu.memref_squeeze %dma_wait3A_253 : memref<1x80xi32, #tpu.memory_space<vmem>> -> memref<80xi32, #tpu.memory_space<vmem>>
      %dma_wait3A_255 = arith.constant 0 : i32
      %dma_wait3A_256 = arith.constant 0 : i32
      %dma_wait3A_257 = tpu.memref_slice %arg3[%dma_wait3A_255, %dma_wait3A_256] : memref<10000x32xf32, #tpu.memory_space<hbm>> -> memref<10000x32xf32, #tpu.memory_space<hbm>>
      tpu.wait_indirect_dma semaphore(%arg19 : memref<!tpu.dma_semaphore, #tpu.memory_space<semaphore_mem>>) src(%dma_wait3A_257 : memref<10000x32xf32, #tpu.memory_space<hbm>>) dst(%dma_wait3A_251 : memref<80x32xf32, #tpu.memory_space<vmem>>)
      %scan3A_258 = arith.constant 0 : i32
      %scan3A_259 = arith.constant 0 : i32
      %scan3A_260 = arith.constant 25 : i32
      %scan3A_261 = arith.addi %scan3A_259, %scan3A_260 : i32
      %scan3A_262 = arith.constant 1 : i32
      scf.for %scan3A_269 = %scan3A_259 to %scan3A_261 step %scan3A_262  : i32 {
        %mul3A_270 = arith.constant 16 : i32
        %mul3A_271 = arith.muli %scan3A_269, %mul3A_270 : i32
        %get3A = arith.index_cast %mul3A_271 : i32 to index
        %get3A_272 = tpu.vector_load %arg15[%get3A] {strides = array<i32>} : memref<400xf32, #tpu.memory_space<vmem>>, vector<16xf32>,
        %get3A_273 = vector.shape_cast %get3A_272 : vector<16xf32> to vector<16xf32>
        %mul3A_274 = arith.constant 16 : i32
        %mul3A_275 = arith.muli %scan3A_269, %mul3A_274 : i32
        %add3A_276 = arith.constant 0 : i32
        %add3A_277 = arith.addi %mul3A_275, %add3A_276 : i32
        %get3A_278 = arith.index_cast %add3A_277 : i32 to index
        %get3A_279 = arith.constant 0 : index
        %get3A_280 = tpu.vector_load %arg12[%get3A_278, %get3A_279] {strides = array<i32>} : memref<400x32xf32, #tpu.memory_space<vmem>>, vector<1x16xf32>,
        %get3A_281 = vector.shape_cast %get3A_280 : vector<1x16xf32> to vector<16xf32>
        %get3A_282 = arith.index_cast %add3A_277 : i32 to index
        %get3A_283 = arith.constant 0 : index
        %get3A_284 = tpu.vector_load %arg13[%get3A_282, %get3A_283] {strides = array<i32>} : memref<400x32xf32, #tpu.memory_space<vmem>>, vector<1x16xf32>,
        %get3A_285 = vector.shape_cast %get3A_284 : vector<1x16xf32> to vector<16xf32>
        %add3A_286 = arith.addf %get3A_281, %get3A_285 : vector<16xf32>
        %get3A_287 = arith.index_cast %add3A_277 : i32 to index
        %get3A_288 = arith.constant 16 : index
        %get3A_289 = tpu.vector_load %arg12[%get3A_287, %get3A_288] {strides = array<i32>} : memref<400x32xf32, #tpu.memory_space<vmem>>, vector<1x16xf32>,
        %get3A_290 = vector.shape_cast %get3A_289 : vector<1x16xf32> to vector<16xf32>
        %get3A_291 = arith.index_cast %add3A_277 : i32 to index
        %get3A_292 = arith.constant 16 : index
        %get3A_293 = tpu.vector_load %arg13[%get3A_291, %get3A_292] {strides = array<i32>} : memref<400x32xf32, #tpu.memory_space<vmem>>, vector<1x16xf32>,
        %get3A_294 = vector.shape_cast %get3A_293 : vector<1x16xf32> to vector<16xf32>
        %add3A_295 = arith.addf %get3A_290, %get3A_294 : vector<16xf32>
        %slice3A = vector.extract_strided_slice %get3A_273 {offsets = [0], sizes = [1], strides = [1]} : vector<16xf32> to vector<1xf32>
        %squeeze3A = vector.extract %slice3A[0] : f32 from vector<1xf32>
        %add3A_296 = vector.broadcast %squeeze3A : f32 to vector<16xf32>
        %add3A_297 = arith.addf %add3A_295, %add3A_296 : vector<16xf32>
        %neg3A = arith.constant 0.000000e+00 : f32
        %neg3A_298 = vector.broadcast %neg3A : f32 to vector<16xf32>
        %neg3A_299 = arith.subf %neg3A_298, %add3A_297 : vector<16xf32>
        %exp3A = math.exp %neg3A_299 : vector<16xf32>
        %add3A_300 = arith.constant 1.000000e+00 : f32
        %add3A_301 = vector.broadcast %add3A_300 : f32 to vector<16xf32>
        %add3A_302 = arith.addf %add3A_301, %exp3A : vector<16xf32>
        %div3A = arith.constant 1.000000e+00 : f32
        %div3A_303 = vector.broadcast %div3A : f32 to vector<16xf32>
        %div3A_304 = arith.divf %div3A_303, %add3A_302 : vector<16xf32>
        %get3A_305 = arith.index_cast %add3A_277 : i32 to index
        %get3A_306 = arith.constant 0 : index
        %get3A_307 = tpu.vector_load %arg14[%get3A_305, %get3A_306] {strides = array<i32>} : memref<400x16xf32, #tpu.memory_space<vmem>>, vector<1x16xf32>,
        %get3A_308 = vector.shape_cast %get3A_307 : vector<1x16xf32> to vector<16xf32>
        %add3A_309 = arith.addf %add3A_286, %get3A_308 : vector<16xf32>
        %max3A = arith.constant 0.000000e+00 : f32
        %max3A_310 = vector.broadcast %max3A : f32 to vector<16xf32>
        %max3A_311 = arith.maximumf %add3A_309, %max3A_310 : vector<16xf32>
        %swap3A = arith.index_cast %add3A_277 : i32 to index
        %swap3A_312 = arith.constant 0 : index
        %swap3A_313 = tpu.vector_load %arg16[%swap3A, %swap3A_312] {strides = array<i32>} : memref<400x16xf32, #tpu.memory_space<vmem>>, vector<1x16xf32>,
        %swap3A_314 = vector.shape_cast %swap3A_313 : vector<1x16xf32> to vector<16xf32>
        %swap3A_315 = vector.shape_cast %max3A_311 : vector<16xf32> to vector<1x16xf32>
        tpu.vector_store %arg16[%swap3A, %swap3A_312], %swap3A_315 {strides = array<i32>} : memref<400x16xf32, #tpu.memory_space<vmem>>, vector<1x16xf32>,
        %slice3A_316 = vector.extract_strided_slice %div3A_304 {offsets = [0], sizes = [1], strides = [1]} : vector<16xf32> to vector<1xf32>
        %squeeze3A_317 = vector.extract %slice3A_316[0] : f32 from vector<1xf32>
        %mul3A_318 = vector.broadcast %squeeze3A_317 : f32 to vector<16xf32>
        %mul3A_319 = arith.mulf %max3A_311, %mul3A_318 : vector<16xf32>
        %swap3A_320 = arith.index_cast %add3A_277 : i32 to index
        %swap3A_321 = arith.constant 0 : index
        %swap3A_322 = tpu.vector_load %arg17[%swap3A_320, %swap3A_321] {strides = array<i32>} : memref<400x16xf32, #tpu.memory_space<vmem>>, vector<1x16xf32>,
        %swap3A_323 = vector.shape_cast %swap3A_322 : vector<1x16xf32> to vector<16xf32>
        %swap3A_324 = vector.shape_cast %mul3A_319 : vector<16xf32> to vector<1x16xf32>
        tpu.vector_store %arg17[%swap3A_320, %swap3A_321], %swap3A_324 {strides = array<i32>} : memref<400x16xf32, #tpu.memory_space<vmem>>, vector<1x16xf32>,
        %mul3A_325 = arith.constant 16 : i32
        %mul3A_326 = arith.muli %scan3A_269, %mul3A_325 : i32
        %add3A_327 = arith.constant 1 : i32
        %add3A_328 = arith.addi %mul3A_326, %add3A_327 : i32
        %get3A_329 = arith.index_cast %add3A_328 : i32 to index
        %get3A_330 = arith.constant 0 : index
        %get3A_331 = tpu.vector_load %arg12[%get3A_329, %get3A_330] {strides = array<i32>} : memref<400x32xf32, #tpu.memory_space<vmem>>, vector<1x16xf32>,
        %get3A_332 = vector.shape_cast %get3A_331 : vector<1x16xf32> to vector<16xf32>
        %get3A_333 = arith.index_cast %add3A_328 : i32 to index
        %get3A_334 = arith.constant 0 : index
        %get3A_335 = tpu.vector_load %arg13[%get3A_333, %get3A_334] {strides = array<i32>} : memref<400x32xf32, #tpu.memory_space<vmem>>, vector<1x16xf32>,
        %get3A_336 = vector.shape_cast %get3A_335 : vector<1x16xf32> to vector<16xf32>
        %add3A_337 = arith.addf %get3A_332, %get3A_336 : vector<16xf32>
        %get3A_338 = arith.index_cast %add3A_328 : i32 to index
        %get3A_339 = arith.constant 16 : index
        %get3A_340 = tpu.vector_load %arg12[%get3A_338, %get3A_339] {strides = array<i32>} : memref<400x32xf32, #tpu.memory_space<vmem>>, vector<1x16xf32>,
        %get3A_341 = vector.shape_cast %get3A_340 : vector<1x16xf32> to vector<16xf32>
        %get3A_342 = arith.index_cast %add3A_328 : i32 to index
        %get3A_343 = arith.constant 16 : index
        %get3A_344 = tpu.vector_load %arg13[%get3A_342, %get3A_343] {strides = array<i32>} : memref<400x32xf32, #tpu.memory_space<vmem>>, vector<1x16xf32>,
        %get3A_345 = vector.shape_cast %get3A_344 : vector<1x16xf32> to vector<16xf32>
        %add3A_346 = arith.addf %get3A_341, %get3A_345 : vector<16xf32>
        %slice3A_347 = vector.extract_strided_slice %get3A_273 {offsets = [1], sizes = [1], strides = [1]} : vector<16xf32> to vector<1xf32>
        %squeeze3A_348 = vector.extract %slice3A_347[0] : f32 from vector<1xf32>
        %add3A_349 = vector.broadcast %squeeze3A_348 : f32 to vector<16xf32>
        %add3A_350 = arith.addf %add3A_346, %add3A_349 : vector<16xf32>
        %neg3A_351 = arith.constant 0.000000e+00 : f32
        %neg3A_352 = vector.broadcast %neg3A_351 : f32 to vector<16xf32>
        %neg3A_353 = arith.subf %neg3A_352, %add3A_350 : vector<16xf32>
        %exp3A_354 = math.exp %neg3A_353 : vector<16xf32>
        %add3A_355 = arith.constant 1.000000e+00 : f32
        %add3A_356 = vector.broadcast %add3A_355 : f32 to vector<16xf32>
        %add3A_357 = arith.addf %add3A_356, %exp3A_354 : vector<16xf32>
        %div3A_358 = arith.constant 1.000000e+00 : f32
        %div3A_359 = vector.broadcast %div3A_358 : f32 to vector<16xf32>
        %div3A_360 = arith.divf %div3A_359, %add3A_357 : vector<16xf32>
        %get3A_361 = arith.index_cast %add3A_328 : i32 to index
        %get3A_362 = arith.constant 0 : index
        %get3A_363 = tpu.vector_load %arg14[%get3A_361, %get3A_362] {strides = array<i32>} : memref<400x16xf32, #tpu.memory_space<vmem>>, vector<1x16xf32>,
        %get3A_364 = vector.shape_cast %get3A_363 : vector<1x16xf32> to vector<16xf32>
        %add3A_365 = arith.addf %add3A_337, %get3A_364 : vector<16xf32>
        %max3A_366 = arith.constant 0.000000e+00 : f32
        %max3A_367 = vector.broadcast %max3A_366 : f32 to vector<16xf32>
        %max3A_368 = arith.maximumf %add3A_365, %max3A_367 : vector<16xf32>
        %swap3A_369 = arith.index_cast %add3A_328 : i32 to index
        %swap3A_370 = arith.constant 0 : index
        %swap3A_371 = tpu.vector_load %arg16[%swap3A_369, %swap3A_370] {strides = array<i32>} : memref<400x16xf32, #tpu.memory_space<vmem>>, vector<1x16xf32>,
        %swap3A_372 = vector.shape_cast %swap3A_371 : vector<1x16xf32> to vector<16xf32>
        %swap3A_373 = vector.shape_cast %max3A_368 : vector<16xf32> to vector<1x16xf32>
        tpu.vector_store %arg16[%swap3A_369, %swap3A_370], %swap3A_373 {strides = array<i32>} : memref<400x16xf32, #tpu.memory_space<vmem>>, vector<1x16xf32>,
        %slice3A_374 = vector.extract_strided_slice %div3A_360 {offsets = [0], sizes = [1], strides = [1]} : vector<16xf32> to vector<1xf32>
        %squeeze3A_375 = vector.extract %slice3A_374[0] : f32 from vector<1xf32>
        %mul3A_376 = vector.broadcast %squeeze3A_375 : f32 to vector<16xf32>
        %mul3A_377 = arith.mulf %max3A_368, %mul3A_376 : vector<16xf32>
        %swap3A_378 = arith.index_cast %add3A_328 : i32 to index
        %swap3A_379 = arith.constant 0 : index
        %swap3A_380 = tpu.vector_load %arg17[%swap3A_378, %swap3A_379] {strides = array<i32>} : memref<400x16xf32, #tpu.memory_space<vmem>>, vector<1x16xf32>,
        %swap3A_381 = vector.shape_cast %swap3A_380 : vector<1x16xf32> to vector<16xf32>
        %swap3A_382 = vector.shape_cast %mul3A_377 : vector<16xf32> to vector<1x16xf32>
        tpu.vector_store %arg17[%swap3A_378, %swap3A_379], %swap3A_382 {strides = array<i32>} : memref<400x16xf32, #tpu.memory_space<vmem>>, vector<1x16xf32>,
        %mul3A_383 = arith.constant 16 : i32
        %mul3A_384 = arith.muli %scan3A_269, %mul3A_383 : i32
        %add3A_385 = arith.constant 2 : i32
        %add3A_386 = arith.addi %mul3A_384, %add3A_385 : i32
        %get3A_387 = arith.index_cast %add3A_386 : i32 to index
        %get3A_388 = arith.constant 0 : index
        %get3A_389 = tpu.vector_load %arg12[%get3A_387, %get3A_388] {strides = array<i32>} : memref<400x32xf32, #tpu.memory_space<vmem>>, vector<1x16xf32>,
        %get3A_390 = vector.shape_cast %get3A_389 : vector<1x16xf32> to vector<16xf32>
        %get3A_391 = arith.index_cast %add3A_386 : i32 to index
        %get3A_392 = arith.constant 0 : index
        %get3A_393 = tpu.vector_load %arg13[%get3A_391, %get3A_392] {strides = array<i32>} : memref<400x32xf32, #tpu.memory_space<vmem>>, vector<1x16xf32>,
        %get3A_394 = vector.shape_cast %get3A_393 : vector<1x16xf32> to vector<16xf32>
        %add3A_395 = arith.addf %get3A_390, %get3A_394 : vector<16xf32>
        %get3A_396 = arith.index_cast %add3A_386 : i32 to index
        %get3A_397 = arith.constant 16 : index
        %get3A_398 = tpu.vector_load %arg12[%get3A_396, %get3A_397] {strides = array<i32>} : memref<400x32xf32, #tpu.memory_space<vmem>>, vector<1x16xf32>,
        %get3A_399 = vector.shape_cast %get3A_398 : vector<1x16xf32> to vector<16xf32>
        %get3A_400 = arith.index_cast %add3A_386 : i32 to index
        %get3A_401 = arith.constant 16 : index
        %get3A_402 = tpu.vector_load %arg13[%get3A_400, %get3A_401] {strides = array<i32>} : memref<400x32xf32, #tpu.memory_space<vmem>>, vector<1x16xf32>,
        %get3A_403 = vector.shape_cast %get3A_402 : vector<1x16xf32> to vector<16xf32>
        %add3A_404 = arith.addf %get3A_399, %get3A_403 : vector<16xf32>
        %slice3A_405 = vector.extract_strided_slice %get3A_273 {offsets = [2], sizes = [1], strides = [1]} : vector<16xf32> to vector<1xf32>
        %squeeze3A_406 = vector.extract %slice3A_405[0] : f32 from vector<1xf32>
        %add3A_407 = vector.broadcast %squeeze3A_406 : f32 to vector<16xf32>
        %add3A_408 = arith.addf %add3A_404, %add3A_407 : vector<16xf32>
        %neg3A_409 = arith.constant 0.000000e+00 : f32
        %neg3A_410 = vector.broadcast %neg3A_409 : f32 to vector<16xf32>
        %neg3A_411 = arith.subf %neg3A_410, %add3A_408 : vector<16xf32>
        %exp3A_412 = math.exp %neg3A_411 : vector<16xf32>
        %add3A_413 = arith.constant 1.000000e+00 : f32
        %add3A_414 = vector.broadcast %add3A_413 : f32 to vector<16xf32>
        %add3A_415 = arith.addf %add3A_414, %exp3A_412 : vector<16xf32>
        %div3A_416 = arith.constant 1.000000e+00 : f32
        %div3A_417 = vector.broadcast %div3A_416 : f32 to vector<16xf32>
        %div3A_418 = arith.divf %div3A_417, %add3A_415 : vector<16xf32>
        %get3A_419 = arith.index_cast %add3A_386 : i32 to index
        %get3A_420 = arith.constant 0 : index
        %get3A_421 = tpu.vector_load %arg14[%get3A_419, %get3A_420] {strides = array<i32>} : memref<400x16xf32, #tpu.memory_space<vmem>>, vector<1x16xf32>,
        %get3A_422 = vector.shape_cast %get3A_421 : vector<1x16xf32> to vector<16xf32>
        %add3A_423 = arith.addf %add3A_395, %get3A_422 : vector<16xf32>
        %max3A_424 = arith.constant 0.000000e+00 : f32
        %max3A_425 = vector.broadcast %max3A_424 : f32 to vector<16xf32>
        %max3A_426 = arith.maximumf %add3A_423, %max3A_425 : vector<16xf32>
        %swap3A_427 = arith.index_cast %add3A_386 : i32 to index
        %swap3A_428 = arith.constant 0 : index
        %swap3A_429 = tpu.vector_load %arg16[%swap3A_427, %swap3A_428] {strides = array<i32>} : memref<400x16xf32, #tpu.memory_space<vmem>>, vector<1x16xf32>,
        %swap3A_430 = vector.shape_cast %swap3A_429 : vector<1x16xf32> to vector<16xf32>
        %swap3A_431 = vector.shape_cast %max3A_426 : vector<16xf32> to vector<1x16xf32>
        tpu.vector_store %arg16[%swap3A_427, %swap3A_428], %swap3A_431 {strides = array<i32>} : memref<400x16xf32, #tpu.memory_space<vmem>>, vector<1x16xf32>,
        %slice3A_432 = vector.extract_strided_slice %div3A_418 {offsets = [0], sizes = [1], strides = [1]} : vector<16xf32> to vector<1xf32>
        %squeeze3A_433 = vector.extract %slice3A_432[0] : f32 from vector<1xf32>
        %mul3A_434 = vector.broadcast %squeeze3A_433 : f32 to vector<16xf32>
        %mul3A_435 = arith.mulf %max3A_426, %mul3A_434 : vector<16xf32>
        %swap3A_436 = arith.index_cast %add3A_386 : i32 to index
        %swap3A_437 = arith.constant 0 : index
        %swap3A_438 = tpu.vector_load %arg17[%swap3A_436, %swap3A_437] {strides = array<i32>} : memref<400x16xf32, #tpu.memory_space<vmem>>, vector<1x16xf32>,
        %swap3A_439 = vector.shape_cast %swap3A_438 : vector<1x16xf32> to vector<16xf32>
        %swap3A_440 = vector.shape_cast %mul3A_435 : vector<16xf32> to vector<1x16xf32>
        tpu.vector_store %arg17[%swap3A_436, %swap3A_437], %swap3A_440 {strides = array<i32>} : memref<400x16xf32, #tpu.memory_space<vmem>>, vector<1x16xf32>,
        %mul3A_441 = arith.constant 16 : i32
        %mul3A_442 = arith.muli %scan3A_269, %mul3A_441 : i32
        %add3A_443 = arith.constant 3 : i32
        %add3A_444 = arith.addi %mul3A_442, %add3A_443 : i32
        %get3A_445 = arith.index_cast %add3A_444 : i32 to index
        %get3A_446 = arith.constant 0 : index
        %get3A_447 = tpu.vector_load %arg12[%get3A_445, %get3A_446] {strides = array<i32>} : memref<400x32xf32, #tpu.memory_space<vmem>>, vector<1x16xf32>,
        %get3A_448 = vector.shape_cast %get3A_447 : vector<1x16xf32> to vector<16xf32>
        %get3A_449 = arith.index_cast %add3A_444 : i32 to index
        %get3A_450 = arith.constant 0 : index
        %get3A_451 = tpu.vector_load %arg13[%get3A_449, %get3A_450] {strides = array<i32>} : memref<400x32xf32, #tpu.memory_space<vmem>>, vector<1x16xf32>,
        %get3A_452 = vector.shape_cast %get3A_451 : vector<1x16xf32> to vector<16xf32>
        %add3A_453 = arith.addf %get3A_448, %get3A_452 : vector<16xf32>
        %get3A_454 = arith.index_cast %add3A_444 : i32 to index
        %get3A_455 = arith.constant 16 : index
        %get3A_456 = tpu.vector_load %arg12[%get3A_454, %get3A_455] {strides = array<i32>} : memref<400x32xf32, #tpu.memory_space<vmem>>, vector<1x16xf32>,
        %get3A_457 = vector.shape_cast %get3A_456 : vector<1x16xf32> to vector<16xf32>
        %get3A_458 = arith.index_cast %add3A_444 : i32 to index
        %get3A_459 = arith.constant 16 : index
        %get3A_460 = tpu.vector_load %arg13[%get3A_458, %get3A_459] {strides = array<i32>} : memref<400x32xf32, #tpu.memory_space<vmem>>, vector<1x16xf32>,
        %get3A_461 = vector.shape_cast %get3A_460 : vector<1x16xf32> to vector<16xf32>
        %add3A_462 = arith.addf %get3A_457, %get3A_461 : vector<16xf32>
        %slice3A_463 = vector.extract_strided_slice %get3A_273 {offsets = [3], sizes = [1], strides = [1]} : vector<16xf32> to vector<1xf32>
        %squeeze3A_464 = vector.extract %slice3A_463[0] : f32 from vector<1xf32>
        %add3A_465 = vector.broadcast %squeeze3A_464 : f32 to vector<16xf32>
        %add3A_466 = arith.addf %add3A_462, %add3A_465 : vector<16xf32>
        %neg3A_467 = arith.constant 0.000000e+00 : f32
        %neg3A_468 = vector.broadcast %neg3A_467 : f32 to vector<16xf32>
        %neg3A_469 = arith.subf %neg3A_468, %add3A_466 : vector<16xf32>
        %exp3A_470 = math.exp %neg3A_469 : vector<16xf32>
        %add3A_471 = arith.constant 1.000000e+00 : f32
        %add3A_472 = vector.broadcast %add3A_471 : f32 to vector<16xf32>
        %add3A_473 = arith.addf %add3A_472, %exp3A_470 : vector<16xf32>
        %div3A_474 = arith.constant 1.000000e+00 : f32
        %div3A_475 = vector.broadcast %div3A_474 : f32 to vector<16xf32>
        %div3A_476 = arith.divf %div3A_475, %add3A_473 : vector<16xf32>
        %get3A_477 = arith.index_cast %add3A_444 : i32 to index
        %get3A_478 = arith.constant 0 : index
        %get3A_479 = tpu.vector_load %arg14[%get3A_477, %get3A_478] {strides = array<i32>} : memref<400x16xf32, #tpu.memory_space<vmem>>, vector<1x16xf32>,
        %get3A_480 = vector.shape_cast %get3A_479 : vector<1x16xf32> to vector<16xf32>
        %add3A_481 = arith.addf %add3A_453, %get3A_480 : vector<16xf32>
        %max3A_482 = arith.constant 0.000000e+00 : f32
        %max3A_483 = vector.broadcast %max3A_482 : f32 to vector<16xf32>
        %max3A_484 = arith.maximumf %add3A_481, %max3A_483 : vector<16xf32>
        %swap3A_485 = arith.index_cast %add3A_444 : i32 to index
        %swap3A_486 = arith.constant 0 : index
        %swap3A_487 = tpu.vector_load %arg16[%swap3A_485, %swap3A_486] {strides = array<i32>} : memref<400x16xf32, #tpu.memory_space<vmem>>, vector<1x16xf32>,
        %swap3A_488 = vector.shape_cast %swap3A_487 : vector<1x16xf32> to vector<16xf32>
        %swap3A_489 = vector.shape_cast %max3A_484 : vector<16xf32> to vector<1x16xf32>
        tpu.vector_store %arg16[%swap3A_485, %swap3A_486], %swap3A_489 {strides = array<i32>} : memref<400x16xf32, #tpu.memory_space<vmem>>, vector<1x16xf32>,
        %slice3A_490 = vector.extract_strided_slice %div3A_476 {offsets = [0], sizes = [1], strides = [1]} : vector<16xf32> to vector<1xf32>
        %squeeze3A_491 = vector.extract %slice3A_490[0] : f32 from vector<1xf32>
        %mul3A_492 = vector.broadcast %squeeze3A_491 : f32 to vector<16xf32>
        %mul3A_493 = arith.mulf %max3A_484, %mul3A_492 : vector<16xf32>
        %swap3A_494 = arith.index_cast %add3A_444 : i32 to index
        %swap3A_495 = arith.constant 0 : index
        %swap3A_496 = tpu.vector_load %arg17[%swap3A_494, %swap3A_495] {strides = array<i32>} : memref<400x16xf32, #tpu.memory_space<vmem>>, vector<1x16xf32>,
        %swap3A_497 = vector.shape_cast %swap3A_496 : vector<1x16xf32> to vector<16xf32>
        %swap3A_498 = vector.shape_cast %mul3A_493 : vector<16xf32> to vector<1x16xf32>
        tpu.vector_store %arg17[%swap3A_494, %swap3A_495], %swap3A_498 {strides = array<i32>} : memref<400x16xf32, #tpu.memory_space<vmem>>, vector<1x16xf32>,
        %mul3A_499 = arith.constant 16 : i32
        %mul3A_500 = arith.muli %scan3A_269, %mul3A_499 : i32
        %add3A_501 = arith.constant 4 : i32
        %add3A_502 = arith.addi %mul3A_500, %add3A_501 : i32
        %get3A_503 = arith.index_cast %add3A_502 : i32 to index
        %get3A_504 = arith.constant 0 : index
        %get3A_505 = tpu.vector_load %arg12[%get3A_503, %get3A_504] {strides = array<i32>} : memref<400x32xf32, #tpu.memory_space<vmem>>, vector<1x16xf32>,
        %get3A_506 = vector.shape_cast %get3A_505 : vector<1x16xf32> to vector<16xf32>
        %get3A_507 = arith.index_cast %add3A_502 : i32 to index
        %get3A_508 = arith.constant 0 : index
        %get3A_509 = tpu.vector_load %arg13[%get3A_507, %get3A_508] {strides = array<i32>} : memref<400x32xf32, #tpu.memory_space<vmem>>, vector<1x16xf32>,
        %get3A_510 = vector.shape_cast %get3A_509 : vector<1x16xf32> to vector<16xf32>
        %add3A_511 = arith.addf %get3A_506, %get3A_510 : vector<16xf32>
        %get3A_512 = arith.index_cast %add3A_502 : i32 to index
        %get3A_513 = arith.constant 16 : index
        %get3A_514 = tpu.vector_load %arg12[%get3A_512, %get3A_513] {strides = array<i32>} : memref<400x32xf32, #tpu.memory_space<vmem>>, vector<1x16xf32>,
        %get3A_515 = vector.shape_cast %get3A_514 : vector<1x16xf32> to vector<16xf32>
        %get3A_516 = arith.index_cast %add3A_502 : i32 to index
        %get3A_517 = arith.constant 16 : index
        %get3A_518 = tpu.vector_load %arg13[%get3A_516, %get3A_517] {strides = array<i32>} : memref<400x32xf32, #tpu.memory_space<vmem>>, vector<1x16xf32>,
        %get3A_519 = vector.shape_cast %get3A_518 : vector<1x16xf32> to vector<16xf32>
        %add3A_520 = arith.addf %get3A_515, %get3A_519 : vector<16xf32>
        %slice3A_521 = vector.extract_strided_slice %get3A_273 {offsets = [4], sizes = [1], strides = [1]} : vector<16xf32> to vector<1xf32>
        %squeeze3A_522 = vector.extract %slice3A_521[0] : f32 from vector<1xf32>
        %add3A_523 = vector.broadcast %squeeze3A_522 : f32 to vector<16xf32>
        %add3A_524 = arith.addf %add3A_520, %add3A_523 : vector<16xf32>
        %neg3A_525 = arith.constant 0.000000e+00 : f32
        %neg3A_526 = vector.broadcast %neg3A_525 : f32 to vector<16xf32>
        %neg3A_527 = arith.subf %neg3A_526, %add3A_524 : vector<16xf32>
        %exp3A_528 = math.exp %neg3A_527 : vector<16xf32>
        %add3A_529 = arith.constant 1.000000e+00 : f32
        %add3A_530 = vector.broadcast %add3A_529 : f32 to vector<16xf32>
        %add3A_531 = arith.addf %add3A_530, %exp3A_528 : vector<16xf32>
        %div3A_532 = arith.constant 1.000000e+00 : f32
        %div3A_533 = vector.broadcast %div3A_532 : f32 to vector<16xf32>
        %div3A_534 = arith.divf %div3A_533, %add3A_531 : vector<16xf32>
        %get3A_535 = arith.index_cast %add3A_502 : i32 to index
        %get3A_536 = arith.constant 0 : index
        %get3A_537 = tpu.vector_load %arg14[%get3A_535, %get3A_536] {strides = array<i32>} : memref<400x16xf32, #tpu.memory_space<vmem>>, vector<1x16xf32>,
        %get3A_538 = vector.shape_cast %get3A_537 : vector<1x16xf32> to vector<16xf32>
        %add3A_539 = arith.addf %add3A_511, %get3A_538 : vector<16xf32>
        %max3A_540 = arith.constant 0.000000e+00 : f32
        %max3A_541 = vector.broadcast %max3A_540 : f32 to vector<16xf32>
        %max3A_542 = arith.maximumf %add3A_539, %max3A_541 : vector<16xf32>
        %swap3A_543 = arith.index_cast %add3A_502 : i32 to index
        %swap3A_544 = arith.constant 0 : index
        %swap3A_545 = tpu.vector_load %arg16[%swap3A_543, %swap3A_544] {strides = array<i32>} : memref<400x16xf32, #tpu.memory_space<vmem>>, vector<1x16xf32>,
        %swap3A_546 = vector.shape_cast %swap3A_545 : vector<1x16xf32> to vector<16xf32>
        %swap3A_547 = vector.shape_cast %max3A_542 : vector<16xf32> to vector<1x16xf32>
        tpu.vector_store %arg16[%swap3A_543, %swap3A_544], %swap3A_547 {strides = array<i32>} : memref<400x16xf32, #tpu.memory_space<vmem>>, vector<1x16xf32>,
        %slice3A_548 = vector.extract_strided_slice %div3A_534 {offsets = [0], sizes = [1], strides = [1]} : vector<16xf32> to vector<1xf32>
        %squeeze3A_549 = vector.extract %slice3A_548[0] : f32 from vector<1xf32>
        %mul3A_550 = vector.broadcast %squeeze3A_549 : f32 to vector<16xf32>
        %mul3A_551 = arith.mulf %max3A_542, %mul3A_550 : vector<16xf32>
        %swap3A_552 = arith.index_cast %add3A_502 : i32 to index
        %swap3A_553 = arith.constant 0 : index
        %swap3A_554 = tpu.vector_load %arg17[%swap3A_552, %swap3A_553] {strides = array<i32>} : memref<400x16xf32, #tpu.memory_space<vmem>>, vector<1x16xf32>,
        %swap3A_555 = vector.shape_cast %swap3A_554 : vector<1x16xf32> to vector<16xf32>
        %swap3A_556 = vector.shape_cast %mul3A_551 : vector<16xf32> to vector<1x16xf32>
        tpu.vector_store %arg17[%swap3A_552, %swap3A_553], %swap3A_556 {strides = array<i32>} : memref<400x16xf32, #tpu.memory_space<vmem>>, vector<1x16xf32>,
        %mul3A_557 = arith.constant 16 : i32
        %mul3A_558 = arith.muli %scan3A_269, %mul3A_557 : i32
        %add3A_559 = arith.constant 5 : i32
        %add3A_560 = arith.addi %mul3A_558, %add3A_559 : i32
        %get3A_561 = arith.index_cast %add3A_560 : i32 to index
        %get3A_562 = arith.constant 0 : index
        %get3A_563 = tpu.vector_load %arg12[%get3A_561, %get3A_562] {strides = array<i32>} : memref<400x32xf32, #tpu.memory_space<vmem>>, vector<1x16xf32>,
        %get3A_564 = vector.shape_cast %get3A_563 : vector<1x16xf32> to vector<16xf32>
        %get3A_565 = arith.index_cast %add3A_560 : i32 to index
        %get3A_566 = arith.constant 0 : index
        %get3A_567 = tpu.vector_load %arg13[%get3A_565, %get3A_566] {strides = array<i32>} : memref<400x32xf32, #tpu.memory_space<vmem>>, vector<1x16xf32>,
        %get3A_568 = vector.shape_cast %get3A_567 : vector<1x16xf32> to vector<16xf32>
        %add3A_569 = arith.addf %get3A_564, %get3A_568 : vector<16xf32>
        %get3A_570 = arith.index_cast %add3A_560 : i32 to index
        %get3A_571 = arith.constant 16 : index
        %get3A_572 = tpu.vector_load %arg12[%get3A_570, %get3A_571] {strides = array<i32>} : memref<400x32xf32, #tpu.memory_space<vmem>>, vector<1x16xf32>,
        %get3A_573 = vector.shape_cast %get3A_572 : vector<1x16xf32> to vector<16xf32>
        %get3A_574 = arith.index_cast %add3A_560 : i32 to index
        %get3A_575 = arith.constant 16 : index
        %get3A_576 = tpu.vector_load %arg13[%get3A_574, %get3A_575] {strides = array<i32>} : memref<400x32xf32, #tpu.memory_space<vmem>>, vector<1x16xf32>,
        %get3A_577 = vector.shape_cast %get3A_576 : vector<1x16xf32> to vector<16xf32>
        %add3A_578 = arith.addf %get3A_573, %get3A_577 : vector<16xf32>
        %slice3A_579 = vector.extract_strided_slice %get3A_273 {offsets = [5], sizes = [1], strides = [1]} : vector<16xf32> to vector<1xf32>
        %squeeze3A_580 = vector.extract %slice3A_579[0] : f32 from vector<1xf32>
        %add3A_581 = vector.broadcast %squeeze3A_580 : f32 to vector<16xf32>
        %add3A_582 = arith.addf %add3A_578, %add3A_581 : vector<16xf32>
        %neg3A_583 = arith.constant 0.000000e+00 : f32
        %neg3A_584 = vector.broadcast %neg3A_583 : f32 to vector<16xf32>
        %neg3A_585 = arith.subf %neg3A_584, %add3A_582 : vector<16xf32>
        %exp3A_586 = math.exp %neg3A_585 : vector<16xf32>
        %add3A_587 = arith.constant 1.000000e+00 : f32
        %add3A_588 = vector.broadcast %add3A_587 : f32 to vector<16xf32>
        %add3A_589 = arith.addf %add3A_588, %exp3A_586 : vector<16xf32>
        %div3A_590 = arith.constant 1.000000e+00 : f32
        %div3A_591 = vector.broadcast %div3A_590 : f32 to vector<16xf32>
        %div3A_592 = arith.divf %div3A_591, %add3A_589 : vector<16xf32>
        %get3A_593 = arith.index_cast %add3A_560 : i32 to index
        %get3A_594 = arith.constant 0 : index
        %get3A_595 = tpu.vector_load %arg14[%get3A_593, %get3A_594] {strides = array<i32>} : memref<400x16xf32, #tpu.memory_space<vmem>>, vector<1x16xf32>,
        %get3A_596 = vector.shape_cast %get3A_595 : vector<1x16xf32> to vector<16xf32>
        %add3A_597 = arith.addf %add3A_569, %get3A_596 : vector<16xf32>
        %max3A_598 = arith.constant 0.000000e+00 : f32
        %max3A_599 = vector.broadcast %max3A_598 : f32 to vector<16xf32>
        %max3A_600 = arith.maximumf %add3A_597, %max3A_599 : vector<16xf32>
        %swap3A_601 = arith.index_cast %add3A_560 : i32 to index
        %swap3A_602 = arith.constant 0 : index
        %swap3A_603 = tpu.vector_load %arg16[%swap3A_601, %swap3A_602] {strides = array<i32>} : memref<400x16xf32, #tpu.memory_space<vmem>>, vector<1x16xf32>,
        %swap3A_604 = vector.shape_cast %swap3A_603 : vector<1x16xf32> to vector<16xf32>
        %swap3A_605 = vector.shape_cast %max3A_600 : vector<16xf32> to vector<1x16xf32>
        tpu.vector_store %arg16[%swap3A_601, %swap3A_602], %swap3A_605 {strides = array<i32>} : memref<400x16xf32, #tpu.memory_space<vmem>>, vector<1x16xf32>,
        %slice3A_606 = vector.extract_strided_slice %div3A_592 {offsets = [0], sizes = [1], strides = [1]} : vector<16xf32> to vector<1xf32>
        %squeeze3A_607 = vector.extract %slice3A_606[0] : f32 from vector<1xf32>
        %mul3A_608 = vector.broadcast %squeeze3A_607 : f32 to vector<16xf32>
        %mul3A_609 = arith.mulf %max3A_600, %mul3A_608 : vector<16xf32>
        %swap3A_610 = arith.index_cast %add3A_560 : i32 to index
        %swap3A_611 = arith.constant 0 : index
        %swap3A_612 = tpu.vector_load %arg17[%swap3A_610, %swap3A_611] {strides = array<i32>} : memref<400x16xf32, #tpu.memory_space<vmem>>, vector<1x16xf32>,
        %swap3A_613 = vector.shape_cast %swap3A_612 : vector<1x16xf32> to vector<16xf32>
        %swap3A_614 = vector.shape_cast %mul3A_609 : vector<16xf32> to vector<1x16xf32>
        tpu.vector_store %arg17[%swap3A_610, %swap3A_611], %swap3A_614 {strides = array<i32>} : memref<400x16xf32, #tpu.memory_space<vmem>>, vector<1x16xf32>,
        %mul3A_615 = arith.constant 16 : i32
        %mul3A_616 = arith.muli %scan3A_269, %mul3A_615 : i32
        %add3A_617 = arith.constant 6 : i32
        %add3A_618 = arith.addi %mul3A_616, %add3A_617 : i32
        %get3A_619 = arith.index_cast %add3A_618 : i32 to index
        %get3A_620 = arith.constant 0 : index
        %get3A_621 = tpu.vector_load %arg12[%get3A_619, %get3A_620] {strides = array<i32>} : memref<400x32xf32, #tpu.memory_space<vmem>>, vector<1x16xf32>,
        %get3A_622 = vector.shape_cast %get3A_621 : vector<1x16xf32> to vector<16xf32>
        %get3A_623 = arith.index_cast %add3A_618 : i32 to index
        %get3A_624 = arith.constant 0 : index
        %get3A_625 = tpu.vector_load %arg13[%get3A_623, %get3A_624] {strides = array<i32>} : memref<400x32xf32, #tpu.memory_space<vmem>>, vector<1x16xf32>,
        %get3A_626 = vector.shape_cast %get3A_625 : vector<1x16xf32> to vector<16xf32>
        %add3A_627 = arith.addf %get3A_622, %get3A_626 : vector<16xf32>
        %get3A_628 = arith.index_cast %add3A_618 : i32 to index
        %get3A_629 = arith.constant 16 : index
        %get3A_630 = tpu.vector_load %arg12[%get3A_628, %get3A_629] {strides = array<i32>} : memref<400x32xf32, #tpu.memory_space<vmem>>, vector<1x16xf32>,
        %get3A_631 = vector.shape_cast %get3A_630 : vector<1x16xf32> to vector<16xf32>
        %get3A_632 = arith.index_cast %add3A_618 : i32 to index
        %get3A_633 = arith.constant 16 : index
        %get3A_634 = tpu.vector_load %arg13[%get3A_632, %get3A_633] {strides = array<i32>} : memref<400x32xf32, #tpu.memory_space<vmem>>, vector<1x16xf32>,
        %get3A_635 = vector.shape_cast %get3A_634 : vector<1x16xf32> to vector<16xf32>
        %add3A_636 = arith.addf %get3A_631, %get3A_635 : vector<16xf32>
        %slice3A_637 = vector.extract_strided_slice %get3A_273 {offsets = [6], sizes = [1], strides = [1]} : vector<16xf32> to vector<1xf32>
        %squeeze3A_638 = vector.extract %slice3A_637[0] : f32 from vector<1xf32>
        %add3A_639 = vector.broadcast %squeeze3A_638 : f32 to vector<16xf32>
        %add3A_640 = arith.addf %add3A_636, %add3A_639 : vector<16xf32>
        %neg3A_641 = arith.constant 0.000000e+00 : f32
        %neg3A_642 = vector.broadcast %neg3A_641 : f32 to vector<16xf32>
        %neg3A_643 = arith.subf %neg3A_642, %add3A_640 : vector<16xf32>
        %exp3A_644 = math.exp %neg3A_643 : vector<16xf32>
        %add3A_645 = arith.constant 1.000000e+00 : f32
        %add3A_646 = vector.broadcast %add3A_645 : f32 to vector<16xf32>
        %add3A_647 = arith.addf %add3A_646, %exp3A_644 : vector<16xf32>
        %div3A_648 = arith.constant 1.000000e+00 : f32
        %div3A_649 = vector.broadcast %div3A_648 : f32 to vector<16xf32>
        %div3A_650 = arith.divf %div3A_649, %add3A_647 : vector<16xf32>
        %get3A_651 = arith.index_cast %add3A_618 : i32 to index
        %get3A_652 = arith.constant 0 : index
        %get3A_653 = tpu.vector_load %arg14[%get3A_651, %get3A_652] {strides = array<i32>} : memref<400x16xf32, #tpu.memory_space<vmem>>, vector<1x16xf32>,
        %get3A_654 = vector.shape_cast %get3A_653 : vector<1x16xf32> to vector<16xf32>
        %add3A_655 = arith.addf %add3A_627, %get3A_654 : vector<16xf32>
        %max3A_656 = arith.constant 0.000000e+00 : f32
        %max3A_657 = vector.broadcast %max3A_656 : f32 to vector<16xf32>
        %max3A_658 = arith.maximumf %add3A_655, %max3A_657 : vector<16xf32>
        %swap3A_659 = arith.index_cast %add3A_618 : i32 to index
        %swap3A_660 = arith.constant 0 : index
        %swap3A_661 = tpu.vector_load %arg16[%swap3A_659, %swap3A_660] {strides = array<i32>} : memref<400x16xf32, #tpu.memory_space<vmem>>, vector<1x16xf32>,
        %swap3A_662 = vector.shape_cast %swap3A_661 : vector<1x16xf32> to vector<16xf32>
        %swap3A_663 = vector.shape_cast %max3A_658 : vector<16xf32> to vector<1x16xf32>
        tpu.vector_store %arg16[%swap3A_659, %swap3A_660], %swap3A_663 {strides = array<i32>} : memref<400x16xf32, #tpu.memory_space<vmem>>, vector<1x16xf32>,
        %slice3A_664 = vector.extract_strided_slice %div3A_650 {offsets = [0], sizes = [1], strides = [1]} : vector<16xf32> to vector<1xf32>
        %squeeze3A_665 = vector.extract %slice3A_664[0] : f32 from vector<1xf32>
        %mul3A_666 = vector.broadcast %squeeze3A_665 : f32 to vector<16xf32>
        %mul3A_667 = arith.mulf %max3A_658, %mul3A_666 : vector<16xf32>
        %swap3A_668 = arith.index_cast %add3A_618 : i32 to index
        %swap3A_669 = arith.constant 0 : index
        %swap3A_670 = tpu.vector_load %arg17[%swap3A_668, %swap3A_669] {strides = array<i32>} : memref<400x16xf32, #tpu.memory_space<vmem>>, vector<1x16xf32>,
        %swap3A_671 = vector.shape_cast %swap3A_670 : vector<1x16xf32> to vector<16xf32>
        %swap3A_672 = vector.shape_cast %mul3A_667 : vector<16xf32> to vector<1x16xf32>
        tpu.vector_store %arg17[%swap3A_668, %swap3A_669], %swap3A_672 {strides = array<i32>} : memref<400x16xf32, #tpu.memory_space<vmem>>, vector<1x16xf32>,
        %mul3A_673 = arith.constant 16 : i32
        %mul3A_674 = arith.muli %scan3A_269, %mul3A_673 : i32
        %add3A_675 = arith.constant 7 : i32
        %add3A_676 = arith.addi %mul3A_674, %add3A_675 : i32
        %get3A_677 = arith.index_cast %add3A_676 : i32 to index
        %get3A_678 = arith.constant 0 : index
        %get3A_679 = tpu.vector_load %arg12[%get3A_677, %get3A_678] {strides = array<i32>} : memref<400x32xf32, #tpu.memory_space<vmem>>, vector<1x16xf32>,
        %get3A_680 = vector.shape_cast %get3A_679 : vector<1x16xf32> to vector<16xf32>
        %get3A_681 = arith.index_cast %add3A_676 : i32 to index
        %get3A_682 = arith.constant 0 : index
        %get3A_683 = tpu.vector_load %arg13[%get3A_681, %get3A_682] {strides = array<i32>} : memref<400x32xf32, #tpu.memory_space<vmem>>, vector<1x16xf32>,
        %get3A_684 = vector.shape_cast %get3A_683 : vector<1x16xf32> to vector<16xf32>
        %add3A_685 = arith.addf %get3A_680, %get3A_684 : vector<16xf32>
        %get3A_686 = arith.index_cast %add3A_676 : i32 to index
        %get3A_687 = arith.constant 16 : index
        %get3A_688 = tpu.vector_load %arg12[%get3A_686, %get3A_687] {strides = array<i32>} : memref<400x32xf32, #tpu.memory_space<vmem>>, vector<1x16xf32>,
        %get3A_689 = vector.shape_cast %get3A_688 : vector<1x16xf32> to vector<16xf32>
        %get3A_690 = arith.index_cast %add3A_676 : i32 to index
        %get3A_691 = arith.constant 16 : index
        %get3A_692 = tpu.vector_load %arg13[%get3A_690, %get3A_691] {strides = array<i32>} : memref<400x32xf32, #tpu.memory_space<vmem>>, vector<1x16xf32>,
        %get3A_693 = vector.shape_cast %get3A_692 : vector<1x16xf32> to vector<16xf32>
        %add3A_694 = arith.addf %get3A_689, %get3A_693 : vector<16xf32>
        %slice3A_695 = vector.extract_strided_slice %get3A_273 {offsets = [7], sizes = [1], strides = [1]} : vector<16xf32> to vector<1xf32>
        %squeeze3A_696 = vector.extract %slice3A_695[0] : f32 from vector<1xf32>
        %add3A_697 = vector.broadcast %squeeze3A_696 : f32 to vector<16xf32>
        %add3A_698 = arith.addf %add3A_694, %add3A_697 : vector<16xf32>
        %neg3A_699 = arith.constant 0.000000e+00 : f32
        %neg3A_700 = vector.broadcast %neg3A_699 : f32 to vector<16xf32>
        %neg3A_701 = arith.subf %neg3A_700, %add3A_698 : vector<16xf32>
        %exp3A_702 = math.exp %neg3A_701 : vector<16xf32>
        %add3A_703 = arith.constant 1.000000e+00 : f32
        %add3A_704 = vector.broadcast %add3A_703 : f32 to vector<16xf32>
        %add3A_705 = arith.addf %add3A_704, %exp3A_702 : vector<16xf32>
        %div3A_706 = arith.constant 1.000000e+00 : f32
        %div3A_707 = vector.broadcast %div3A_706 : f32 to vector<16xf32>
        %div3A_708 = arith.divf %div3A_707, %add3A_705 : vector<16xf32>
        %get3A_709 = arith.index_cast %add3A_676 : i32 to index
        %get3A_710 = arith.constant 0 : index
        %get3A_711 = tpu.vector_load %arg14[%get3A_709, %get3A_710] {strides = array<i32>} : memref<400x16xf32, #tpu.memory_space<vmem>>, vector<1x16xf32>,
        %get3A_712 = vector.shape_cast %get3A_711 : vector<1x16xf32> to vector<16xf32>
        %add3A_713 = arith.addf %add3A_685, %get3A_712 : vector<16xf32>
        %max3A_714 = arith.constant 0.000000e+00 : f32
        %max3A_715 = vector.broadcast %max3A_714 : f32 to vector<16xf32>
        %max3A_716 = arith.maximumf %add3A_713, %max3A_715 : vector<16xf32>
        %swap3A_717 = arith.index_cast %add3A_676 : i32 to index
        %swap3A_718 = arith.constant 0 : index
        %swap3A_719 = tpu.vector_load %arg16[%swap3A_717, %swap3A_718] {strides = array<i32>} : memref<400x16xf32, #tpu.memory_space<vmem>>, vector<1x16xf32>,
        %swap3A_720 = vector.shape_cast %swap3A_719 : vector<1x16xf32> to vector<16xf32>
        %swap3A_721 = vector.shape_cast %max3A_716 : vector<16xf32> to vector<1x16xf32>
        tpu.vector_store %arg16[%swap3A_717, %swap3A_718], %swap3A_721 {strides = array<i32>} : memref<400x16xf32, #tpu.memory_space<vmem>>, vector<1x16xf32>,
        %slice3A_722 = vector.extract_strided_slice %div3A_708 {offsets = [0], sizes = [1], strides = [1]} : vector<16xf32> to vector<1xf32>
        %squeeze3A_723 = vector.extract %slice3A_722[0] : f32 from vector<1xf32>
        %mul3A_724 = vector.broadcast %squeeze3A_723 : f32 to vector<16xf32>
        %mul3A_725 = arith.mulf %max3A_716, %mul3A_724 : vector<16xf32>
        %swap3A_726 = arith.index_cast %add3A_676 : i32 to index
        %swap3A_727 = arith.constant 0 : index
        %swap3A_728 = tpu.vector_load %arg17[%swap3A_726, %swap3A_727] {strides = array<i32>} : memref<400x16xf32, #tpu.memory_space<vmem>>, vector<1x16xf32>,
        %swap3A_729 = vector.shape_cast %swap3A_728 : vector<1x16xf32> to vector<16xf32>
        %swap3A_730 = vector.shape_cast %mul3A_725 : vector<16xf32> to vector<1x16xf32>
        tpu.vector_store %arg17[%swap3A_726, %swap3A_727], %swap3A_730 {strides = array<i32>} : memref<400x16xf32, #tpu.memory_space<vmem>>, vector<1x16xf32>,
        %mul3A_731 = arith.constant 16 : i32
        %mul3A_732 = arith.muli %scan3A_269, %mul3A_731 : i32
        %add3A_733 = arith.constant 8 : i32
        %add3A_734 = arith.addi %mul3A_732, %add3A_733 : i32
        %get3A_735 = arith.index_cast %add3A_734 : i32 to index
        %get3A_736 = arith.constant 0 : index
        %get3A_737 = tpu.vector_load %arg12[%get3A_735, %get3A_736] {strides = array<i32>} : memref<400x32xf32, #tpu.memory_space<vmem>>, vector<1x16xf32>,
        %get3A_738 = vector.shape_cast %get3A_737 : vector<1x16xf32> to vector<16xf32>
        %get3A_739 = arith.index_cast %add3A_734 : i32 to index
        %get3A_740 = arith.constant 0 : index
        %get3A_741 = tpu.vector_load %arg13[%get3A_739, %get3A_740] {strides = array<i32>} : memref<400x32xf32, #tpu.memory_space<vmem>>, vector<1x16xf32>,
        %get3A_742 = vector.shape_cast %get3A_741 : vector<1x16xf32> to vector<16xf32>
        %add3A_743 = arith.addf %get3A_738, %get3A_742 : vector<16xf32>
        %get3A_744 = arith.index_cast %add3A_734 : i32 to index
        %get3A_745 = arith.constant 16 : index
        %get3A_746 = tpu.vector_load %arg12[%get3A_744, %get3A_745] {strides = array<i32>} : memref<400x32xf32, #tpu.memory_space<vmem>>, vector<1x16xf32>,
        %get3A_747 = vector.shape_cast %get3A_746 : vector<1x16xf32> to vector<16xf32>
        %get3A_748 = arith.index_cast %add3A_734 : i32 to index
        %get3A_749 = arith.constant 16 : index
        %get3A_750 = tpu.vector_load %arg13[%get3A_748, %get3A_749] {strides = array<i32>} : memref<400x32xf32, #tpu.memory_space<vmem>>, vector<1x16xf32>,
        %get3A_751 = vector.shape_cast %get3A_750 : vector<1x16xf32> to vector<16xf32>
        %add3A_752 = arith.addf %get3A_747, %get3A_751 : vector<16xf32>
        %slice3A_753 = vector.extract_strided_slice %get3A_273 {offsets = [8], sizes = [1], strides = [1]} : vector<16xf32> to vector<1xf32>
        %squeeze3A_754 = vector.extract %slice3A_753[0] : f32 from vector<1xf32>
        %add3A_755 = vector.broadcast %squeeze3A_754 : f32 to vector<16xf32>
        %add3A_756 = arith.addf %add3A_752, %add3A_755 : vector<16xf32>
        %neg3A_757 = arith.constant 0.000000e+00 : f32
        %neg3A_758 = vector.broadcast %neg3A_757 : f32 to vector<16xf32>
        %neg3A_759 = arith.subf %neg3A_758, %add3A_756 : vector<16xf32>
        %exp3A_760 = math.exp %neg3A_759 : vector<16xf32>
        %add3A_761 = arith.constant 1.000000e+00 : f32
        %add3A_762 = vector.broadcast %add3A_761 : f32 to vector<16xf32>
        %add3A_763 = arith.addf %add3A_762, %exp3A_760 : vector<16xf32>
        %div3A_764 = arith.constant 1.000000e+00 : f32
        %div3A_765 = vector.broadcast %div3A_764 : f32 to vector<16xf32>
        %div3A_766 = arith.divf %div3A_765, %add3A_763 : vector<16xf32>
        %get3A_767 = arith.index_cast %add3A_734 : i32 to index
        %get3A_768 = arith.constant 0 : index
        %get3A_769 = tpu.vector_load %arg14[%get3A_767, %get3A_768] {strides = array<i32>} : memref<400x16xf32, #tpu.memory_space<vmem>>, vector<1x16xf32>,
        %get3A_770 = vector.shape_cast %get3A_769 : vector<1x16xf32> to vector<16xf32>
        %add3A_771 = arith.addf %add3A_743, %get3A_770 : vector<16xf32>
        %max3A_772 = arith.constant 0.000000e+00 : f32
        %max3A_773 = vector.broadcast %max3A_772 : f32 to vector<16xf32>
        %max3A_774 = arith.maximumf %add3A_771, %max3A_773 : vector<16xf32>
        %swap3A_775 = arith.index_cast %add3A_734 : i32 to index
        %swap3A_776 = arith.constant 0 : index
        %swap3A_777 = tpu.vector_load %arg16[%swap3A_775, %swap3A_776] {strides = array<i32>} : memref<400x16xf32, #tpu.memory_space<vmem>>, vector<1x16xf32>,
        %swap3A_778 = vector.shape_cast %swap3A_777 : vector<1x16xf32> to vector<16xf32>
        %swap3A_779 = vector.shape_cast %max3A_774 : vector<16xf32> to vector<1x16xf32>
        tpu.vector_store %arg16[%swap3A_775, %swap3A_776], %swap3A_779 {strides = array<i32>} : memref<400x16xf32, #tpu.memory_space<vmem>>, vector<1x16xf32>,
        %slice3A_780 = vector.extract_strided_slice %div3A_766 {offsets = [0], sizes = [1], strides = [1]} : vector<16xf32> to vector<1xf32>
        %squeeze3A_781 = vector.extract %slice3A_780[0] : f32 from vector<1xf32>
        %mul3A_782 = vector.broadcast %squeeze3A_781 : f32 to vector<16xf32>
        %mul3A_783 = arith.mulf %max3A_774, %mul3A_782 : vector<16xf32>
        %swap3A_784 = arith.index_cast %add3A_734 : i32 to index
        %swap3A_785 = arith.constant 0 : index
        %swap3A_786 = tpu.vector_load %arg17[%swap3A_784, %swap3A_785] {strides = array<i32>} : memref<400x16xf32, #tpu.memory_space<vmem>>, vector<1x16xf32>,
        %swap3A_787 = vector.shape_cast %swap3A_786 : vector<1x16xf32> to vector<16xf32>
        %swap3A_788 = vector.shape_cast %mul3A_783 : vector<16xf32> to vector<1x16xf32>
        tpu.vector_store %arg17[%swap3A_784, %swap3A_785], %swap3A_788 {strides = array<i32>} : memref<400x16xf32, #tpu.memory_space<vmem>>, vector<1x16xf32>,
        %mul3A_789 = arith.constant 16 : i32
        %mul3A_790 = arith.muli %scan3A_269, %mul3A_789 : i32
        %add3A_791 = arith.constant 9 : i32
        %add3A_792 = arith.addi %mul3A_790, %add3A_791 : i32
        %get3A_793 = arith.index_cast %add3A_792 : i32 to index
        %get3A_794 = arith.constant 0 : index
        %get3A_795 = tpu.vector_load %arg12[%get3A_793, %get3A_794] {strides = array<i32>} : memref<400x32xf32, #tpu.memory_space<vmem>>, vector<1x16xf32>,
        %get3A_796 = vector.shape_cast %get3A_795 : vector<1x16xf32> to vector<16xf32>
        %get3A_797 = arith.index_cast %add3A_792 : i32 to index
        %get3A_798 = arith.constant 0 : index
        %get3A_799 = tpu.vector_load %arg13[%get3A_797, %get3A_798] {strides = array<i32>} : memref<400x32xf32, #tpu.memory_space<vmem>>, vector<1x16xf32>,
        %get3A_800 = vector.shape_cast %get3A_799 : vector<1x16xf32> to vector<16xf32>
        %add3A_801 = arith.addf %get3A_796, %get3A_800 : vector<16xf32>
        %get3A_802 = arith.index_cast %add3A_792 : i32 to index
        %get3A_803 = arith.constant 16 : index
        %get3A_804 = tpu.vector_load %arg12[%get3A_802, %get3A_803] {strides = array<i32>} : memref<400x32xf32, #tpu.memory_space<vmem>>, vector<1x16xf32>,
        %get3A_805 = vector.shape_cast %get3A_804 : vector<1x16xf32> to vector<16xf32>
        %get3A_806 = arith.index_cast %add3A_792 : i32 to index
        %get3A_807 = arith.constant 16 : index
        %get3A_808 = tpu.vector_load %arg13[%get3A_806, %get3A_807] {strides = array<i32>} : memref<400x32xf32, #tpu.memory_space<vmem>>, vector<1x16xf32>,
        %get3A_809 = vector.shape_cast %get3A_808 : vector<1x16xf32> to vector<16xf32>
        %add3A_810 = arith.addf %get3A_805, %get3A_809 : vector<16xf32>
        %slice3A_811 = vector.extract_strided_slice %get3A_273 {offsets = [9], sizes = [1], strides = [1]} : vector<16xf32> to vector<1xf32>
        %squeeze3A_812 = vector.extract %slice3A_811[0] : f32 from vector<1xf32>
        %add3A_813 = vector.broadcast %squeeze3A_812 : f32 to vector<16xf32>
        %add3A_814 = arith.addf %add3A_810, %add3A_813 : vector<16xf32>
        %neg3A_815 = arith.constant 0.000000e+00 : f32
        %neg3A_816 = vector.broadcast %neg3A_815 : f32 to vector<16xf32>
        %neg3A_817 = arith.subf %neg3A_816, %add3A_814 : vector<16xf32>
        %exp3A_818 = math.exp %neg3A_817 : vector<16xf32>
        %add3A_819 = arith.constant 1.000000e+00 : f32
        %add3A_820 = vector.broadcast %add3A_819 : f32 to vector<16xf32>
        %add3A_821 = arith.addf %add3A_820, %exp3A_818 : vector<16xf32>
        %div3A_822 = arith.constant 1.000000e+00 : f32
        %div3A_823 = vector.broadcast %div3A_822 : f32 to vector<16xf32>
        %div3A_824 = arith.divf %div3A_823, %add3A_821 : vector<16xf32>
        %get3A_825 = arith.index_cast %add3A_792 : i32 to index
        %get3A_826 = arith.constant 0 : index
        %get3A_827 = tpu.vector_load %arg14[%get3A_825, %get3A_826] {strides = array<i32>} : memref<400x16xf32, #tpu.memory_space<vmem>>, vector<1x16xf32>,
        %get3A_828 = vector.shape_cast %get3A_827 : vector<1x16xf32> to vector<16xf32>
        %add3A_829 = arith.addf %add3A_801, %get3A_828 : vector<16xf32>
        %max3A_830 = arith.constant 0.000000e+00 : f32
        %max3A_831 = vector.broadcast %max3A_830 : f32 to vector<16xf32>
        %max3A_832 = arith.maximumf %add3A_829, %max3A_831 : vector<16xf32>
        %swap3A_833 = arith.index_cast %add3A_792 : i32 to index
        %swap3A_834 = arith.constant 0 : index
        %swap3A_835 = tpu.vector_load %arg16[%swap3A_833, %swap3A_834] {strides = array<i32>} : memref<400x16xf32, #tpu.memory_space<vmem>>, vector<1x16xf32>,
        %swap3A_836 = vector.shape_cast %swap3A_835 : vector<1x16xf32> to vector<16xf32>
        %swap3A_837 = vector.shape_cast %max3A_832 : vector<16xf32> to vector<1x16xf32>
        tpu.vector_store %arg16[%swap3A_833, %swap3A_834], %swap3A_837 {strides = array<i32>} : memref<400x16xf32, #tpu.memory_space<vmem>>, vector<1x16xf32>,
        %slice3A_838 = vector.extract_strided_slice %div3A_824 {offsets = [0], sizes = [1], strides = [1]} : vector<16xf32> to vector<1xf32>
        %squeeze3A_839 = vector.extract %slice3A_838[0] : f32 from vector<1xf32>
        %mul3A_840 = vector.broadcast %squeeze3A_839 : f32 to vector<16xf32>
        %mul3A_841 = arith.mulf %max3A_832, %mul3A_840 : vector<16xf32>
        %swap3A_842 = arith.index_cast %add3A_792 : i32 to index
        %swap3A_843 = arith.constant 0 : index
        %swap3A_844 = tpu.vector_load %arg17[%swap3A_842, %swap3A_843] {strides = array<i32>} : memref<400x16xf32, #tpu.memory_space<vmem>>, vector<1x16xf32>,
        %swap3A_845 = vector.shape_cast %swap3A_844 : vector<1x16xf32> to vector<16xf32>
        %swap3A_846 = vector.shape_cast %mul3A_841 : vector<16xf32> to vector<1x16xf32>
        tpu.vector_store %arg17[%swap3A_842, %swap3A_843], %swap3A_846 {strides = array<i32>} : memref<400x16xf32, #tpu.memory_space<vmem>>, vector<1x16xf32>,
        %mul3A_847 = arith.constant 16 : i32
        %mul3A_848 = arith.muli %scan3A_269, %mul3A_847 : i32
        %add3A_849 = arith.constant 10 : i32
        %add3A_850 = arith.addi %mul3A_848, %add3A_849 : i32
        %get3A_851 = arith.index_cast %add3A_850 : i32 to index
        %get3A_852 = arith.constant 0 : index
        %get3A_853 = tpu.vector_load %arg12[%get3A_851, %get3A_852] {strides = array<i32>} : memref<400x32xf32, #tpu.memory_space<vmem>>, vector<1x16xf32>,
        %get3A_854 = vector.shape_cast %get3A_853 : vector<1x16xf32> to vector<16xf32>
        %get3A_855 = arith.index_cast %add3A_850 : i32 to index
        %get3A_856 = arith.constant 0 : index
        %get3A_857 = tpu.vector_load %arg13[%get3A_855, %get3A_856] {strides = array<i32>} : memref<400x32xf32, #tpu.memory_space<vmem>>, vector<1x16xf32>,
        %get3A_858 = vector.shape_cast %get3A_857 : vector<1x16xf32> to vector<16xf32>
        %add3A_859 = arith.addf %get3A_854, %get3A_858 : vector<16xf32>
        %get3A_860 = arith.index_cast %add3A_850 : i32 to index
        %get3A_861 = arith.constant 16 : index
        %get3A_862 = tpu.vector_load %arg12[%get3A_860, %get3A_861] {strides = array<i32>} : memref<400x32xf32, #tpu.memory_space<vmem>>, vector<1x16xf32>,
        %get3A_863 = vector.shape_cast %get3A_862 : vector<1x16xf32> to vector<16xf32>
        %get3A_864 = arith.index_cast %add3A_850 : i32 to index
        %get3A_865 = arith.constant 16 : index
        %get3A_866 = tpu.vector_load %arg13[%get3A_864, %get3A_865] {strides = array<i32>} : memref<400x32xf32, #tpu.memory_space<vmem>>, vector<1x16xf32>,
        %get3A_867 = vector.shape_cast %get3A_866 : vector<1x16xf32> to vector<16xf32>
        %add3A_868 = arith.addf %get3A_863, %get3A_867 : vector<16xf32>
        %slice3A_869 = vector.extract_strided_slice %get3A_273 {offsets = [10], sizes = [1], strides = [1]} : vector<16xf32> to vector<1xf32>
        %squeeze3A_870 = vector.extract %slice3A_869[0] : f32 from vector<1xf32>
        %add3A_871 = vector.broadcast %squeeze3A_870 : f32 to vector<16xf32>
        %add3A_872 = arith.addf %add3A_868, %add3A_871 : vector<16xf32>
        %neg3A_873 = arith.constant 0.000000e+00 : f32
        %neg3A_874 = vector.broadcast %neg3A_873 : f32 to vector<16xf32>
        %neg3A_875 = arith.subf %neg3A_874, %add3A_872 : vector<16xf32>
        %exp3A_876 = math.exp %neg3A_875 : vector<16xf32>
        %add3A_877 = arith.constant 1.000000e+00 : f32
        %add3A_878 = vector.broadcast %add3A_877 : f32 to vector<16xf32>
        %add3A_879 = arith.addf %add3A_878, %exp3A_876 : vector<16xf32>
        %div3A_880 = arith.constant 1.000000e+00 : f32
        %div3A_881 = vector.broadcast %div3A_880 : f32 to vector<16xf32>
        %div3A_882 = arith.divf %div3A_881, %add3A_879 : vector<16xf32>
        %get3A_883 = arith.index_cast %add3A_850 : i32 to index
        %get3A_884 = arith.constant 0 : index
        %get3A_885 = tpu.vector_load %arg14[%get3A_883, %get3A_884] {strides = array<i32>} : memref<400x16xf32, #tpu.memory_space<vmem>>, vector<1x16xf32>,
        %get3A_886 = vector.shape_cast %get3A_885 : vector<1x16xf32> to vector<16xf32>
        %add3A_887 = arith.addf %add3A_859, %get3A_886 : vector<16xf32>
        %max3A_888 = arith.constant 0.000000e+00 : f32
        %max3A_889 = vector.broadcast %max3A_888 : f32 to vector<16xf32>
        %max3A_890 = arith.maximumf %add3A_887, %max3A_889 : vector<16xf32>
        %swap3A_891 = arith.index_cast %add3A_850 : i32 to index
        %swap3A_892 = arith.constant 0 : index
        %swap3A_893 = tpu.vector_load %arg16[%swap3A_891, %swap3A_892] {strides = array<i32>} : memref<400x16xf32, #tpu.memory_space<vmem>>, vector<1x16xf32>,
        %swap3A_894 = vector.shape_cast %swap3A_893 : vector<1x16xf32> to vector<16xf32>
        %swap3A_895 = vector.shape_cast %max3A_890 : vector<16xf32> to vector<1x16xf32>
        tpu.vector_store %arg16[%swap3A_891, %swap3A_892], %swap3A_895 {strides = array<i32>} : memref<400x16xf32, #tpu.memory_space<vmem>>, vector<1x16xf32>,
        %slice3A_896 = vector.extract_strided_slice %div3A_882 {offsets = [0], sizes = [1], strides = [1]} : vector<16xf32> to vector<1xf32>
        %squeeze3A_897 = vector.extract %slice3A_896[0] : f32 from vector<1xf32>
        %mul3A_898 = vector.broadcast %squeeze3A_897 : f32 to vector<16xf32>
        %mul3A_899 = arith.mulf %max3A_890, %mul3A_898 : vector<16xf32>
        %swap3A_900 = arith.index_cast %add3A_850 : i32 to index
        %swap3A_901 = arith.constant 0 : index
        %swap3A_902 = tpu.vector_load %arg17[%swap3A_900, %swap3A_901] {strides = array<i32>} : memref<400x16xf32, #tpu.memory_space<vmem>>, vector<1x16xf32>,
        %swap3A_903 = vector.shape_cast %swap3A_902 : vector<1x16xf32> to vector<16xf32>
        %swap3A_904 = vector.shape_cast %mul3A_899 : vector<16xf32> to vector<1x16xf32>
        tpu.vector_store %arg17[%swap3A_900, %swap3A_901], %swap3A_904 {strides = array<i32>} : memref<400x16xf32, #tpu.memory_space<vmem>>, vector<1x16xf32>,
        %mul3A_905 = arith.constant 16 : i32
        %mul3A_906 = arith.muli %scan3A_269, %mul3A_905 : i32
        %add3A_907 = arith.constant 11 : i32
        %add3A_908 = arith.addi %mul3A_906, %add3A_907 : i32
        %get3A_909 = arith.index_cast %add3A_908 : i32 to index
        %get3A_910 = arith.constant 0 : index
        %get3A_911 = tpu.vector_load %arg12[%get3A_909, %get3A_910] {strides = array<i32>} : memref<400x32xf32, #tpu.memory_space<vmem>>, vector<1x16xf32>,
        %get3A_912 = vector.shape_cast %get3A_911 : vector<1x16xf32> to vector<16xf32>
        %get3A_913 = arith.index_cast %add3A_908 : i32 to index
        %get3A_914 = arith.constant 0 : index
        %get3A_915 = tpu.vector_load %arg13[%get3A_913, %get3A_914] {strides = array<i32>} : memref<400x32xf32, #tpu.memory_space<vmem>>, vector<1x16xf32>,
        %get3A_916 = vector.shape_cast %get3A_915 : vector<1x16xf32> to vector<16xf32>
        %add3A_917 = arith.addf %get3A_912, %get3A_916 : vector<16xf32>
        %get3A_918 = arith.index_cast %add3A_908 : i32 to index
        %get3A_919 = arith.constant 16 : index
        %get3A_920 = tpu.vector_load %arg12[%get3A_918, %get3A_919] {strides = array<i32>} : memref<400x32xf32, #tpu.memory_space<vmem>>, vector<1x16xf32>,
        %get3A_921 = vector.shape_cast %get3A_920 : vector<1x16xf32> to vector<16xf32>
        %get3A_922 = arith.index_cast %add3A_908 : i32 to index
        %get3A_923 = arith.constant 16 : index
        %get3A_924 = tpu.vector_load %arg13[%get3A_922, %get3A_923] {strides = array<i32>} : memref<400x32xf32, #tpu.memory_space<vmem>>, vector<1x16xf32>,
        %get3A_925 = vector.shape_cast %get3A_924 : vector<1x16xf32> to vector<16xf32>
        %add3A_926 = arith.addf %get3A_921, %get3A_925 : vector<16xf32>
        %slice3A_927 = vector.extract_strided_slice %get3A_273 {offsets = [11], sizes = [1], strides = [1]} : vector<16xf32> to vector<1xf32>
        %squeeze3A_928 = vector.extract %slice3A_927[0] : f32 from vector<1xf32>
        %add3A_929 = vector.broadcast %squeeze3A_928 : f32 to vector<16xf32>
        %add3A_930 = arith.addf %add3A_926, %add3A_929 : vector<16xf32>
        %neg3A_931 = arith.constant 0.000000e+00 : f32
        %neg3A_932 = vector.broadcast %neg3A_931 : f32 to vector<16xf32>
        %neg3A_933 = arith.subf %neg3A_932, %add3A_930 : vector<16xf32>
        %exp3A_934 = math.exp %neg3A_933 : vector<16xf32>
        %add3A_935 = arith.constant 1.000000e+00 : f32
        %add3A_936 = vector.broadcast %add3A_935 : f32 to vector<16xf32>
        %add3A_937 = arith.addf %add3A_936, %exp3A_934 : vector<16xf32>
        %div3A_938 = arith.constant 1.000000e+00 : f32
        %div3A_939 = vector.broadcast %div3A_938 : f32 to vector<16xf32>
        %div3A_940 = arith.divf %div3A_939, %add3A_937 : vector<16xf32>
        %get3A_941 = arith.index_cast %add3A_908 : i32 to index
        %get3A_942 = arith.constant 0 : index
        %get3A_943 = tpu.vector_load %arg14[%get3A_941, %get3A_942] {strides = array<i32>} : memref<400x16xf32, #tpu.memory_space<vmem>>, vector<1x16xf32>,
        %get3A_944 = vector.shape_cast %get3A_943 : vector<1x16xf32> to vector<16xf32>
        %add3A_945 = arith.addf %add3A_917, %get3A_944 : vector<16xf32>
        %max3A_946 = arith.constant 0.000000e+00 : f32
        %max3A_947 = vector.broadcast %max3A_946 : f32 to vector<16xf32>
        %max3A_948 = arith.maximumf %add3A_945, %max3A_947 : vector<16xf32>
        %swap3A_949 = arith.index_cast %add3A_908 : i32 to index
        %swap3A_950 = arith.constant 0 : index
        %swap3A_951 = tpu.vector_load %arg16[%swap3A_949, %swap3A_950] {strides = array<i32>} : memref<400x16xf32, #tpu.memory_space<vmem>>, vector<1x16xf32>,
        %swap3A_952 = vector.shape_cast %swap3A_951 : vector<1x16xf32> to vector<16xf32>
        %swap3A_953 = vector.shape_cast %max3A_948 : vector<16xf32> to vector<1x16xf32>
        tpu.vector_store %arg16[%swap3A_949, %swap3A_950], %swap3A_953 {strides = array<i32>} : memref<400x16xf32, #tpu.memory_space<vmem>>, vector<1x16xf32>,
        %slice3A_954 = vector.extract_strided_slice %div3A_940 {offsets = [0], sizes = [1], strides = [1]} : vector<16xf32> to vector<1xf32>
        %squeeze3A_955 = vector.extract %slice3A_954[0] : f32 from vector<1xf32>
        %mul3A_956 = vector.broadcast %squeeze3A_955 : f32 to vector<16xf32>
        %mul3A_957 = arith.mulf %max3A_948, %mul3A_956 : vector<16xf32>
        %swap3A_958 = arith.index_cast %add3A_908 : i32 to index
        %swap3A_959 = arith.constant 0 : index
        %swap3A_960 = tpu.vector_load %arg17[%swap3A_958, %swap3A_959] {strides = array<i32>} : memref<400x16xf32, #tpu.memory_space<vmem>>, vector<1x16xf32>,
        %swap3A_961 = vector.shape_cast %swap3A_960 : vector<1x16xf32> to vector<16xf32>
        %swap3A_962 = vector.shape_cast %mul3A_957 : vector<16xf32> to vector<1x16xf32>
        tpu.vector_store %arg17[%swap3A_958, %swap3A_959], %swap3A_962 {strides = array<i32>} : memref<400x16xf32, #tpu.memory_space<vmem>>, vector<1x16xf32>,
        %mul3A_963 = arith.constant 16 : i32
        %mul3A_964 = arith.muli %scan3A_269, %mul3A_963 : i32
        %add3A_965 = arith.constant 12 : i32
        %add3A_966 = arith.addi %mul3A_964, %add3A_965 : i32
        %get3A_967 = arith.index_cast %add3A_966 : i32 to index
        %get3A_968 = arith.constant 0 : index
        %get3A_969 = tpu.vector_load %arg12[%get3A_967, %get3A_968] {strides = array<i32>} : memref<400x32xf32, #tpu.memory_space<vmem>>, vector<1x16xf32>,
        %get3A_970 = vector.shape_cast %get3A_969 : vector<1x16xf32> to vector<16xf32>
        %get3A_971 = arith.index_cast %add3A_966 : i32 to index
        %get3A_972 = arith.constant 0 : index
        %get3A_973 = tpu.vector_load %arg13[%get3A_971, %get3A_972] {strides = array<i32>} : memref<400x32xf32, #tpu.memory_space<vmem>>, vector<1x16xf32>,
        %get3A_974 = vector.shape_cast %get3A_973 : vector<1x16xf32> to vector<16xf32>
        %add3A_975 = arith.addf %get3A_970, %get3A_974 : vector<16xf32>
        %get3A_976 = arith.index_cast %add3A_966 : i32 to index
        %get3A_977 = arith.constant 16 : index
        %get3A_978 = tpu.vector_load %arg12[%get3A_976, %get3A_977] {strides = array<i32>} : memref<400x32xf32, #tpu.memory_space<vmem>>, vector<1x16xf32>,
        %get3A_979 = vector.shape_cast %get3A_978 : vector<1x16xf32> to vector<16xf32>
        %get3A_980 = arith.index_cast %add3A_966 : i32 to index
        %get3A_981 = arith.constant 16 : index
        %get3A_982 = tpu.vector_load %arg13[%get3A_980, %get3A_981] {strides = array<i32>} : memref<400x32xf32, #tpu.memory_space<vmem>>, vector<1x16xf32>,
        %get3A_983 = vector.shape_cast %get3A_982 : vector<1x16xf32> to vector<16xf32>
        %add3A_984 = arith.addf %get3A_979, %get3A_983 : vector<16xf32>
        %slice3A_985 = vector.extract_strided_slice %get3A_273 {offsets = [12], sizes = [1], strides = [1]} : vector<16xf32> to vector<1xf32>
        %squeeze3A_986 = vector.extract %slice3A_985[0] : f32 from vector<1xf32>
        %add3A_987 = vector.broadcast %squeeze3A_986 : f32 to vector<16xf32>
        %add3A_988 = arith.addf %add3A_984, %add3A_987 : vector<16xf32>
        %neg3A_989 = arith.constant 0.000000e+00 : f32
        %neg3A_990 = vector.broadcast %neg3A_989 : f32 to vector<16xf32>
        %neg3A_991 = arith.subf %neg3A_990, %add3A_988 : vector<16xf32>
        %exp3A_992 = math.exp %neg3A_991 : vector<16xf32>
        %add3A_993 = arith.constant 1.000000e+00 : f32
        %add3A_994 = vector.broadcast %add3A_993 : f32 to vector<16xf32>
        %add3A_995 = arith.addf %add3A_994, %exp3A_992 : vector<16xf32>
        %div3A_996 = arith.constant 1.000000e+00 : f32
        %div3A_997 = vector.broadcast %div3A_996 : f32 to vector<16xf32>
        %div3A_998 = arith.divf %div3A_997, %add3A_995 : vector<16xf32>
        %get3A_999 = arith.index_cast %add3A_966 : i32 to index
        %get3A_1000 = arith.constant 0 : index
        %get3A_1001 = tpu.vector_load %arg14[%get3A_999, %get3A_1000] {strides = array<i32>} : memref<400x16xf32, #tpu.memory_space<vmem>>, vector<1x16xf32>,
        %get3A_1002 = vector.shape_cast %get3A_1001 : vector<1x16xf32> to vector<16xf32>
        %add3A_1003 = arith.addf %add3A_975, %get3A_1002 : vector<16xf32>
        %max3A_1004 = arith.constant 0.000000e+00 : f32
        %max3A_1005 = vector.broadcast %max3A_1004 : f32 to vector<16xf32>
        %max3A_1006 = arith.maximumf %add3A_1003, %max3A_1005 : vector<16xf32>
        %swap3A_1007 = arith.index_cast %add3A_966 : i32 to index
        %swap3A_1008 = arith.constant 0 : index
        %swap3A_1009 = tpu.vector_load %arg16[%swap3A_1007, %swap3A_1008] {strides = array<i32>} : memref<400x16xf32, #tpu.memory_space<vmem>>, vector<1x16xf32>,
        %swap3A_1010 = vector.shape_cast %swap3A_1009 : vector<1x16xf32> to vector<16xf32>
        %swap3A_1011 = vector.shape_cast %max3A_1006 : vector<16xf32> to vector<1x16xf32>
        tpu.vector_store %arg16[%swap3A_1007, %swap3A_1008], %swap3A_1011 {strides = array<i32>} : memref<400x16xf32, #tpu.memory_space<vmem>>, vector<1x16xf32>,
        %slice3A_1012 = vector.extract_strided_slice %div3A_998 {offsets = [0], sizes = [1], strides = [1]} : vector<16xf32> to vector<1xf32>
        %squeeze3A_1013 = vector.extract %slice3A_1012[0] : f32 from vector<1xf32>
        %mul3A_1014 = vector.broadcast %squeeze3A_1013 : f32 to vector<16xf32>
        %mul3A_1015 = arith.mulf %max3A_1006, %mul3A_1014 : vector<16xf32>
        %swap3A_1016 = arith.index_cast %add3A_966 : i32 to index
        %swap3A_1017 = arith.constant 0 : index
        %swap3A_1018 = tpu.vector_load %arg17[%swap3A_1016, %swap3A_1017] {strides = array<i32>} : memref<400x16xf32, #tpu.memory_space<vmem>>, vector<1x16xf32>,
        %swap3A_1019 = vector.shape_cast %swap3A_1018 : vector<1x16xf32> to vector<16xf32>
        %swap3A_1020 = vector.shape_cast %mul3A_1015 : vector<16xf32> to vector<1x16xf32>
        tpu.vector_store %arg17[%swap3A_1016, %swap3A_1017], %swap3A_1020 {strides = array<i32>} : memref<400x16xf32, #tpu.memory_space<vmem>>, vector<1x16xf32>,
        %mul3A_1021 = arith.constant 16 : i32
        %mul3A_1022 = arith.muli %scan3A_269, %mul3A_1021 : i32
        %add3A_1023 = arith.constant 13 : i32
        %add3A_1024 = arith.addi %mul3A_1022, %add3A_1023 : i32
        %get3A_1025 = arith.index_cast %add3A_1024 : i32 to index
        %get3A_1026 = arith.constant 0 : index
        %get3A_1027 = tpu.vector_load %arg12[%get3A_1025, %get3A_1026] {strides = array<i32>} : memref<400x32xf32, #tpu.memory_space<vmem>>, vector<1x16xf32>,
        %get3A_1028 = vector.shape_cast %get3A_1027 : vector<1x16xf32> to vector<16xf32>
        %get3A_1029 = arith.index_cast %add3A_1024 : i32 to index
        %get3A_1030 = arith.constant 0 : index
        %get3A_1031 = tpu.vector_load %arg13[%get3A_1029, %get3A_1030] {strides = array<i32>} : memref<400x32xf32, #tpu.memory_space<vmem>>, vector<1x16xf32>,
        %get3A_1032 = vector.shape_cast %get3A_1031 : vector<1x16xf32> to vector<16xf32>
        %add3A_1033 = arith.addf %get3A_1028, %get3A_1032 : vector<16xf32>
        %get3A_1034 = arith.index_cast %add3A_1024 : i32 to index
        %get3A_1035 = arith.constant 16 : index
        %get3A_1036 = tpu.vector_load %arg12[%get3A_1034, %get3A_1035] {strides = array<i32>} : memref<400x32xf32, #tpu.memory_space<vmem>>, vector<1x16xf32>,
        %get3A_1037 = vector.shape_cast %get3A_1036 : vector<1x16xf32> to vector<16xf32>
        %get3A_1038 = arith.index_cast %add3A_1024 : i32 to index
        %get3A_1039 = arith.constant 16 : index
        %get3A_1040 = tpu.vector_load %arg13[%get3A_1038, %get3A_1039] {strides = array<i32>} : memref<400x32xf32, #tpu.memory_space<vmem>>, vector<1x16xf32>,
        %get3A_1041 = vector.shape_cast %get3A_1040 : vector<1x16xf32> to vector<16xf32>
        %add3A_1042 = arith.addf %get3A_1037, %get3A_1041 : vector<16xf32>
        %slice3A_1043 = vector.extract_strided_slice %get3A_273 {offsets = [13], sizes = [1], strides = [1]} : vector<16xf32> to vector<1xf32>
        %squeeze3A_1044 = vector.extract %slice3A_1043[0] : f32 from vector<1xf32>
        %add3A_1045 = vector.broadcast %squeeze3A_1044 : f32 to vector<16xf32>
        %add3A_1046 = arith.addf %add3A_1042, %add3A_1045 : vector<16xf32>
        %neg3A_1047 = arith.constant 0.000000e+00 : f32
        %neg3A_1048 = vector.broadcast %neg3A_1047 : f32 to vector<16xf32>
        %neg3A_1049 = arith.subf %neg3A_1048, %add3A_1046 : vector<16xf32>
        %exp3A_1050 = math.exp %neg3A_1049 : vector<16xf32>
        %add3A_1051 = arith.constant 1.000000e+00 : f32
        %add3A_1052 = vector.broadcast %add3A_1051 : f32 to vector<16xf32>
        %add3A_1053 = arith.addf %add3A_1052, %exp3A_1050 : vector<16xf32>
        %div3A_1054 = arith.constant 1.000000e+00 : f32
        %div3A_1055 = vector.broadcast %div3A_1054 : f32 to vector<16xf32>
        %div3A_1056 = arith.divf %div3A_1055, %add3A_1053 : vector<16xf32>
        %get3A_1057 = arith.index_cast %add3A_1024 : i32 to index
        %get3A_1058 = arith.constant 0 : index
        %get3A_1059 = tpu.vector_load %arg14[%get3A_1057, %get3A_1058] {strides = array<i32>} : memref<400x16xf32, #tpu.memory_space<vmem>>, vector<1x16xf32>,
        %get3A_1060 = vector.shape_cast %get3A_1059 : vector<1x16xf32> to vector<16xf32>
        %add3A_1061 = arith.addf %add3A_1033, %get3A_1060 : vector<16xf32>
        %max3A_1062 = arith.constant 0.000000e+00 : f32
        %max3A_1063 = vector.broadcast %max3A_1062 : f32 to vector<16xf32>
        %max3A_1064 = arith.maximumf %add3A_1061, %max3A_1063 : vector<16xf32>
        %swap3A_1065 = arith.index_cast %add3A_1024 : i32 to index
        %swap3A_1066 = arith.constant 0 : index
        %swap3A_1067 = tpu.vector_load %arg16[%swap3A_1065, %swap3A_1066] {strides = array<i32>} : memref<400x16xf32, #tpu.memory_space<vmem>>, vector<1x16xf32>,
        %swap3A_1068 = vector.shape_cast %swap3A_1067 : vector<1x16xf32> to vector<16xf32>
        %swap3A_1069 = vector.shape_cast %max3A_1064 : vector<16xf32> to vector<1x16xf32>
        tpu.vector_store %arg16[%swap3A_1065, %swap3A_1066], %swap3A_1069 {strides = array<i32>} : memref<400x16xf32, #tpu.memory_space<vmem>>, vector<1x16xf32>,
        %slice3A_1070 = vector.extract_strided_slice %div3A_1056 {offsets = [0], sizes = [1], strides = [1]} : vector<16xf32> to vector<1xf32>
        %squeeze3A_1071 = vector.extract %slice3A_1070[0] : f32 from vector<1xf32>
        %mul3A_1072 = vector.broadcast %squeeze3A_1071 : f32 to vector<16xf32>
        %mul3A_1073 = arith.mulf %max3A_1064, %mul3A_1072 : vector<16xf32>
        %swap3A_1074 = arith.index_cast %add3A_1024 : i32 to index
        %swap3A_1075 = arith.constant 0 : index
        %swap3A_1076 = tpu.vector_load %arg17[%swap3A_1074, %swap3A_1075] {strides = array<i32>} : memref<400x16xf32, #tpu.memory_space<vmem>>, vector<1x16xf32>,
        %swap3A_1077 = vector.shape_cast %swap3A_1076 : vector<1x16xf32> to vector<16xf32>
        %swap3A_1078 = vector.shape_cast %mul3A_1073 : vector<16xf32> to vector<1x16xf32>
        tpu.vector_store %arg17[%swap3A_1074, %swap3A_1075], %swap3A_1078 {strides = array<i32>} : memref<400x16xf32, #tpu.memory_space<vmem>>, vector<1x16xf32>,
        %mul3A_1079 = arith.constant 16 : i32
        %mul3A_1080 = arith.muli %scan3A_269, %mul3A_1079 : i32
        %add3A_1081 = arith.constant 14 : i32
        %add3A_1082 = arith.addi %mul3A_1080, %add3A_1081 : i32
        %get3A_1083 = arith.index_cast %add3A_1082 : i32 to index
        %get3A_1084 = arith.constant 0 : index
        %get3A_1085 = tpu.vector_load %arg12[%get3A_1083, %get3A_1084] {strides = array<i32>} : memref<400x32xf32, #tpu.memory_space<vmem>>, vector<1x16xf32>,
        %get3A_1086 = vector.shape_cast %get3A_1085 : vector<1x16xf32> to vector<16xf32>
        %get3A_1087 = arith.index_cast %add3A_1082 : i32 to index
        %get3A_1088 = arith.constant 0 : index
        %get3A_1089 = tpu.vector_load %arg13[%get3A_1087, %get3A_1088] {strides = array<i32>} : memref<400x32xf32, #tpu.memory_space<vmem>>, vector<1x16xf32>,
        %get3A_1090 = vector.shape_cast %get3A_1089 : vector<1x16xf32> to vector<16xf32>
        %add3A_1091 = arith.addf %get3A_1086, %get3A_1090 : vector<16xf32>
        %get3A_1092 = arith.index_cast %add3A_1082 : i32 to index
        %get3A_1093 = arith.constant 16 : index
        %get3A_1094 = tpu.vector_load %arg12[%get3A_1092, %get3A_1093] {strides = array<i32>} : memref<400x32xf32, #tpu.memory_space<vmem>>, vector<1x16xf32>,
        %get3A_1095 = vector.shape_cast %get3A_1094 : vector<1x16xf32> to vector<16xf32>
        %get3A_1096 = arith.index_cast %add3A_1082 : i32 to index
        %get3A_1097 = arith.constant 16 : index
        %get3A_1098 = tpu.vector_load %arg13[%get3A_1096, %get3A_1097] {strides = array<i32>} : memref<400x32xf32, #tpu.memory_space<vmem>>, vector<1x16xf32>,
        %get3A_1099 = vector.shape_cast %get3A_1098 : vector<1x16xf32> to vector<16xf32>
        %add3A_1100 = arith.addf %get3A_1095, %get3A_1099 : vector<16xf32>
        %slice3A_1101 = vector.extract_strided_slice %get3A_273 {offsets = [14], sizes = [1], strides = [1]} : vector<16xf32> to vector<1xf32>
        %squeeze3A_1102 = vector.extract %slice3A_1101[0] : f32 from vector<1xf32>
        %add3A_1103 = vector.broadcast %squeeze3A_1102 : f32 to vector<16xf32>
        %add3A_1104 = arith.addf %add3A_1100, %add3A_1103 : vector<16xf32>
        %neg3A_1105 = arith.constant 0.000000e+00 : f32
        %neg3A_1106 = vector.broadcast %neg3A_1105 : f32 to vector<16xf32>
        %neg3A_1107 = arith.subf %neg3A_1106, %add3A_1104 : vector<16xf32>
        %exp3A_1108 = math.exp %neg3A_1107 : vector<16xf32>
        %add3A_1109 = arith.constant 1.000000e+00 : f32
        %add3A_1110 = vector.broadcast %add3A_1109 : f32 to vector<16xf32>
        %add3A_1111 = arith.addf %add3A_1110, %exp3A_1108 : vector<16xf32>
        %div3A_1112 = arith.constant 1.000000e+00 : f32
        %div3A_1113 = vector.broadcast %div3A_1112 : f32 to vector<16xf32>
        %div3A_1114 = arith.divf %div3A_1113, %add3A_1111 : vector<16xf32>
        %get3A_1115 = arith.index_cast %add3A_1082 : i32 to index
        %get3A_1116 = arith.constant 0 : index
        %get3A_1117 = tpu.vector_load %arg14[%get3A_1115, %get3A_1116] {strides = array<i32>} : memref<400x16xf32, #tpu.memory_space<vmem>>, vector<1x16xf32>,
        %get3A_1118 = vector.shape_cast %get3A_1117 : vector<1x16xf32> to vector<16xf32>
        %add3A_1119 = arith.addf %add3A_1091, %get3A_1118 : vector<16xf32>
        %max3A_1120 = arith.constant 0.000000e+00 : f32
        %max3A_1121 = vector.broadcast %max3A_1120 : f32 to vector<16xf32>
        %max3A_1122 = arith.maximumf %add3A_1119, %max3A_1121 : vector<16xf32>
        %swap3A_1123 = arith.index_cast %add3A_1082 : i32 to index
        %swap3A_1124 = arith.constant 0 : index
        %swap3A_1125 = tpu.vector_load %arg16[%swap3A_1123, %swap3A_1124] {strides = array<i32>} : memref<400x16xf32, #tpu.memory_space<vmem>>, vector<1x16xf32>,
        %swap3A_1126 = vector.shape_cast %swap3A_1125 : vector<1x16xf32> to vector<16xf32>
        %swap3A_1127 = vector.shape_cast %max3A_1122 : vector<16xf32> to vector<1x16xf32>
        tpu.vector_store %arg16[%swap3A_1123, %swap3A_1124], %swap3A_1127 {strides = array<i32>} : memref<400x16xf32, #tpu.memory_space<vmem>>, vector<1x16xf32>,
        %slice3A_1128 = vector.extract_strided_slice %div3A_1114 {offsets = [0], sizes = [1], strides = [1]} : vector<16xf32> to vector<1xf32>
        %squeeze3A_1129 = vector.extract %slice3A_1128[0] : f32 from vector<1xf32>
        %mul3A_1130 = vector.broadcast %squeeze3A_1129 : f32 to vector<16xf32>
        %mul3A_1131 = arith.mulf %max3A_1122, %mul3A_1130 : vector<16xf32>
        %swap3A_1132 = arith.index_cast %add3A_1082 : i32 to index
        %swap3A_1133 = arith.constant 0 : index
        %swap3A_1134 = tpu.vector_load %arg17[%swap3A_1132, %swap3A_1133] {strides = array<i32>} : memref<400x16xf32, #tpu.memory_space<vmem>>, vector<1x16xf32>,
        %swap3A_1135 = vector.shape_cast %swap3A_1134 : vector<1x16xf32> to vector<16xf32>
        %swap3A_1136 = vector.shape_cast %mul3A_1131 : vector<16xf32> to vector<1x16xf32>
        tpu.vector_store %arg17[%swap3A_1132, %swap3A_1133], %swap3A_1136 {strides = array<i32>} : memref<400x16xf32, #tpu.memory_space<vmem>>, vector<1x16xf32>,
        %mul3A_1137 = arith.constant 16 : i32
        %mul3A_1138 = arith.muli %scan3A_269, %mul3A_1137 : i32
        %add3A_1139 = arith.constant 15 : i32
        %add3A_1140 = arith.addi %mul3A_1138, %add3A_1139 : i32
        %get3A_1141 = arith.index_cast %add3A_1140 : i32 to index
        %get3A_1142 = arith.constant 0 : index
        %get3A_1143 = tpu.vector_load %arg12[%get3A_1141, %get3A_1142] {strides = array<i32>} : memref<400x32xf32, #tpu.memory_space<vmem>>, vector<1x16xf32>,
        %get3A_1144 = vector.shape_cast %get3A_1143 : vector<1x16xf32> to vector<16xf32>
        %get3A_1145 = arith.index_cast %add3A_1140 : i32 to index
        %get3A_1146 = arith.constant 0 : index
        %get3A_1147 = tpu.vector_load %arg13[%get3A_1145, %get3A_1146] {strides = array<i32>} : memref<400x32xf32, #tpu.memory_space<vmem>>, vector<1x16xf32>,
        %get3A_1148 = vector.shape_cast %get3A_1147 : vector<1x16xf32> to vector<16xf32>
        %add3A_1149 = arith.addf %get3A_1144, %get3A_1148 : vector<16xf32>
        %get3A_1150 = arith.index_cast %add3A_1140 : i32 to index
        %get3A_1151 = arith.constant 16 : index
        %get3A_1152 = tpu.vector_load %arg12[%get3A_1150, %get3A_1151] {strides = array<i32>} : memref<400x32xf32, #tpu.memory_space<vmem>>, vector<1x16xf32>,
        %get3A_1153 = vector.shape_cast %get3A_1152 : vector<1x16xf32> to vector<16xf32>
        %get3A_1154 = arith.index_cast %add3A_1140 : i32 to index
        %get3A_1155 = arith.constant 16 : index
        %get3A_1156 = tpu.vector_load %arg13[%get3A_1154, %get3A_1155] {strides = array<i32>} : memref<400x32xf32, #tpu.memory_space<vmem>>, vector<1x16xf32>,
        %get3A_1157 = vector.shape_cast %get3A_1156 : vector<1x16xf32> to vector<16xf32>
        %add3A_1158 = arith.addf %get3A_1153, %get3A_1157 : vector<16xf32>
        %slice3A_1159 = vector.extract_strided_slice %get3A_273 {offsets = [15], sizes = [1], strides = [1]} : vector<16xf32> to vector<1xf32>
        %squeeze3A_1160 = vector.extract %slice3A_1159[0] : f32 from vector<1xf32>
        %add3A_1161 = vector.broadcast %squeeze3A_1160 : f32 to vector<16xf32>
        %add3A_1162 = arith.addf %add3A_1158, %add3A_1161 : vector<16xf32>
        %neg3A_1163 = arith.constant 0.000000e+00 : f32
        %neg3A_1164 = vector.broadcast %neg3A_1163 : f32 to vector<16xf32>
        %neg3A_1165 = arith.subf %neg3A_1164, %add3A_1162 : vector<16xf32>
        %exp3A_1166 = math.exp %neg3A_1165 : vector<16xf32>
        %add3A_1167 = arith.constant 1.000000e+00 : f32
        %add3A_1168 = vector.broadcast %add3A_1167 : f32 to vector<16xf32>
        %add3A_1169 = arith.addf %add3A_1168, %exp3A_1166 : vector<16xf32>
        %div3A_1170 = arith.constant 1.000000e+00 : f32
        %div3A_1171 = vector.broadcast %div3A_1170 : f32 to vector<16xf32>
        %div3A_1172 = arith.divf %div3A_1171, %add3A_1169 : vector<16xf32>
        %get3A_1173 = arith.index_cast %add3A_1140 : i32 to index
        %get3A_1174 = arith.constant 0 : index
        %get3A_1175 = tpu.vector_load %arg14[%get3A_1173, %get3A_1174] {strides = array<i32>} : memref<400x16xf32, #tpu.memory_space<vmem>>, vector<1x16xf32>,
        %get3A_1176 = vector.shape_cast %get3A_1175 : vector<1x16xf32> to vector<16xf32>
        %add3A_1177 = arith.addf %add3A_1149, %get3A_1176 : vector<16xf32>
        %max3A_1178 = arith.constant 0.000000e+00 : f32
        %max3A_1179 = vector.broadcast %max3A_1178 : f32 to vector<16xf32>
        %max3A_1180 = arith.maximumf %add3A_1177, %max3A_1179 : vector<16xf32>
        %swap3A_1181 = arith.index_cast %add3A_1140 : i32 to index
        %swap3A_1182 = arith.constant 0 : index
        %swap3A_1183 = tpu.vector_load %arg16[%swap3A_1181, %swap3A_1182] {strides = array<i32>} : memref<400x16xf32, #tpu.memory_space<vmem>>, vector<1x16xf32>,
        %swap3A_1184 = vector.shape_cast %swap3A_1183 : vector<1x16xf32> to vector<16xf32>
        %swap3A_1185 = vector.shape_cast %max3A_1180 : vector<16xf32> to vector<1x16xf32>
        tpu.vector_store %arg16[%swap3A_1181, %swap3A_1182], %swap3A_1185 {strides = array<i32>} : memref<400x16xf32, #tpu.memory_space<vmem>>, vector<1x16xf32>,
        %slice3A_1186 = vector.extract_strided_slice %div3A_1172 {offsets = [0], sizes = [1], strides = [1]} : vector<16xf32> to vector<1xf32>
        %squeeze3A_1187 = vector.extract %slice3A_1186[0] : f32 from vector<1xf32>
        %mul3A_1188 = vector.broadcast %squeeze3A_1187 : f32 to vector<16xf32>
        %mul3A_1189 = arith.mulf %max3A_1180, %mul3A_1188 : vector<16xf32>
        %swap3A_1190 = arith.index_cast %add3A_1140 : i32 to index
        %swap3A_1191 = arith.constant 0 : index
        %swap3A_1192 = tpu.vector_load %arg17[%swap3A_1190, %swap3A_1191] {strides = array<i32>} : memref<400x16xf32, #tpu.memory_space<vmem>>, vector<1x16xf32>,
        %swap3A_1193 = vector.shape_cast %swap3A_1192 : vector<1x16xf32> to vector<16xf32>
        %swap3A_1194 = vector.shape_cast %mul3A_1189 : vector<16xf32> to vector<1x16xf32>
        tpu.vector_store %arg17[%swap3A_1190, %swap3A_1191], %swap3A_1194 {strides = array<i32>} : memref<400x16xf32, #tpu.memory_space<vmem>>, vector<1x16xf32>,
      }
      %scan3A_263 = arith.constant 25 : i32
      "tpu.region"() ({
        %run_scoped3A_269 = tpu.sem_alloc : memref<!tpu.dma_semaphore, #tpu.memory_space<semaphore_mem>>
        %dma_start3A_270 = arith.constant 0 : i32
        %dma_start3A_271 = tpu.memref_slice %arg8[%add3A_30, %dma_start3A_270] : memref<320000x16xf32, #tpu.memory_space<hbm>> -> memref<400x16xf32, #tpu.memory_space<hbm>>
        %dma_start3A_272 = arith.constant 0 : i32
        %dma_start3A_273 = tpu.memref_slice %arg8[%add3A_30, %dma_start3A_272] : memref<320000x16xf32, #tpu.memory_space<hbm>> -> memref<400x16xf32, #tpu.memory_space<hbm>>
        tpu.enqueue_dma source(%arg16 : memref<400x16xf32, #tpu.memory_space<vmem>>) target(%dma_start3A_273 : memref<400x16xf32, #tpu.memory_space<hbm>>) target_semaphore(%run_scoped3A_269 : memref<!tpu.dma_semaphore, #tpu.memory_space<semaphore_mem>>)
        %dma_wait3A_274 = arith.constant 0 : i32
        %dma_wait3A_275 = tpu.memref_slice %arg8[%add3A_30, %dma_wait3A_274] : memref<320000x16xf32, #tpu.memory_space<hbm>> -> memref<400x16xf32, #tpu.memory_space<hbm>>
        %dma_wait3A_276 = arith.constant 0 : i32
        %dma_wait3A_277 = tpu.memref_slice %arg8[%add3A_30, %dma_wait3A_276] : memref<320000x16xf32, #tpu.memory_space<hbm>> -> memref<400x16xf32, #tpu.memory_space<hbm>>
        tpu.wait_dma2 semaphore(%run_scoped3A_269 : memref<!tpu.dma_semaphore, #tpu.memory_space<semaphore_mem>>) src(%arg16 : memref<400x16xf32, #tpu.memory_space<vmem>>) dst(%dma_wait3A_277 : memref<400x16xf32, #tpu.memory_space<hbm>>)
        tpu.yield
      }) : () -> ()
      %run_scoped3A_264 = arith.constant 0 : i32
      "tpu.region"() ({
        %run_scoped3A_269 = tpu.sem_alloc : memref<!tpu.dma_semaphore, #tpu.memory_space<semaphore_mem>>
        %dma_start3A_270 = arith.constant 0 : i32
        %dma_start3A_271 = arith.constant 0 : i32
        %dma_start3A_272 = tpu.memref_slice %arg17[%dma_start3A_270, %dma_start3A_271] : memref<400x16xf32, #tpu.memory_space<vmem>> -> memref<80x16xf32, #tpu.memory_space<vmem>>
        %dma_start3A_273 = arith.constant 0 : i32
        %dma_start3A_274 = tpu.memref_slice %arg11[%run_scoped3A_264, %dma_start3A_273] : memref<5x80xi32, #tpu.memory_space<vmem>> -> memref<1x80xi32, #tpu.memory_space<vmem>>
        %dma_start3A_275 = tpu.memref_squeeze %dma_start3A_274 : memref<1x80xi32, #tpu.memory_space<vmem>> -> memref<80xi32, #tpu.memory_space<vmem>>
        %dma_start3A_276 = arith.constant 0 : i32
        %dma_start3A_277 = arith.constant 0 : i32
        %dma_start3A_278 = tpu.memref_slice %arg18[%dma_start3A_276, %dma_start3A_277] : memref<10000x16xf32, #tpu.memory_space<vmem_shared>> -> memref<10000x16xf32, #tpu.memory_space<vmem_shared>>
        tpu.enqueue_indirect_dma source(%dma_start3A_272 : memref<80x16xf32, #tpu.memory_space<vmem>>) target(%dma_start3A_278 : memref<10000x16xf32, #tpu.memory_space<vmem_shared>>) offsets(%dma_start3A_275 : memref<80xi32, #tpu.memory_space<vmem>>) semaphore(%run_scoped3A_269 : memref<!tpu.dma_semaphore, #tpu.memory_space<semaphore_mem>>) {add = true}
        %dma_wait3A_279 = arith.constant 0 : i32
        %dma_wait3A_280 = arith.constant 0 : i32
        %dma_wait3A_281 = tpu.memref_slice %arg17[%dma_wait3A_279, %dma_wait3A_280] : memref<400x16xf32, #tpu.memory_space<vmem>> -> memref<80x16xf32, #tpu.memory_space<vmem>>
        %dma_wait3A_282 = arith.constant 0 : i32
        %dma_wait3A_283 = tpu.memref_slice %arg11[%run_scoped3A_264, %dma_wait3A_282] : memref<5x80xi32, #tpu.memory_space<vmem>> -> memref<1x80xi32, #tpu.memory_space<vmem>>
        %dma_wait3A_284 = tpu.memref_squeeze %dma_wait3A_283 : memref<1x80xi32, #tpu.memory_space<vmem>> -> memref<80xi32, #tpu.memory_space<vmem>>
        %dma_wait3A_285 = arith.constant 0 : i32
        %dma_wait3A_286 = arith.constant 0 : i32
        %dma_wait3A_287 = tpu.memref_slice %arg18[%dma_wait3A_285, %dma_wait3A_286] : memref<10000x16xf32, #tpu.memory_space<vmem_shared>> -> memref<10000x16xf32, #tpu.memory_space<vmem_shared>>
        tpu.wait_indirect_dma semaphore(%run_scoped3A_269 : memref<!tpu.dma_semaphore, #tpu.memory_space<semaphore_mem>>) src(%dma_wait3A_281 : memref<80x16xf32, #tpu.memory_space<vmem>>) dst(%dma_wait3A_287 : memref<10000x16xf32, #tpu.memory_space<vmem_shared>>)
        tpu.yield
      }) : () -> ()
      %run_scoped3A_265 = arith.constant 1 : i32
      "tpu.region"() ({
        %run_scoped3A_269 = tpu.sem_alloc : memref<!tpu.dma_semaphore, #tpu.memory_space<semaphore_mem>>
        %dma_start3A_270 = arith.constant 80 : i32
        %dma_start3A_271 = arith.constant 0 : i32
        %dma_start3A_272 = tpu.memref_slice %arg17[%dma_start3A_270, %dma_start3A_271] : memref<400x16xf32, #tpu.memory_space<vmem>> -> memref<80x16xf32, #tpu.memory_space<vmem>>
        %dma_start3A_273 = arith.constant 0 : i32
        %dma_start3A_274 = tpu.memref_slice %arg11[%run_scoped3A_265, %dma_start3A_273] : memref<5x80xi32, #tpu.memory_space<vmem>> -> memref<1x80xi32, #tpu.memory_space<vmem>>
        %dma_start3A_275 = tpu.memref_squeeze %dma_start3A_274 : memref<1x80xi32, #tpu.memory_space<vmem>> -> memref<80xi32, #tpu.memory_space<vmem>>
        %dma_start3A_276 = arith.constant 0 : i32
        %dma_start3A_277 = arith.constant 0 : i32
        %dma_start3A_278 = tpu.memref_slice %arg18[%dma_start3A_276, %dma_start3A_277] : memref<10000x16xf32, #tpu.memory_space<vmem_shared>> -> memref<10000x16xf32, #tpu.memory_space<vmem_shared>>
        tpu.enqueue_indirect_dma source(%dma_start3A_272 : memref<80x16xf32, #tpu.memory_space<vmem>>) target(%dma_start3A_278 : memref<10000x16xf32, #tpu.memory_space<vmem_shared>>) offsets(%dma_start3A_275 : memref<80xi32, #tpu.memory_space<vmem>>) semaphore(%run_scoped3A_269 : memref<!tpu.dma_semaphore, #tpu.memory_space<semaphore_mem>>) {add = true}
        %dma_wait3A_279 = arith.constant 80 : i32
        %dma_wait3A_280 = arith.constant 0 : i32
        %dma_wait3A_281 = tpu.memref_slice %arg17[%dma_wait3A_279, %dma_wait3A_280] : memref<400x16xf32, #tpu.memory_space<vmem>> -> memref<80x16xf32, #tpu.memory_space<vmem>>
        %dma_wait3A_282 = arith.constant 0 : i32
        %dma_wait3A_283 = tpu.memref_slice %arg11[%run_scoped3A_265, %dma_wait3A_282] : memref<5x80xi32, #tpu.memory_space<vmem>> -> memref<1x80xi32, #tpu.memory_space<vmem>>
        %dma_wait3A_284 = tpu.memref_squeeze %dma_wait3A_283 : memref<1x80xi32, #tpu.memory_space<vmem>> -> memref<80xi32, #tpu.memory_space<vmem>>
        %dma_wait3A_285 = arith.constant 0 : i32
        %dma_wait3A_286 = arith.constant 0 : i32
        %dma_wait3A_287 = tpu.memref_slice %arg18[%dma_wait3A_285, %dma_wait3A_286] : memref<10000x16xf32, #tpu.memory_space<vmem_shared>> -> memref<10000x16xf32, #tpu.memory_space<vmem_shared>>
        tpu.wait_indirect_dma semaphore(%run_scoped3A_269 : memref<!tpu.dma_semaphore, #tpu.memory_space<semaphore_mem>>) src(%dma_wait3A_281 : memref<80x16xf32, #tpu.memory_space<vmem>>) dst(%dma_wait3A_287 : memref<10000x16xf32, #tpu.memory_space<vmem_shared>>)
        tpu.yield
      }) : () -> ()
      %run_scoped3A_266 = arith.constant 2 : i32
      "tpu.region"() ({
        %run_scoped3A_269 = tpu.sem_alloc : memref<!tpu.dma_semaphore, #tpu.memory_space<semaphore_mem>>
        %dma_start3A_270 = arith.constant 160 : i32
        %dma_start3A_271 = arith.constant 0 : i32
        %dma_start3A_272 = tpu.memref_slice %arg17[%dma_start3A_270, %dma_start3A_271] : memref<400x16xf32, #tpu.memory_space<vmem>> -> memref<80x16xf32, #tpu.memory_space<vmem>>
        %dma_start3A_273 = arith.constant 0 : i32
        %dma_start3A_274 = tpu.memref_slice %arg11[%run_scoped3A_266, %dma_start3A_273] : memref<5x80xi32, #tpu.memory_space<vmem>> -> memref<1x80xi32, #tpu.memory_space<vmem>>
        %dma_start3A_275 = tpu.memref_squeeze %dma_start3A_274 : memref<1x80xi32, #tpu.memory_space<vmem>> -> memref<80xi32, #tpu.memory_space<vmem>>
        %dma_start3A_276 = arith.constant 0 : i32
        %dma_start3A_277 = arith.constant 0 : i32
        %dma_start3A_278 = tpu.memref_slice %arg18[%dma_start3A_276, %dma_start3A_277] : memref<10000x16xf32, #tpu.memory_space<vmem_shared>> -> memref<10000x16xf32, #tpu.memory_space<vmem_shared>>
        tpu.enqueue_indirect_dma source(%dma_start3A_272 : memref<80x16xf32, #tpu.memory_space<vmem>>) target(%dma_start3A_278 : memref<10000x16xf32, #tpu.memory_space<vmem_shared>>) offsets(%dma_start3A_275 : memref<80xi32, #tpu.memory_space<vmem>>) semaphore(%run_scoped3A_269 : memref<!tpu.dma_semaphore, #tpu.memory_space<semaphore_mem>>) {add = true}
        %dma_wait3A_279 = arith.constant 160 : i32
        %dma_wait3A_280 = arith.constant 0 : i32
        %dma_wait3A_281 = tpu.memref_slice %arg17[%dma_wait3A_279, %dma_wait3A_280] : memref<400x16xf32, #tpu.memory_space<vmem>> -> memref<80x16xf32, #tpu.memory_space<vmem>>
        %dma_wait3A_282 = arith.constant 0 : i32
        %dma_wait3A_283 = tpu.memref_slice %arg11[%run_scoped3A_266, %dma_wait3A_282] : memref<5x80xi32, #tpu.memory_space<vmem>> -> memref<1x80xi32, #tpu.memory_space<vmem>>
        %dma_wait3A_284 = tpu.memref_squeeze %dma_wait3A_283 : memref<1x80xi32, #tpu.memory_space<vmem>> -> memref<80xi32, #tpu.memory_space<vmem>>
        %dma_wait3A_285 = arith.constant 0 : i32
        %dma_wait3A_286 = arith.constant 0 : i32
        %dma_wait3A_287 = tpu.memref_slice %arg18[%dma_wait3A_285, %dma_wait3A_286] : memref<10000x16xf32, #tpu.memory_space<vmem_shared>> -> memref<10000x16xf32, #tpu.memory_space<vmem_shared>>
        tpu.wait_indirect_dma semaphore(%run_scoped3A_269 : memref<!tpu.dma_semaphore, #tpu.memory_space<semaphore_mem>>) src(%dma_wait3A_281 : memref<80x16xf32, #tpu.memory_space<vmem>>) dst(%dma_wait3A_287 : memref<10000x16xf32, #tpu.memory_space<vmem_shared>>)
        tpu.yield
      }) : () -> ()
      %run_scoped3A_267 = arith.constant 3 : i32
      "tpu.region"() ({
        %run_scoped3A_269 = tpu.sem_alloc : memref<!tpu.dma_semaphore, #tpu.memory_space<semaphore_mem>>
        %dma_start3A_270 = arith.constant 240 : i32
        %dma_start3A_271 = arith.constant 0 : i32
        %dma_start3A_272 = tpu.memref_slice %arg17[%dma_start3A_270, %dma_start3A_271] : memref<400x16xf32, #tpu.memory_space<vmem>> -> memref<80x16xf32, #tpu.memory_space<vmem>>
        %dma_start3A_273 = arith.constant 0 : i32
        %dma_start3A_274 = tpu.memref_slice %arg11[%run_scoped3A_267, %dma_start3A_273] : memref<5x80xi32, #tpu.memory_space<vmem>> -> memref<1x80xi32, #tpu.memory_space<vmem>>
        %dma_start3A_275 = tpu.memref_squeeze %dma_start3A_274 : memref<1x80xi32, #tpu.memory_space<vmem>> -> memref<80xi32, #tpu.memory_space<vmem>>
        %dma_start3A_276 = arith.constant 0 : i32
        %dma_start3A_277 = arith.constant 0 : i32
        %dma_start3A_278 = tpu.memref_slice %arg18[%dma_start3A_276, %dma_start3A_277] : memref<10000x16xf32, #tpu.memory_space<vmem_shared>> -> memref<10000x16xf32, #tpu.memory_space<vmem_shared>>
        tpu.enqueue_indirect_dma source(%dma_start3A_272 : memref<80x16xf32, #tpu.memory_space<vmem>>) target(%dma_start3A_278 : memref<10000x16xf32, #tpu.memory_space<vmem_shared>>) offsets(%dma_start3A_275 : memref<80xi32, #tpu.memory_space<vmem>>) semaphore(%run_scoped3A_269 : memref<!tpu.dma_semaphore, #tpu.memory_space<semaphore_mem>>) {add = true}
        %dma_wait3A_279 = arith.constant 240 : i32
        %dma_wait3A_280 = arith.constant 0 : i32
        %dma_wait3A_281 = tpu.memref_slice %arg17[%dma_wait3A_279, %dma_wait3A_280] : memref<400x16xf32, #tpu.memory_space<vmem>> -> memref<80x16xf32, #tpu.memory_space<vmem>>
        %dma_wait3A_282 = arith.constant 0 : i32
        %dma_wait3A_283 = tpu.memref_slice %arg11[%run_scoped3A_267, %dma_wait3A_282] : memref<5x80xi32, #tpu.memory_space<vmem>> -> memref<1x80xi32, #tpu.memory_space<vmem>>
        %dma_wait3A_284 = tpu.memref_squeeze %dma_wait3A_283 : memref<1x80xi32, #tpu.memory_space<vmem>> -> memref<80xi32, #tpu.memory_space<vmem>>
        %dma_wait3A_285 = arith.constant 0 : i32
        %dma_wait3A_286 = arith.constant 0 : i32
        %dma_wait3A_287 = tpu.memref_slice %arg18[%dma_wait3A_285, %dma_wait3A_286] : memref<10000x16xf32, #tpu.memory_space<vmem_shared>> -> memref<10000x16xf32, #tpu.memory_space<vmem_shared>>
        tpu.wait_indirect_dma semaphore(%run_scoped3A_269 : memref<!tpu.dma_semaphore, #tpu.memory_space<semaphore_mem>>) src(%dma_wait3A_281 : memref<80x16xf32, #tpu.memory_space<vmem>>) dst(%dma_wait3A_287 : memref<10000x16xf32, #tpu.memory_space<vmem_shared>>)
        tpu.yield
      }) : () -> ()
      %run_scoped3A_268 = arith.constant 4 : i32
      "tpu.region"() ({
        %run_scoped3A_269 = tpu.sem_alloc : memref<!tpu.dma_semaphore, #tpu.memory_space<semaphore_mem>>
        %dma_start3A_270 = arith.constant 320 : i32
        %dma_start3A_271 = arith.constant 0 : i32
        %dma_start3A_272 = tpu.memref_slice %arg17[%dma_start3A_270, %dma_start3A_271] : memref<400x16xf32, #tpu.memory_space<vmem>> -> memref<80x16xf32, #tpu.memory_space<vmem>>
        %dma_start3A_273 = arith.constant 0 : i32
        %dma_start3A_274 = tpu.memref_slice %arg11[%run_scoped3A_268, %dma_start3A_273] : memref<5x80xi32, #tpu.memory_space<vmem>> -> memref<1x80xi32, #tpu.memory_space<vmem>>
        %dma_start3A_275 = tpu.memref_squeeze %dma_start3A_274 : memref<1x80xi32, #tpu.memory_space<vmem>> -> memref<80xi32, #tpu.memory_space<vmem>>
        %dma_start3A_276 = arith.constant 0 : i32
        %dma_start3A_277 = arith.constant 0 : i32
        %dma_start3A_278 = tpu.memref_slice %arg18[%dma_start3A_276, %dma_start3A_277] : memref<10000x16xf32, #tpu.memory_space<vmem_shared>> -> memref<10000x16xf32, #tpu.memory_space<vmem_shared>>
        tpu.enqueue_indirect_dma source(%dma_start3A_272 : memref<80x16xf32, #tpu.memory_space<vmem>>) target(%dma_start3A_278 : memref<10000x16xf32, #tpu.memory_space<vmem_shared>>) offsets(%dma_start3A_275 : memref<80xi32, #tpu.memory_space<vmem>>) semaphore(%run_scoped3A_269 : memref<!tpu.dma_semaphore, #tpu.memory_space<semaphore_mem>>) {add = true}
        %dma_wait3A_279 = arith.constant 320 : i32
        %dma_wait3A_280 = arith.constant 0 : i32
        %dma_wait3A_281 = tpu.memref_slice %arg17[%dma_wait3A_279, %dma_wait3A_280] : memref<400x16xf32, #tpu.memory_space<vmem>> -> memref<80x16xf32, #tpu.memory_space<vmem>>
        %dma_wait3A_282 = arith.constant 0 : i32
        %dma_wait3A_283 = tpu.memref_slice %arg11[%run_scoped3A_268, %dma_wait3A_282] : memref<5x80xi32, #tpu.memory_space<vmem>> -> memref<1x80xi32, #tpu.memory_space<vmem>>
        %dma_wait3A_284 = tpu.memref_squeeze %dma_wait3A_283 : memref<1x80xi32, #tpu.memory_space<vmem>> -> memref<80xi32, #tpu.memory_space<vmem>>
        %dma_wait3A_285 = arith.constant 0 : i32
        %dma_wait3A_286 = arith.constant 0 : i32
        %dma_wait3A_287 = tpu.memref_slice %arg18[%dma_wait3A_285, %dma_wait3A_286] : memref<10000x16xf32, #tpu.memory_space<vmem_shared>> -> memref<10000x16xf32, #tpu.memory_space<vmem_shared>>
        tpu.wait_indirect_dma semaphore(%run_scoped3A_269 : memref<!tpu.dma_semaphore, #tpu.memory_space<semaphore_mem>>) src(%dma_wait3A_281 : memref<80x16xf32, #tpu.memory_space<vmem>>) dst(%dma_wait3A_287 : memref<10000x16xf32, #tpu.memory_space<vmem_shared>>)
        tpu.yield
      }) : () -> ()
    }
    %scan3A_18 = arith.constant 25 : i32
    %barrier3A_19 = arith.constant 0 : index
    tpu.barrier barrier_id(%barrier3A_19)
    "tpu.region"() ({
      %run_scoped3A = tpu.sem_alloc : memref<!tpu.dma_semaphore, #tpu.memory_space<semaphore_mem>>
      %dma_start3A = arith.constant 0 : i32
      %dma_start3A_25 = tpu.memref_slice %arg9[%arg0, %mul3A_8, %dma_start3A] : memref<2x10000x16xf32, #tpu.memory_space<hbm>> -> memref<1x624x16xf32, #tpu.memory_space<hbm>>
      %dma_start3A_26 = tpu.memref_squeeze %dma_start3A_25 : memref<1x624x16xf32, #tpu.memory_space<hbm>> -> memref<624x16xf32, #tpu.memory_space<hbm>>
      %dma_start3A_27 = arith.constant 0 : i32
      %dma_start3A_28 = tpu.memref_slice %arg18[%mul3A_8, %dma_start3A_27] : memref<10000x16xf32, #tpu.memory_space<vmem_shared>> -> memref<624x16xf32, #tpu.memory_space<vmem_shared>>
      tpu.enqueue_dma source(%dma_start3A_28 : memref<624x16xf32, #tpu.memory_space<vmem_shared>>) target(%dma_start3A_26 : memref<624x16xf32, #tpu.memory_space<hbm>>) target_semaphore(%run_scoped3A : memref<!tpu.dma_semaphore, #tpu.memory_space<semaphore_mem>>)
      %dma_wait3A = arith.constant 0 : i32
      %dma_wait3A_29 = tpu.memref_slice %arg9[%arg0, %mul3A_8, %dma_wait3A] : memref<2x10000x16xf32, #tpu.memory_space<hbm>> -> memref<1x624x16xf32, #tpu.memory_space<hbm>>
      %dma_wait3A_30 = tpu.memref_squeeze %dma_wait3A_29 : memref<1x624x16xf32, #tpu.memory_space<hbm>> -> memref<624x16xf32, #tpu.memory_space<hbm>>
      %dma_wait3A_31 = arith.constant 0 : i32
      %dma_wait3A_32 = tpu.memref_slice %arg18[%mul3A_8, %dma_wait3A_31] : memref<10000x16xf32, #tpu.memory_space<vmem_shared>> -> memref<624x16xf32, #tpu.memory_space<vmem_shared>>
      tpu.wait_dma2 semaphore(%run_scoped3A : memref<!tpu.dma_semaphore, #tpu.memory_space<semaphore_mem>>) src(%dma_wait3A_32 : memref<624x16xf32, #tpu.memory_space<vmem_shared>>) dst(%dma_wait3A_30 : memref<624x16xf32, #tpu.memory_space<hbm>>)
      tpu.yield
    }) : () -> ()
    %eq3A_20 = arith.constant 15 : i32
    %eq3A_21 = arith.cmpi eq, %arg1, %eq3A_20 : i32
    %convert_element_type3A_22 = arith.extui %eq3A_21 : i1 to i32
    %cond3A_23 = arith.constant 0 : i32
    %cond3A_24 = arith.cmpi ne, %convert_element_type3A_22, %cond3A_23 : i32
    scf.if %cond3A_24 {
      "tpu.region"() ({
        %run_scoped3A = tpu.sem_alloc : memref<!tpu.dma_semaphore, #tpu.memory_space<semaphore_mem>>
        %dma_start3A = arith.constant 9984 : i32
        %dma_start3A_25 = arith.constant 0 : i32
        %dma_start3A_26 = tpu.memref_slice %arg9[%arg0, %dma_start3A, %dma_start3A_25] : memref<2x10000x16xf32, #tpu.memory_space<hbm>> -> memref<1x16x16xf32, #tpu.memory_space<hbm>>
        %dma_start3A_27 = tpu.memref_squeeze %dma_start3A_26 : memref<1x16x16xf32, #tpu.memory_space<hbm>> -> memref<16x16xf32, #tpu.memory_space<hbm>>
        %dma_start3A_28 = arith.constant 9984 : i32
        %dma_start3A_29 = arith.constant 0 : i32
        %dma_start3A_30 = tpu.memref_slice %arg18[%dma_start3A_28, %dma_start3A_29] : memref<10000x16xf32, #tpu.memory_space<vmem_shared>> -> memref<16x16xf32, #tpu.memory_space<vmem_shared>>
        tpu.enqueue_dma source(%dma_start3A_30 : memref<16x16xf32, #tpu.memory_space<vmem_shared>>) target(%dma_start3A_27 : memref<16x16xf32, #tpu.memory_space<hbm>>) target_semaphore(%run_scoped3A : memref<!tpu.dma_semaphore, #tpu.memory_space<semaphore_mem>>)
        %dma_wait3A = arith.constant 9984 : i32
        %dma_wait3A_31 = arith.constant 0 : i32
        %dma_wait3A_32 = tpu.memref_slice %arg9[%arg0, %dma_wait3A, %dma_wait3A_31] : memref<2x10000x16xf32, #tpu.memory_space<hbm>> -> memref<1x16x16xf32, #tpu.memory_space<hbm>>
        %dma_wait3A_33 = tpu.memref_squeeze %dma_wait3A_32 : memref<1x16x16xf32, #tpu.memory_space<hbm>> -> memref<16x16xf32, #tpu.memory_space<hbm>>
        %dma_wait3A_34 = arith.constant 9984 : i32
        %dma_wait3A_35 = arith.constant 0 : i32
        %dma_wait3A_36 = tpu.memref_slice %arg18[%dma_wait3A_34, %dma_wait3A_35] : memref<10000x16xf32, #tpu.memory_space<vmem_shared>> -> memref<16x16xf32, #tpu.memory_space<vmem_shared>>
        tpu.wait_dma2 semaphore(%run_scoped3A : memref<!tpu.dma_semaphore, #tpu.memory_space<semaphore_mem>>) src(%dma_wait3A_36 : memref<16x16xf32, #tpu.memory_space<vmem_shared>>) dst(%dma_wait3A_33 : memref<16x16xf32, #tpu.memory_space<hbm>>)
        tpu.yield
      }) : () -> ()
    } else {
    }
    return
  }
}

module attributes {stable_mosaic.version = 14 : i64} {
  func.func @_nodeproj_body(%arg0: i32, %arg1: memref<2000x128xf32, #tpu.memory_space<vmem>>, %arg2: memref<128x32xf32, #tpu.memory_space<vmem>>, %arg3: memref<128x32xf32, #tpu.memory_space<vmem>>, %arg4: memref<2000x32xf32, #tpu.memory_space<vmem>>, %arg5: memref<2000x32xf32, #tpu.memory_space<vmem>>) attributes {dimension_semantics = [#tpu.dimension_semantics<arbitrary>], iteration_bounds = array<i64: 5>, scalar_prefetch = 0 : i64, scratch_operands = 0 : i64, tpu.core_type = #tpu.core_type<tc>, window_params = [{transform_indices = @transform_0, window_bounds = array<i64: 2000, 128>}, {pipeline_mode = #tpu.pipeline_mode<synchronous>, transform_indices = @transform_1, window_bounds = array<i64: 128, 32>}, {pipeline_mode = #tpu.pipeline_mode<synchronous>, transform_indices = @transform_2, window_bounds = array<i64: 128, 32>}, {transform_indices = @transform_3, window_bounds = array<i64: 2000, 32>}, {transform_indices = @transform_4, window_bounds = array<i64: 2000, 32>}]} {
    %get3A = arith.constant 0 : index
    %get3A_0 = arith.constant 0 : index
    %get3A_1 = vector.load %arg1[%get3A, %get3A_0] : memref<2000x128xf32, #tpu.memory_space<vmem>>, vector<2000x128xf32>
    %get3A_2 = arith.constant 0 : index
    %get3A_3 = arith.constant 0 : index
    %get3A_4 = vector.load %arg2[%get3A_2, %get3A_3] : memref<128x32xf32, #tpu.memory_space<vmem>>, vector<128x32xf32>
    %dot_general3A = arith.constant dense<0.000000e+00> : vector<2000x32xf32>
    %dot_general3A_5 = tpu.matmul %get3A_1, %get3A_4, %dot_general3A {dimension_numbers = #tpu.dot_dimension_numbers<[1], [0], [0], [1], [0, 0, 1, 1], [], []>, transpose_lhs_hint = false} : vector<2000x128xf32>, vector<128x32xf32>, vector<2000x32xf32> -> vector<2000x32xf32>
    %swap3A = arith.constant 0 : index
    %swap3A_6 = arith.constant 0 : index
    %swap3A_7 = vector.load %arg4[%swap3A, %swap3A_6] : memref<2000x32xf32, #tpu.memory_space<vmem>>, vector<2000x32xf32>
    tpu.vector_store %arg4[%swap3A, %swap3A_6], %dot_general3A_5 {strides = array<i32>} : memref<2000x32xf32, #tpu.memory_space<vmem>>, vector<2000x32xf32>,
    %get3A_8 = arith.constant 0 : index
    %get3A_9 = arith.constant 0 : index
    %get3A_10 = vector.load %arg3[%get3A_8, %get3A_9] : memref<128x32xf32, #tpu.memory_space<vmem>>, vector<128x32xf32>
    %dot_general3A_11 = arith.constant dense<0.000000e+00> : vector<2000x32xf32>
    %dot_general3A_12 = tpu.matmul %get3A_1, %get3A_10, %dot_general3A_11 {dimension_numbers = #tpu.dot_dimension_numbers<[1], [0], [0], [1], [0, 0, 1, 1], [], []>, transpose_lhs_hint = false} : vector<2000x128xf32>, vector<128x32xf32>, vector<2000x32xf32> -> vector<2000x32xf32>
    %swap3A_13 = arith.constant 0 : index
    %swap3A_14 = arith.constant 0 : index
    %swap3A_15 = vector.load %arg5[%swap3A_13, %swap3A_14] : memref<2000x32xf32, #tpu.memory_space<vmem>>, vector<2000x32xf32>
    tpu.vector_store %arg5[%swap3A_13, %swap3A_14], %dot_general3A_12 {strides = array<i32>} : memref<2000x32xf32, #tpu.memory_space<vmem>>, vector<2000x32xf32>,
    return
  }
  func.func @transform_0(%arg0: i32) -> (i32, i32) {
    %c0_i32 = arith.constant 0 : i32
    %c0_i32_0 = arith.constant 0 : i32
    return %arg0, %c0_i32 : i32, i32
  }
  func.func @transform_1(%arg0: i32) -> (i32, i32) {
    %c0_i32 = arith.constant 0 : i32
    %c0_i32_0 = arith.constant 0 : i32
    %c0_i32_1 = arith.constant 0 : i32
    return %c0_i32, %c0_i32_0 : i32, i32
  }
  func.func @transform_2(%arg0: i32) -> (i32, i32) {
    %c0_i32 = arith.constant 0 : i32
    %c0_i32_0 = arith.constant 0 : i32
    %c0_i32_1 = arith.constant 0 : i32
    return %c0_i32, %c0_i32_0 : i32, i32
  }
  func.func @transform_3(%arg0: i32) -> (i32, i32) {
    %c0_i32 = arith.constant 0 : i32
    %c0_i32_0 = arith.constant 0 : i32
    return %arg0, %c0_i32 : i32, i32
  }
  func.func @transform_4(%arg0: i32) -> (i32, i32) {
    %c0_i32 = arith.constant 0 : i32
    %c0_i32_0 = arith.constant 0 : i32
    return %arg0, %c0_i32 : i32, i32
  }
}

module attributes {stable_mosaic.version = 14 : i64} {
  func.func @_edgeproj_body(%arg0: i32, %arg1: memref<8000x16xf32, #tpu.memory_space<vmem>>, %arg2: memref<16x16xf32, #tpu.memory_space<vmem>>, %arg3: memref<1x16xf32, #tpu.memory_space<vmem>>, %arg4: memref<16x1xf32, #tpu.memory_space<vmem>>, %arg5: memref<1x1xf32, #tpu.memory_space<vmem>>, %arg6: memref<8000x16xf32, #tpu.memory_space<vmem>>, %arg7: memref<8000x1xf32, #tpu.memory_space<vmem>>) attributes {dimension_semantics = [#tpu.dimension_semantics<arbitrary>], iteration_bounds = array<i64: 40>, scalar_prefetch = 0 : i64, scratch_operands = 0 : i64, tpu.core_type = #tpu.core_type<tc>, window_params = [{transform_indices = @transform_0, window_bounds = array<i64: 8000, 16>}, {pipeline_mode = #tpu.pipeline_mode<synchronous>, transform_indices = @transform_1, window_bounds = array<i64: 16, 16>}, {pipeline_mode = #tpu.pipeline_mode<synchronous>, transform_indices = @transform_2, window_bounds = array<i64: 1, 16>}, {pipeline_mode = #tpu.pipeline_mode<synchronous>, transform_indices = @transform_3, window_bounds = array<i64: 16, 1>}, {pipeline_mode = #tpu.pipeline_mode<synchronous>, transform_indices = @transform_4, window_bounds = array<i64: 1, 1>}, {transform_indices = @transform_5, window_bounds = array<i64: 8000, 16>}, {transform_indices = @transform_6, window_bounds = array<i64: 8000, 1>}]} {
    %get3A = arith.constant 0 : index
    %get3A_0 = arith.constant 0 : index
    %get3A_1 = vector.load %arg1[%get3A, %get3A_0] : memref<8000x16xf32, #tpu.memory_space<vmem>>, vector<8000x16xf32>
    %get3A_2 = arith.constant 0 : index
    %get3A_3 = arith.constant 0 : index
    %get3A_4 = vector.load %arg2[%get3A_2, %get3A_3] : memref<16x16xf32, #tpu.memory_space<vmem>>, vector<16x16xf32>
    %dot_general3A = arith.constant dense<0.000000e+00> : vector<8000x16xf32>
    %dot_general3A_5 = tpu.matmul %get3A_1, %get3A_4, %dot_general3A {dimension_numbers = #tpu.dot_dimension_numbers<[1], [0], [0], [1], [0, 0, 1, 1], [], []>, transpose_lhs_hint = false} : vector<8000x16xf32>, vector<16x16xf32>, vector<8000x16xf32> -> vector<8000x16xf32>
    %get3A_6 = arith.constant 0 : index
    %get3A_7 = arith.constant 0 : index
    %get3A_8 = vector.load %arg3[%get3A_6, %get3A_7] : memref<1x16xf32, #tpu.memory_space<vmem>>, vector<1x16xf32>
    %add3A = vector.broadcast %get3A_8 : vector<1x16xf32> to vector<8000x16xf32>
    %add3A_9 = arith.addf %dot_general3A_5, %add3A : vector<8000x16xf32>
    %swap3A = arith.constant 0 : index
    %swap3A_10 = arith.constant 0 : index
    %swap3A_11 = vector.load %arg6[%swap3A, %swap3A_10] : memref<8000x16xf32, #tpu.memory_space<vmem>>, vector<8000x16xf32>
    tpu.vector_store %arg6[%swap3A, %swap3A_10], %add3A_9 {strides = array<i32>} : memref<8000x16xf32, #tpu.memory_space<vmem>>, vector<8000x16xf32>,
    %get3A_12 = arith.constant 0 : index
    %get3A_13 = arith.constant 0 : index
    %get3A_14 = vector.load %arg4[%get3A_12, %get3A_13] : memref<16x1xf32, #tpu.memory_space<vmem>>, vector<16x1xf32>
    %dot_general3A_15 = arith.constant dense<0.000000e+00> : vector<8000x1xf32>
    %dot_general3A_16 = tpu.matmul %get3A_1, %get3A_14, %dot_general3A_15 {dimension_numbers = #tpu.dot_dimension_numbers<[1], [0], [0], [1], [0, 0, 1, 1], [], []>, transpose_lhs_hint = false} : vector<8000x16xf32>, vector<16x1xf32>, vector<8000x1xf32> -> vector<8000x1xf32>
    %get3A_17 = arith.constant 0 : index
    %get3A_18 = arith.constant 0 : index
    %get3A_19 = vector.load %arg5[%get3A_17, %get3A_18] : memref<1x1xf32, #tpu.memory_space<vmem>>, vector<1x1xf32>
    %add3A_20 = vector.broadcast %get3A_19 : vector<1x1xf32> to vector<8000x1xf32>
    %add3A_21 = arith.addf %dot_general3A_16, %add3A_20 : vector<8000x1xf32>
    %swap3A_22 = arith.constant 0 : index
    %swap3A_23 = arith.constant 0 : index
    %swap3A_24 = vector.load %arg7[%swap3A_22, %swap3A_23] : memref<8000x1xf32, #tpu.memory_space<vmem>>, vector<8000x1xf32>
    tpu.vector_store %arg7[%swap3A_22, %swap3A_23], %add3A_21 {strides = array<i32>} : memref<8000x1xf32, #tpu.memory_space<vmem>>, vector<8000x1xf32>,
    return
  }
  func.func @transform_0(%arg0: i32) -> (i32, i32) {
    %c0_i32 = arith.constant 0 : i32
    %c0_i32_0 = arith.constant 0 : i32
    return %arg0, %c0_i32 : i32, i32
  }
  func.func @transform_1(%arg0: i32) -> (i32, i32) {
    %c0_i32 = arith.constant 0 : i32
    %c0_i32_0 = arith.constant 0 : i32
    %c0_i32_1 = arith.constant 0 : i32
    return %c0_i32, %c0_i32_0 : i32, i32
  }
  func.func @transform_2(%arg0: i32) -> (i32, i32) {
    %c0_i32 = arith.constant 0 : i32
    %c0_i32_0 = arith.constant 0 : i32
    %c0_i32_1 = arith.constant 0 : i32
    return %c0_i32, %c0_i32_0 : i32, i32
  }
  func.func @transform_3(%arg0: i32) -> (i32, i32) {
    %c0_i32 = arith.constant 0 : i32
    %c0_i32_0 = arith.constant 0 : i32
    %c0_i32_1 = arith.constant 0 : i32
    return %c0_i32, %c0_i32_0 : i32, i32
  }
  func.func @transform_4(%arg0: i32) -> (i32, i32) {
    %c0_i32 = arith.constant 0 : i32
    %c0_i32_0 = arith.constant 0 : i32
    %c0_i32_1 = arith.constant 0 : i32
    return %c0_i32, %c0_i32_0 : i32, i32
  }
  func.func @transform_5(%arg0: i32) -> (i32, i32) {
    %c0_i32 = arith.constant 0 : i32
    %c0_i32_0 = arith.constant 0 : i32
    return %arg0, %c0_i32 : i32, i32
  }
  func.func @transform_6(%arg0: i32) -> (i32, i32) {
    %c0_i32 = arith.constant 0 : i32
    %c0_i32_0 = arith.constant 0 : i32
    return %arg0, %c0_i32 : i32, i32
  }
}

module attributes {stable_mosaic.version = 14 : i64} {
  func.func @_nodemodel_body(%arg0: i32, %arg1: memref<2000x128xf32, #tpu.memory_space<vmem>>, %arg2: memref<2000x16xf32, #tpu.memory_space<vmem>>, %arg3: memref<2000x16xf32, #tpu.memory_space<vmem>>, %arg4: memref<128x128xf32, #tpu.memory_space<vmem>>, %arg5: memref<16x128xf32, #tpu.memory_space<vmem>>, %arg6: memref<1x128xf32, #tpu.memory_space<vmem>>, %arg7: memref<2000x128xf32, #tpu.memory_space<vmem>>) attributes {dimension_semantics = [#tpu.dimension_semantics<arbitrary>], iteration_bounds = array<i64: 5>, scalar_prefetch = 0 : i64, scratch_operands = 0 : i64, tpu.core_type = #tpu.core_type<tc>, window_params = [{transform_indices = @transform_0, window_bounds = array<i64: 2000, 128>}, {transform_indices = @transform_1, window_bounds = array<i64: 2000, 16>}, {transform_indices = @transform_2, window_bounds = array<i64: 2000, 16>}, {pipeline_mode = #tpu.pipeline_mode<synchronous>, transform_indices = @transform_3, window_bounds = array<i64: 128, 128>}, {pipeline_mode = #tpu.pipeline_mode<synchronous>, transform_indices = @transform_4, window_bounds = array<i64: 16, 128>}, {pipeline_mode = #tpu.pipeline_mode<synchronous>, transform_indices = @transform_5, window_bounds = array<i64: 1, 128>}, {transform_indices = @transform_6, window_bounds = array<i64: 2000, 128>}]} {
    %get3A = arith.constant 0 : index
    %get3A_0 = arith.constant 0 : index
    %get3A_1 = vector.load %arg1[%get3A, %get3A_0] : memref<2000x128xf32, #tpu.memory_space<vmem>>, vector<2000x128xf32>
    %get3A_2 = arith.constant 0 : index
    %get3A_3 = arith.constant 0 : index
    %get3A_4 = vector.load %arg4[%get3A_2, %get3A_3] : memref<128x128xf32, #tpu.memory_space<vmem>>, vector<128x128xf32>
    %dot_general3A = arith.constant dense<0.000000e+00> : vector<2000x128xf32>
    %dot_general3A_5 = tpu.matmul %get3A_1, %get3A_4, %dot_general3A {dimension_numbers = #tpu.dot_dimension_numbers<[1], [0], [0], [1], [0, 0, 1, 1], [], []>, transpose_lhs_hint = false} : vector<2000x128xf32>, vector<128x128xf32>, vector<2000x128xf32> -> vector<2000x128xf32>
    %get3A_6 = arith.constant 0 : index
    %get3A_7 = arith.constant 0 : index
    %get3A_8 = vector.load %arg2[%get3A_6, %get3A_7] : memref<2000x16xf32, #tpu.memory_space<vmem>>, vector<2000x16xf32>
    %get3A_9 = arith.constant 0 : index
    %get3A_10 = arith.constant 0 : index
    %get3A_11 = vector.load %arg3[%get3A_9, %get3A_10] : memref<2000x16xf32, #tpu.memory_space<vmem>>, vector<2000x16xf32>
    %add3A = arith.addf %get3A_8, %get3A_11 : vector<2000x16xf32>
    %get3A_12 = arith.constant 0 : index
    %get3A_13 = arith.constant 0 : index
    %get3A_14 = vector.load %arg5[%get3A_12, %get3A_13] : memref<16x128xf32, #tpu.memory_space<vmem>>, vector<16x128xf32>
    %dot_general3A_15 = arith.constant dense<0.000000e+00> : vector<2000x128xf32>
    %dot_general3A_16 = tpu.matmul %add3A, %get3A_14, %dot_general3A_15 {dimension_numbers = #tpu.dot_dimension_numbers<[1], [0], [0], [1], [0, 0, 1, 1], [], []>, transpose_lhs_hint = false} : vector<2000x16xf32>, vector<16x128xf32>, vector<2000x128xf32> -> vector<2000x128xf32>
    %add3A_17 = arith.addf %dot_general3A_5, %dot_general3A_16 : vector<2000x128xf32>
    %get3A_18 = arith.constant 0 : index
    %get3A_19 = arith.constant 0 : index
    %get3A_20 = vector.load %arg6[%get3A_18, %get3A_19] : memref<1x128xf32, #tpu.memory_space<vmem>>, vector<1x128xf32>
    %add3A_21 = vector.broadcast %get3A_20 : vector<1x128xf32> to vector<2000x128xf32>
    %add3A_22 = arith.addf %add3A_17, %add3A_21 : vector<2000x128xf32>
    %max3A = arith.constant 0.000000e+00 : f32
    %max3A_23 = vector.broadcast %max3A : f32 to vector<2000x128xf32>
    %max3A_24 = arith.maximumf %add3A_22, %max3A_23 : vector<2000x128xf32>
    %swap3A = arith.constant 0 : index
    %swap3A_25 = arith.constant 0 : index
    %swap3A_26 = vector.load %arg7[%swap3A, %swap3A_25] : memref<2000x128xf32, #tpu.memory_space<vmem>>, vector<2000x128xf32>
    tpu.vector_store %arg7[%swap3A, %swap3A_25], %max3A_24 {strides = array<i32>} : memref<2000x128xf32, #tpu.memory_space<vmem>>, vector<2000x128xf32>,
    return
  }
  func.func @transform_0(%arg0: i32) -> (i32, i32) {
    %c0_i32 = arith.constant 0 : i32
    %c0_i32_0 = arith.constant 0 : i32
    return %arg0, %c0_i32 : i32, i32
  }
  func.func @transform_1(%arg0: i32) -> (i32, i32) {
    %c0_i32 = arith.constant 0 : i32
    %c0_i32_0 = arith.constant 0 : i32
    return %arg0, %c0_i32 : i32, i32
  }
  func.func @transform_2(%arg0: i32) -> (i32, i32) {
    %c0_i32 = arith.constant 0 : i32
    %c0_i32_0 = arith.constant 0 : i32
    return %arg0, %c0_i32 : i32, i32
  }
  func.func @transform_3(%arg0: i32) -> (i32, i32) {
    %c0_i32 = arith.constant 0 : i32
    %c0_i32_0 = arith.constant 0 : i32
    %c0_i32_1 = arith.constant 0 : i32
    return %c0_i32, %c0_i32_0 : i32, i32
  }
  func.func @transform_4(%arg0: i32) -> (i32, i32) {
    %c0_i32 = arith.constant 0 : i32
    %c0_i32_0 = arith.constant 0 : i32
    %c0_i32_1 = arith.constant 0 : i32
    return %c0_i32, %c0_i32_0 : i32, i32
  }
  func.func @transform_5(%arg0: i32) -> (i32, i32) {
    %c0_i32 = arith.constant 0 : i32
    %c0_i32_0 = arith.constant 0 : i32
    %c0_i32_1 = arith.constant 0 : i32
    return %c0_i32, %c0_i32_0 : i32, i32
  }
  func.func @transform_6(%arg0: i32) -> (i32, i32) {
    %c0_i32 = arith.constant 0 : i32
    %c0_i32_0 = arith.constant 0 : i32
    return %arg0, %c0_i32 : i32, i32
  }
}

</mosaic_0001>

<sc_bundles>
// kernel: kernel.6.cloned.1.call-start
scs
__scs_entry_jumppad:
0x0: {  	(pc) =	sbr.rel $0x88, $3  }
0x1: {  	(tag) =	ssettag $0x0;
	lr =	simm.s32 $0x1  }
0x2: {  	[smem:$0x3F98] =	sst lr;
	_ =	strace $0xD0000000  }
0x3: {  	_ = 	snop  }
0x4: {  	_ = 	snop  }
0x5: {  	_ = 	snop  }
0x6: {  	_ = 	snop  }
0x7: {  	_ = 	snop  }
__scs_overlays_trampoline_lowered:
0x8: {  	[smem:$0x3FA7] =	sst s0  }
0x9: {  	[smem:$0x3FA8] =	sst s1  }
0xa: {  	[smem:$0x3FA9] =	sst s2  }
0xb: {  	[smem:$0x3FAA] =	sst s3  }
0xc: {  	[smem:$0x3FAB] =	sst s4  }
0xd: {  	[smem:$0x3FAC] =	sst s5  }
0xe: {  	[smem:$0x3FAD] =	sst s6  }
0xf: {  	[smem:$0x3FAE] =	sst s7  }
0x10: {  	[smem:$0x3FAF] =	sst s8  }
0x11: {  	[smem:$0x3FB0] =	sst s9;
	s0 =	simm.s32 @!p0 $0x0  }
0x12: {  	s1 =	sld [smem:$0x3F96];
	s0 =	simm.s32 @p0 $0x1  }
0x13: {  	[smem:$0x3FB1] =	sst s0;
	s0 =	simm.s32 @!p1 $0x0  }
0x14: {  	s2 =	sld [smem:$0x3F95];
	s0 =	simm.s32 @p1 $0x1  }
0x15: {  	[smem:$0x3FB2] =	sst s0;
	s0 =	simm.s32 @!p2 $0x0  }
0x16: {  	s3 =	sld [smem:$0x3FDB];
	s0 =	simm.s32 @p2 $0x1  }
0x17: {  	s4 =	simm.s32 $0x1BF5;
	[smem:$0x3FB4] =	sst s0  }
0x18: {  	s0 =	sld [smem:$0x3F97];
	_ =	swait.ge [sflag:s4], $0x0  }
0x19: {  	s7 =	sld [smem:$0x3F98]  }
0x1a: {  	s8 =	sadd.s32 $0xFFFFE003, lr  }
0x1b: {  	s9 =	sadd.s32 $0xFFFFFEF7, lr;
	s5 =	simm.s32 $0xFFFFFFFF;
	p2 =	slt.u32 s8, $0xFFFFF086  }
0x1c: {  	p1 =	slt.u32 s9, $0xF7A;
	s5 =	simm.s32 @!p2 $0x0  }
0x1d: {  	s5 =	simm.s32 @p1 $0x1;
	p0 =	seq.s32 s7, s2  }
0x1e: {  	s7 =	smul.u32 @!p0 $0xF7A, s2;
	p2 =	seq.s32 @!p0 s5, $0x0  }
0x1f: {  	s9 =	smul.u32 $0xF7A, s1;
	s8 =	simm.s32 @!p0 $0x1BF5;
	p2 =	por !p2, p0  }
0x20: {  	[sflag:s8] =	ssyncset.s32 @!p0 $0xFFFFF086;
	s6 =	sadd.s32 @!p0 s3, s7;
	s7 =	simm.s32 @!p0 $0x108  }
0x21: {  	s3 =	sadd.s32 s3, s9;
	s6 =	sadd.s32 @!p0 $0x88, s6;
	s7 =	simm.s32 @p2 $0x1082  }
0x22: {  	[simem:s7], [sflag:s8] =	dma.local @!p0 [hbm:s6], $0xF7A  }
0x23: {  	s9 =	sor.u32 $0xD0000000, s2;
	s6 =	simm.s32 $0x108;
	_ =	swait.ge @!p0 [sflag:s8], $0x0  }
0x24: {  	s3 =	sadd.s32 $0x88, s3;
	s6 =	simm.s32 @!p1 $0x1082;
	[sflag:s4] =	ssyncset.s32 $0xFFFFF086  }
0x25: {  	[simem:s6], [sflag:s4] =	dma.local [hbm:s3], $0xF7A  }
0x26: {  	[smem:$0x3F98] =	sst s1;
	(tag) =	ssettag s2;
	_ =	strace s9  }
0x27: {  	s1 =	sld [smem:$0x3FA8]  }
0x28: {  	s2 =	sld [smem:$0x3FA9]  }
0x29: {  	s4 =	sld [smem:$0x3FAB]  }
0x2a: {  	p0 =	seq.s32 s5, $0x0;
	s5 =	sld [smem:$0x3FAC]  }
0x2b: {  	s6 =	sld [smem:$0x3FAD]  }
0x2c: {  	s7 =	sld [smem:$0x3FAE]  }
0x2d: {  	s3 =	simm.s32 $0x108;
	s8 =	sld [smem:$0x3FAF]  }
0x2e: {  	s3 =	simm.s32 @!p0 $0x1082;
	s9 =	sld [smem:$0x3FB0]  }
0x2f: {  	lr =	sadd.s32 s0, s3;
	s0 =	sld [smem:$0x3FA7]  }
0x30: {  	s3 =	sld [smem:$0x3FAA]  }
0x31: {  	[smem:$0x3FB3] =	sst s10  }
0x32: {  	s10 =	sld [smem:$0x3FB1];
	_ =	sdelay $0x3  }
0x33: {  	p0 =	seq.s32 s10, $0x1;
	s10 =	sld [smem:$0x3FB3];
	_ =	sdelay $0x3  }
0x34: {  	[smem:$0x3FB3] =	sst s10  }
0x35: {  	s10 =	sld [smem:$0x3FB2];
	_ =	sdelay $0x3  }
0x36: {  	p1 =	seq.s32 s10, $0x1;
	s10 =	sld [smem:$0x3FB3];
	_ =	sdelay $0x3  }
0x37: {  	[smem:$0x3FB3] =	sst s10  }
0x38: {  	s10 =	sld [smem:$0x3FB4]  }
0x39: {  	_ = 	snop;
	(pc) =	sbr.ind lr, $3  }
0x3a: {  	_ = 	snop  }
0x3b: {  	_ = 	snop  }
0x3c: {  	p2 =	seq.s32 s10, $0x1;
	s10 =	sld [smem:$0x3FB3]  }
0x3d: {  	_ =	shalt  }
0x3e: {  	_ =	shalt  }
0x3f: {  	_ =	shalt  }
0x40: {  	_ =	shalt  }
0x41: {  	_ =	shalt  }
0x42: {  	_ =	shalt  }
0x43: {  	_ =	shalt  }
0x44: {  	_ =	shalt  }
0x45: {  	_ =	shalt  }
0x46: {  	_ =	shalt  }
0x47: {  	_ =	shalt  }
0x48: {  	_ =	shalt  }
0x49: {  	_ =	shalt  }
0x4a: {  	_ =	shalt  }
0x4b: {  	_ =	shalt  }
0x4c: {  	_ =	shalt  }
0x4d: {  	_ =	shalt  }
0x4e: {  	_ =	shalt  }
0x4f: {  	_ =	shalt  }
0x50: {  	_ =	shalt  }
0x51: {  	_ =	shalt  }
0x52: {  	_ =	shalt  }
0x53: {  	_ =	shalt  }
0x54: {  	_ =	shalt  }
0x55: {  	_ =	shalt  }
0x56: {  	_ =	shalt  }
0x57: {  	_ =	shalt  }
0x58: {  	_ =	shalt  }
0x59: {  	_ =	shalt  }
0x5a: {  	_ =	shalt  }
0x5b: {  	_ =	shalt  }
0x5c: {  	_ =	shalt  }
0x5d: {  	_ =	shalt  }
0x5e: {  	_ =	shalt  }
0x5f: {  	_ =	shalt  }
0x60: {  	_ =	shalt  }
0x61: {  	_ =	shalt  }
0x62: {  	_ =	shalt  }
0x63: {  	_ =	shalt  }
0x64: {  	_ =	shalt  }
0x65: {  	_ =	shalt  }
0x66: {  	_ =	shalt  }
0x67: {  	_ =	shalt  }
0x68: {  	_ =	shalt  }
0x69: {  	_ =	shalt  }
0x6a: {  	_ =	shalt  }
0x6b: {  	_ =	shalt  }
0x6c: {  	_ =	shalt  }
0x6d: {  	_ =	shalt  }
0x6e: {  	_ =	shalt  }
0x6f: {  	_ =	shalt  }
0x70: {  	_ =	shalt  }
0x71: {  	_ =	shalt  }
0x72: {  	_ =	shalt  }
0x73: {  	_ =	shalt  }
0x74: {  	_ =	shalt  }
0x75: {  	_ =	shalt  }
0x76: {  	_ =	shalt  }
0x77: {  	_ =	shalt  }
0x78: {  	_ =	shalt  }
0x79: {  	_ =	shalt  }
0x7a: {  	_ =	shalt  }
0x7b: {  	_ =	shalt  }
0x7c: {  	_ =	shalt  }
0x7d: {  	_ =	shalt  }
0x7e: {  	_ =	shalt  }
0x7f: {  	_ =	shalt  }
0x80: {  	_ =	shalt  }
0x81: {  	_ =	shalt  }
0x82: {  	_ =	shalt  }
0x83: {  	_ =	shalt  }
0x84: {  	_ =	shalt  }
0x85: {  	_ =	shalt  }
0x86: {  	_ =	shalt  }
0x87: {  	_ =	shalt  }
.Lfunc_end0:
.L_simem_size_0:
called_computation_lowered:
.L_overlay_start_0:
0x88: {  	s2 =	sld [smem:$0x3FD9]  }
0x89: {  	s3 =	sld [smem:$0x3FFE];
	_ =	sdelay $0x1  }
0x8a: {  	s1 =	srdreg.scid  }
0x8b: {  	s0 =	sand.u32 $0x1, s1  }
0x8c: {  	s14 =	sshll.u32 s0, $0xA;
	s2 =	sadd.s32 s3, s2  }
0x8d: {  	s2 =	sadd.s32 s2, s14  }
0x8e: {  	[smem:$0x3FBF] =	sst s2  }
0x8f: {  	_ = 	snop  }
0x90: {  	s2 =	sld [smem:$0x3FD0];
	_ =	sdelay $0x2  }
0x91: {  	s15 =	simm.s32 $0xA;
	s4 =	simm.s32 $0x10  }
0x92: {  	[smem:s4], [sflag:s15] =	dma.local [hbm:s2], $0x1  }
0x93: {  	_ =	swait.eq [sflag:s15], $0x1  }
0x94: {  	[sflag:s15] =	ssyncset.done $0x0  }
0x95: {  	s16 =	sld [smem:$0x10];
	[sflag:s15] =	ssyncadd.s32 $0xFFFFFFFF  }
0x96: {  	s17 =	sld [smem:$0x11];
	(tm) =	ssettm $0x1  }
0x97: {  	s18 =	sld [smem:$0x3FFB];
	_ =	sdelay $0x3  }
0x98: {  	_ =	strace s18  }
0x99: {  	s4 =	sld [smem:$0x3FFC];
	_ =	sdelay $0x3  }
0x9a: {  	_ =	strace s4  }
0x9b: {  	s4 =	sld [smem:$0x3FFD];
	_ =	sdelay $0x3  }
0x9c: {  	_ =	strace s4  }
0x9d: {  	_ =	strace $0x8FFFFFFF  }
0x9e: {  	s19 =	sld [smem:$0x3FDB];
	_ =	sdelay $0x1  }
0x9f: {  	s5 =	simm.s32 $_scs_section_size  }
0xa0: {  	s6 =	simm.s32 $_size__tile_overlayer_lowered;
	s7 =	simm.s32 $_tile_overlayer_lowered  }
0xa1: {  	s22 =	simm.s32 $0x1BFF;
	s21 =	sshll.u32 s7, $0x1;
	s4 =	sadd.s32 s5, s19  }
0xa2: {  	s8 =	simm.s32 $0x0;
	s20 =	sshll.u32 s6, $0x1;
	s6 =	sadd.s32 s21, s4  }
0xa3: {  	[timem:s8], [sflag:s22] =	dma.local [hbm:s6], s20  }
0xa4: {  	_ =	swait.ge [sflag:s22], s20  }
0xa5: {  	s5 =	ssub.s32 $0x0, s20;
	[sflag:s22] =	ssyncset.done $0x0  }
0xa6: {  	[sflag:s22] =	ssyncadd.s32 s5;
	_ =	sdelay $0x1  }
0xa7: {  	s23 =	simm.s32 $0x1B8B  }
0xa8: {  	_ =	swait.ge [sflag:s23], $0x1  }
0xa9: {  	[sflag:s23] =	ssyncset.done $0x0  }
0xaa: {  	s25 =	simm.s32 $0x1B8E;
	s24 =	sld [smem:$0x3FFE];
	[sflag:s23] =	ssyncadd.s32 $0xFFFFFFFF  }
0xab: {  	s26 =	simm.s32 $execute0_lowered;
	[smem:$0x3FD2] =	sst s25  }
0xac: {  	s6 =	sshll.u32 s26, $0x1;
	_ =	strace $0x80000046;
	[dreg:$0x1] =	wrdreg $0xFFFFFFFF  }
0xad: {  	s28 =	simm.s32 $_size_execute0_lowered;
	s4 =	sadd.s32 s4, s6;
	[dreg:$0x0] =	wrdreg $0x0  }
0xae: {  	s6 =	sshll.u32 s28, $0x1;
	[dreg:$0x2] =	wrdreg s4  }
0xaf: {  	[dreg:$0x3] =	wrdreg s6  }
0xb0: {  	[dreg:$0x4] =	wrdreg $0xC0  }
0xb1: {  	_ =	task [dreg:s8], $0x5FFFF  }
0xb2: {  	[dreg:$0x1] =	wrdreg $0xFFFFFFFF  }
0xb3: {  	[dreg:$0x0] =	wrdreg $0x60  }
0xb4: {  	[dreg:$0x2] =	wrdreg s16  }
0xb5: {  	[dreg:$0x3] =	wrdreg s24  }
0xb6: {  	[dreg:$0x4] =	wrdreg s17  }
0xb7: {  	[dreg:$0x5] =	wrdreg $0xB3B00  }
0xb8: {  	[dreg:$0x6] =	wrdreg $0x9  }
0xb9: {  	_ =	task.clear_ibuf [dreg:s8], $0x7FFFF;
	_ =	strace $0x90000046  }
0xba: {  	s29 =	simm.s32 $0x9;
	_ =	strace $0x80000048  }
0xbb: {  	_ =	swait.ge [sflag:s29], $0x1  }
0xbc: {  	[sflag:s29] =	ssyncadd.s32 $0xFFFFFFFF  }
0xbd: {  	_ =	strace $0x90000048  }
0xbe: {  	_ =	sfence  }
0xbf: {  	s30 =	sld [smem:$0x0];
	_ =	sdelay $0x2  }
0xc0: {  	s31 =	sshll.u32 s1, $0xD;
	s1 =	sshrl.u32 s1, $0x2  }
0xc1: {  	s3 =	sand.u32 $0x4000, s31;
	s1 =	sadd.s32 s1, s30  }
0xc2: {  	s0 =	sor.u32 s3, s0;
	s1 =	sshll.u32 s1, $0x11  }
0xc3: {  	s0 =	sor.u32 s1, s0  }
0xc4: {  	s0 =	sadd.s32 $0x8F2B, s0  }
0xc5: {  	[sflag:s0] =	ssyncadd.remote.s32 $0x1  }
0xc6: {  	_ =	sfence.sel $0xFFFF  }
0xc7: {  	[dreg:$0x0] =	wrdreg $0xFFFFFFFF;
	(pc) =	sbr.abs _section_cstart, $3  }
0xc8: {  	[dreg:$0x1] =	wrdreg $0xFFFFFFFF  }
0xc9: {  	_ =	task.clear_ibuf [dreg:s8], $0x2FFFF;
	_ =	strace $0x9FFFFFFF  }
0xca: {  	(tm) =	ssettm $0x7FFFFFFF  }
0xcb: {  	_ =	shalt  }
tec
execute0_lowered:
.L_overlay_start_1:
0x0: {  	(tag) =	ssettag $0x1  }
0x1: {  	s1 =	rddreg [dreg:$0x0]  }
0x2: {  	s0 =	rddreg [dreg:$0x1]  }
0x3: {  	s3 =	rddreg [dreg:$0x3];
	s4 =	simm.s32 $0x0;
	s2 =	srdreg.scid  }
0x4: {  	s15 =	stileid.u32;
	s18 =	simm.s32 $0x9AB0;
	s19 =	simm.s32 $0x2  }
0x5: {  	s20 =	simm.s32 $0x190;
	s28 =	simm.s32 $0x140;
	s29 =	simm.s32 $0x2D0  }
0x6: {  	s30 =	simm.s32 $0x1;
	[smem:$0x7FF] =	sst s4;
	s6 =	sadd.s32 $0x2000, s0  }
0x7: {  	s7 =	sadd.s32 $0x15C00, s0;
	s8 =	sadd.s32 $0xBE00, s0;
	s2 =	sand.u32 $0x1, s2  }
0x8: {  	s9 =	sadd.s32 $0x1FA00, s0;
	s11 =	smul.u32 $0x9C00, s15;
	s10 =	sadd.s32 $0x33600, s0  }
0x9: {  	s0 =	sadd.s32 $0x29800, s0;
	s21 =	smul.u32 $0x2700, s15;
	s13 =	sshll.u32 s15, $0x1  }
0xa: {  	s16 =	sadd.s32 $0x27000, s3;
	p0 =	sne.s32 s15, $0xF;
	s15 =	simm.s32 $0xAEB0  }
0xb: {  	_ =	strace $0x80000047;
	s5 =	ssub.s32 $0x2, s2;
	s14 =	smul.u32 $0x27100, s2  }
0xc: {  	s2 =	sor.u32 s2, s13;
	[dreg:$0x7] =	wrdreg s16;
	s12 =	sshrl.u32 s5, $0x1  }
0xd: {  	s11 =	sshrl.u32 s11, $0x2;
	s13 =	sadd.s32 s21, s3;
	s5 =	ssub.s32 s5, s12  }
0xe: {  	s11 =	sadd.s32 s11, s3;
	s22 =	sadd.s32 s21, s14;
	s23 =	sshrl.u32 s14, $0x3  }
0xf: {  	s14 =	smul.u32 $0x2710, s2;
	s21 =	simm.s32 $0x50;
	s12 =	simm.s32 $0xA9B0  }
0x10: {  	[dreg:$0x5] =	wrdreg s13;
	s11 =	sadd.s32 $0x1900, s11;
	s24 =	sshrl.u32 s22, $0x3  }
0x11: {  	s25 =	sadd.s32 s0, s23;
	s31 =	smax.u32 s5, $0x1;
	s22 =	simm.s32 $0x1E0  }
0x12: {  	s23 =	simm.s32 $0xA0;
	s5 =	simm.s32 $0xA4B0;
	[dreg:$0x6] =	wrdreg s11  }
0x13: {  	s0 =	sadd.s32 s0, s24;
	s26 =	sadd.s32 $0x4E00, s25;
	[dreg:$0xa] =	wrdreg s31  }
0x14: {  	s24 =	simm.s32 $0x230;
	s25 =	simm.s32 $0xF0;
	[dreg:$0x8] =	wrdreg s0  }
0x15: {  	v0 =	vimm.f32 $0.0e+00;
	s11 =	simm.s32 $0x0;
	[dreg:$0x9] =	wrdreg s26;
	s26 =	simm.s32 $0x280  }
.LBB2_1:
0x16: {  	s0 =	simm.s32 $0x40;
	s2 =	simm.s32 $0x0  }
.LBB2_2:
0x17: {  	p1 =	sne.s32 s0, $0x63C0;
	[tilespmem:s2+$0x9AB0] =	vst v0;
	s2 =	smov.u32 s0;
	s0 =	sadd.s32 $0x40, s0  }
.Ltmp0:
0x18: {  	(pc) =	sbr.rel @p1 .LBB2_2-.Ltmp0, $2  }
0x19: {  	_ =	sdelay $0x2  }
0x1a: {  	s2 =	sshra.s32 s2, $0x2  }
0x1b: {  	[dreg:$0xb] =	wrdreg s11;
	[tilespmem:s2+$0x9AB0] =	vst v0  }
0x1c: {  	[spmem:s13] =	stream.linear.scatter [tilespmem:s18], [sflag:$0x2], $0x1900, $0x38;
	[tilespmem:$0xDAC0] =	vst v63  }
0x1d: {  	_ =	swait.ge [sflag:s19], $0x1900  }
0x1e: {  	[sflag:s19] =	ssyncset.done $0x0  }
0x1f: {  	s0 =	rddreg [dreg:$0x6];
	[sflag:s19] =	ssyncadd.s32 $0xFFFFE700  }
0x20: {  	[spmem:s0] =	stream.linear.scatter [tilespmem:s18], [sflag:$0x2], $0xE00, $0x38;
	[tilespmem:$0xDAC0] =	vst v63  }
0x21: {  	_ =	swait.ge [sflag:s19], $0xE00  }
0x22: {  	[sflag:s19] =	ssyncset.done $0x0  }
0x23: {  	s0 =	simm.s32 @!p0 $0x9AB0;
	[sflag:s19] =	ssyncadd.s32 $0xFFFFF200  }
0x24: {  	[spmem:s16] =	stream.linear.scatter @!p0 [tilespmem:s0], [sflag:$0x2], $0x100, $0x38;
	[tilespmem:$0xDAC0] =	vst v63  }
0x25: {  	s0 =	simm.s32 @!p0 $0x2  }
0x26: {  	_ =	swait.ge @!p0 [sflag:s0], $0x100  }
0x27: {  	[sflag:s0] =	ssyncset.done @!p0 $0x0  }
0x28: {  	[sflag:s0] =	ssyncadd.s32 @!p0 $0xFFFFFF00  }
0x29: {  	s16 =	simm.s32 $0x0;
	[bflag:$0x0] =	sbarrier.arrive $0xFFFF  }
.LBB2_4:
0x2a: {  	s0 =	smul.u32 $0x190, s16;
	_ =	sdelay $0x1  }
0x2b: {  	s0 =	sadd.s32 s14, s0  }
0x2c: {  	s2 =	sshrl.u32 s0, $0x3  }
0x2d: {  	s11 =	sadd.s32 s7, s2  }
0x2e: {  	[tilespmem:s4], [sflag:$0x2] =	stream.linear.gather [hbm4b:s11+s4], $0x50, $0x38;
	[tilespmem:$0xDAC0] =	vst v63  }
0x2f: {  	_ =	swait.ge [sflag:s19], $0x50  }
0x30: {  	[sflag:s19] =	ssyncset.done $0x0  }
0x31: {  	s13 =	sadd.s32 s8, s2;
	[sflag:s19] =	ssyncadd.s32 $0xFFFFFFB0  }
0x32: {  	[tilespmem:s20], [sflag:$0x2] =	stream.linear.gather [hbm4b:s13+s4], $0x50, $0x38;
	[tilespmem:$0xDAC0] =	vst v63  }
0x33: {  	_ =	swait.ge [sflag:s19], $0x50  }
0x34: {  	s17 =	sadd.s32 $0xA, s2;
	[sflag:s19] =	ssyncset.done $0x0  }
0x35: {  	s13 =	sadd.s32 s7, s17;
	[sflag:s19] =	ssyncadd.s32 $0xFFFFFFB0  }
0x36: {  	[tilespmem:s21], [sflag:$0x2] =	stream.linear.gather [hbm4b:s13+s4], $0x50, $0x38;
	[tilespmem:$0xDAC0] =	vst v63  }
0x37: {  	_ =	swait.ge [sflag:s19], $0x50  }
0x38: {  	[sflag:s19] =	ssyncset.done $0x0  }
0x39: {  	s11 =	sadd.s32 s8, s17;
	[sflag:s19] =	ssyncadd.s32 $0xFFFFFFB0  }
0x3a: {  	[tilespmem:s22], [sflag:$0x2] =	stream.linear.gather [hbm4b:s11+s4], $0x50, $0x38;
	[tilespmem:$0xDAC0] =	vst v63  }
0x3b: {  	_ =	swait.ge [sflag:s19], $0x50  }
0x3c: {  	s11 =	sadd.s32 $0x14, s2;
	[sflag:s19] =	ssyncset.done $0x0  }
0x3d: {  	s17 =	sadd.s32 s7, s11;
	[sflag:s19] =	ssyncadd.s32 $0xFFFFFFB0  }
0x3e: {  	[tilespmem:s23], [sflag:$0x2] =	stream.linear.gather [hbm4b:s17+s4], $0x50, $0x38;
	[tilespmem:$0xDAC0] =	vst v63  }
0x3f: {  	_ =	swait.ge [sflag:s19], $0x50  }
0x40: {  	[sflag:s19] =	ssyncset.done $0x0  }
0x41: {  	s11 =	sadd.s32 s8, s11;
	[sflag:s19] =	ssyncadd.s32 $0xFFFFFFB0  }
0x42: {  	[tilespmem:s24], [sflag:$0x2] =	stream.linear.gather [hbm4b:s11+s4], $0x50, $0x38;
	[tilespmem:$0xDAC0] =	vst v63  }
0x43: {  	_ =	swait.ge [sflag:s19], $0x50  }
0x44: {  	s11 =	sadd.s32 $0x1E, s2;
	[sflag:s19] =	ssyncset.done $0x0  }
0x45: {  	s17 =	sadd.s32 s7, s11;
	[sflag:s19] =	ssyncadd.s32 $0xFFFFFFB0  }
0x46: {  	[tilespmem:s25], [sflag:$0x2] =	stream.linear.gather [hbm4b:s17+s4], $0x50, $0x38;
	[tilespmem:$0xDAC0] =	vst v63  }
0x47: {  	_ =	swait.ge [sflag:s19], $0x50  }
0x48: {  	[sflag:s19] =	ssyncset.done $0x0  }
0x49: {  	s11 =	sadd.s32 s8, s11;
	[sflag:s19] =	ssyncadd.s32 $0xFFFFFFB0  }
0x4a: {  	[tilespmem:s26], [sflag:$0x2] =	stream.linear.gather [hbm4b:s11+s4], $0x50, $0x38;
	[tilespmem:$0xDAC0] =	vst v63  }
0x4b: {  	_ =	swait.ge [sflag:s19], $0x50  }
0x4c: {  	s11 =	sadd.s32 $0x28, s2;
	[sflag:s19] =	ssyncset.done $0x0  }
0x4d: {  	s17 =	sadd.s32 s7, s11;
	[sflag:s19] =	ssyncadd.s32 $0xFFFFFFB0  }
0x4e: {  	[tilespmem:s28], [sflag:$0x2] =	stream.linear.gather [hbm4b:s17+s4], $0x50, $0x38;
	[tilespmem:$0xDAC0] =	vst v63  }
0x4f: {  	_ =	swait.ge [sflag:s19], $0x50  }
0x50: {  	[sflag:s19] =	ssyncset.done $0x0  }
0x51: {  	s11 =	sadd.s32 s8, s11;
	[sflag:s19] =	ssyncadd.s32 $0xFFFFFFB0  }
0x52: {  	[tilespmem:s29], [sflag:$0x2] =	stream.linear.gather [hbm4b:s11+s4], $0x50, $0x38;
	[tilespmem:$0xDAC0] =	vst v63  }
0x53: {  	_ =	swait.ge [sflag:s19], $0x50  }
0x54: {  	[sflag:s19] =	ssyncset.done $0x0  }
0x55: {  	[sflag:s19] =	ssyncadd.s32 $0xFFFFFFB0  }
0x56: {  	s17 =	sshll.u32 s0, $0x1;
	s11 =	rddreg [dreg:$0x2]  }
0x57: {  	s13 =	simm.s32 $0x6720;
	s0 =	sadd.s32 s11, s17  }
0x58: {  	[tilespmem:s13], [sflag:$0x2] =	stream.linear.gather [hbm4b:s0+s4], $0x1900, $0x38;
	[tilespmem:$0xDAC0] =	vst v63  }
0x59: {  	_ =	swait.ge [sflag:s19], $0x1900  }
0x5a: {  	[sflag:s19] =	ssyncset.done $0x0  }
0x5b: {  	s11 =	simm.s32 $0x8020;
	s13 =	sadd.s32 s9, s2;
	[sflag:s19] =	ssyncadd.s32 $0xFFFFE700  }
0x5c: {  	[tilespmem:s11], [sflag:$0x2] =	stream.linear.gather [hbm4b:s13+s4], $0x190, $0x38;
	[tilespmem:$0xDAC0] =	vst v63  }
0x5d: {  	_ =	swait.ge [sflag:s19], $0x190  }
0x5e: {  	[sflag:s19] =	ssyncset.done $0x0  }
0x5f: {  	s2 =	simm.s32 $0x320;
	[sflag:s19] =	ssyncadd.s32 $0xFFFFFE70  }
0x60: {  	[tilespmem:s2], [sflag:$0x1] =	stream.indirect.gather [hbm4b:s1+s21], $0x20, s4, s21, $0xb8;
	[tilespmem:$0xDAC0] =	vst v63  }
0x61: {  	s13 =	simm.s32 $0x3520  }
0x62: {  	[tilespmem:s13], [sflag:$0x1] =	stream.indirect.gather [hbm4b:s6+s21], $0x20, s20, s21, $0xb8;
	[tilespmem:$0xDAC0] =	vst v63  }
0x63: {  	s2 =	simm.s32 $0xD20  }
0x64: {  	[tilespmem:s2], [sflag:$0x1] =	stream.indirect.gather [hbm4b:s1+s21], $0x20, s21, s21, $0xb8;
	[tilespmem:$0xDAC0] =	vst v63  }
0x65: {  	s13 =	simm.s32 $0x3F20  }
0x66: {  	[tilespmem:s13], [sflag:$0x1] =	stream.indirect.gather [hbm4b:s6+s21], $0x20, s22, s21, $0xb8;
	[tilespmem:$0xDAC0] =	vst v63  }
0x67: {  	s2 =	simm.s32 $0x1720  }
0x68: {  	[tilespmem:s2], [sflag:$0x1] =	stream.indirect.gather [hbm4b:s1+s21], $0x20, s23, s21, $0xb8;
	[tilespmem:$0xDAC0] =	vst v63  }
0x69: {  	s13 =	simm.s32 $0x4920  }
0x6a: {  	[tilespmem:s13], [sflag:$0x1] =	stream.indirect.gather [hbm4b:s6+s21], $0x20, s24, s21, $0xb8;
	[tilespmem:$0xDAC0] =	vst v63  }
0x6b: {  	s2 =	simm.s32 $0x2120  }
0x6c: {  	[tilespmem:s2], [sflag:$0x1] =	stream.indirect.gather [hbm4b:s1+s21], $0x20, s25, s21, $0xb8;
	[tilespmem:$0xDAC0] =	vst v63  }
0x6d: {  	s13 =	simm.s32 $0x5320  }
0x6e: {  	[tilespmem:s13], [sflag:$0x1] =	stream.indirect.gather [hbm4b:s6+s21], $0x20, s26, s21, $0xb8;
	[tilespmem:$0xDAC0] =	vst v63  }
0x6f: {  	s2 =	simm.s32 $0x2B20  }
0x70: {  	[tilespmem:s2], [sflag:$0x1] =	stream.indirect.gather [hbm4b:s1+s21], $0x20, s28, s21, $0xb8;
	[tilespmem:$0xDAC0] =	vst v63  }
0x71: {  	s13 =	simm.s32 $0x5D20  }
0x72: {  	[tilespmem:s13], [sflag:$0x1] =	stream.indirect.gather [hbm4b:s6+s21], $0x20, s29, s21, $0xb8;
	[tilespmem:$0xDAC0] =	vst v63  }
0x73: {  	_ =	swait.ge [sflag:s30], $0xA00  }
0x74: {  	[sflag:s30] =	ssyncset.done $0x0  }
0x75: {  	[sflag:s30] =	ssyncadd.s32 $0xFFFFF600  }
0x76: {  	_ =	swait.ge [sflag:s30], $0xA00  }
0x77: {  	[sflag:s30] =	ssyncset.done $0x0  }
0x78: {  	[sflag:s30] =	ssyncadd.s32 $0xFFFFF600  }
0x79: {  	_ =	swait.ge [sflag:s30], $0xA00  }
0x7a: {  	[sflag:s30] =	ssyncset.done $0x0  }
0x7b: {  	[sflag:s30] =	ssyncadd.s32 $0xFFFFF600  }
0x7c: {  	_ =	swait.ge [sflag:s30], $0xA00  }
0x7d: {  	[sflag:s30] =	ssyncset.done $0x0  }
0x7e: {  	[sflag:s30] =	ssyncadd.s32 $0xFFFFF600  }
0x7f: {  	_ =	swait.ge [sflag:s30], $0xA00  }
0x80: {  	[sflag:s30] =	ssyncset.done $0x0  }
0x81: {  	[sflag:s30] =	ssyncadd.s32 $0xFFFFF600  }
0x82: {  	_ =	swait.ge [sflag:s30], $0xA00  }
0x83: {  	[sflag:s30] =	ssyncset.done $0x0  }
0x84: {  	[sflag:s30] =	ssyncadd.s32 $0xFFFFF600  }
0x85: {  	_ =	swait.ge [sflag:s30], $0xA00  }
0x86: {  	[sflag:s30] =	ssyncset.done $0x0  }
0x87: {  	[sflag:s30] =	ssyncadd.s32 $0xFFFFF600  }
0x88: {  	_ =	swait.ge [sflag:s30], $0xA00  }
0x89: {  	[sflag:s30] =	ssyncset.done $0x0  }
0x8a: {  	[sflag:s30] =	ssyncadd.s32 $0xFFFFF600  }
0x8b: {  	_ =	swait.ge [sflag:s30], $0xA00  }
0x8c: {  	[sflag:s30] =	ssyncset.done $0x0  }
0x8d: {  	[sflag:s30] =	ssyncadd.s32 $0xFFFFF600  }
0x8e: {  	_ =	swait.ge [sflag:s30], $0xA00  }
0x8f: {  	s31 =	simm.s32 $0x3620;
	[sflag:s30] =	ssyncset.done $0x0  }
0x90: {  	s2 =	simm.s32 $0x420;
	s13 =	simm.s32 $0x3C0;
	[sflag:s30] =	ssyncadd.s32 $0xFFFFF600  }
.LBB2_5:
0x91: {  	v1 =	vld [tilespmem:s11+$0x0]  }
0x92: {  	v2 =	vld [tilespmem:s2+$0xFFFFFF10]  }
0x93: {  	v3 =	vld [tilespmem:s31+$0xFFFFFF10];
	_ =	sdelay $0x4  }
0x94: {  	v2 =	vadd.f32 v3, v2;
	v3 =	vbroadcast v1, $0x0;
	_ =	sdelay $0x1  }
0x95: {  	v2 =	vadd.f32 v2, v3;
	_ =	sdelay $0x1  }
0x96: {  	v2 =	vsub.f32 $0.0e+00, v2;
	_ =	sdelay $0x1  }
0x97: {  	v2 =	vmul.f32 $1.442695020e+00, v2;
	_ =	sdelay $0x1  }
0x98: {  	(erf) = vpow2.f32 v2;
	_ =	sdelay $0x8  }
0x99: {  	v2 =	vpop (erf)  }
0x9a: {  	v2 =	vadd.f32 $1.000000000e+00, v2;
	_ =	sdelay $0x1  }
0x9b: {  	(erf) = vrcp.f32 v2  }
0x9c: {  	v3 =	vld [tilespmem:s31+$0xFFFFFF00]  }
0x9d: {  	v2 =	vld [tilespmem:s2+$0xFFFFFF00]  }
0x9e: {  	s0 =	sshra.s32 s13, $0x2  }
0x9f: {  	v4 =	vld [tilespmem:s0+$0x6630];
	_ =	sdelay $0x2  }
0xa0: {  	v2 =	vadd.f32 v3, v2;
	_ =	sdelay $0x1  }
0xa1: {  	v2 =	vadd.f32 v4, v2;
	v3 =	vpop (erf)  }
0xa2: {  	v3 =	vbroadcast v3, $0x0  }
0xa3: {  	v2 =	vmax.f32 v2, $0.0e+00  }
0xa4: {  	v3 =	vmul.f32 v3, v2  }
0xa5: {  	[tilespmem:s0+$0x80C0] =	vst v2  }
0xa6: {  	[tilespmem:s0+$0x99C0] =	vst v3  }
0xa7: {  	v2 =	vld [tilespmem:s2+$0xFFFFFF30]  }
0xa8: {  	v3 =	vld [tilespmem:s31+$0xFFFFFF30];
	_ =	sdelay $0x4  }
0xa9: {  	v2 =	vadd.f32 v3, v2;
	v3 =	vbroadcast v1, $0x1;
	_ =	sdelay $0x1  }
0xaa: {  	v2 =	vadd.f32 v2, v3;
	_ =	sdelay $0x1  }
0xab: {  	v2 =	vsub.f32 $0.0e+00, v2;
	_ =	sdelay $0x1  }
0xac: {  	v2 =	vmul.f32 $1.442695020e+00, v2;
	_ =	sdelay $0x1  }
0xad: {  	(erf) = vpow2.f32 v2;
	_ =	sdelay $0x8  }
0xae: {  	v2 =	vpop (erf)  }
0xaf: {  	v2 =	vadd.f32 $1.000000000e+00, v2;
	_ =	sdelay $0x1  }
0xb0: {  	(erf) = vrcp.f32 v2  }
0xb1: {  	v3 =	vld [tilespmem:s31+$0xFFFFFF20]  }
0xb2: {  	v2 =	vld [tilespmem:s2+$0xFFFFFF20];
	_ =	sdelay $0x1  }
0xb3: {  	v50 =	vld [tilespmem:s0+$0x6640];
	_ =	sdelay $0x2  }
0xb4: {  	v2 =	vadd.f32 v3, v2;
	_ =	sdelay $0x1  }
0xb5: {  	v2 =	vadd.f32 v50, v2;
	v3 =	vpop (erf)  }
0xb6: {  	v3 =	vbroadcast v3, $0x0  }
0xb7: {  	v2 =	vmax.f32 v2, $0.0e+00  }
0xb8: {  	v3 =	vmul.f32 v3, v2  }
0xb9: {  	[tilespmem:s0+$0x80D0] =	vst v2  }
0xba: {  	[tilespmem:s0+$0x99D0] =	vst v3  }
0xbb: {  	v2 =	vld [tilespmem:s2+$0xFFFFFF50]  }
0xbc: {  	v3 =	vld [tilespmem:s31+$0xFFFFFF50];
	_ =	sdelay $0x4  }
0xbd: {  	v2 =	vadd.f32 v3, v2;
	v3 =	vbroadcast v1, $0x2;
	_ =	sdelay $0x1  }
0xbe: {  	v2 =	vadd.f32 v2, v3;
	_ =	sdelay $0x1  }
0xbf: {  	v2 =	vsub.f32 $0.0e+00, v2;
	_ =	sdelay $0x1  }
0xc0: {  	v2 =	vmul.f32 $1.442695020e+00, v2;
	_ =	sdelay $0x1  }
0xc1: {  	(erf) = vpow2.f32 v2;
	_ =	sdelay $0x8  }
0xc2: {  	v2 =	vpop (erf)  }
0xc3: {  	v2 =	vadd.f32 $1.000000000e+00, v2;
	_ =	sdelay $0x1  }
0xc4: {  	(erf) = vrcp.f32 v2  }
0xc5: {  	v3 =	vld [tilespmem:s31+$0xFFFFFF40]  }
0xc6: {  	v2 =	vld [tilespmem:s2+$0xFFFFFF40];
	_ =	sdelay $0x1  }
0xc7: {  	v51 =	vld [tilespmem:s0+$0x6650];
	_ =	sdelay $0x2  }
0xc8: {  	v2 =	vadd.f32 v3, v2;
	_ =	sdelay $0x1  }
0xc9: {  	v2 =	vadd.f32 v51, v2;
	v3 =	vpop (erf)  }
0xca: {  	v3 =	vbroadcast v3, $0x0  }
0xcb: {  	v2 =	vmax.f32 v2, $0.0e+00  }
0xcc: {  	v3 =	vmul.f32 v3, v2  }
0xcd: {  	[tilespmem:s0+$0x80E0] =	vst v2  }
0xce: {  	[tilespmem:s0+$0x99E0] =	vst v3  }
0xcf: {  	v2 =	vld [tilespmem:s2+$0xFFFFFF70]  }
0xd0: {  	v3 =	vld [tilespmem:s31+$0xFFFFFF70];
	_ =	sdelay $0x4  }
0xd1: {  	v2 =	vadd.f32 v3, v2;
	v3 =	vbroadcast v1, $0x3;
	_ =	sdelay $0x1  }
0xd2: {  	v2 =	vadd.f32 v2, v3;
	_ =	sdelay $0x1  }
0xd3: {  	v2 =	vsub.f32 $0.0e+00, v2;
	_ =	sdelay $0x1  }
0xd4: {  	v2 =	vmul.f32 $1.442695020e+00, v2;
	_ =	sdelay $0x1  }
0xd5: {  	(erf) = vpow2.f32 v2;
	_ =	sdelay $0x8  }
0xd6: {  	v2 =	vpop (erf)  }
0xd7: {  	v2 =	vadd.f32 $1.000000000e+00, v2;
	_ =	sdelay $0x1  }
0xd8: {  	(erf) = vrcp.f32 v2  }
0xd9: {  	v3 =	vld [tilespmem:s31+$0xFFFFFF60]  }
0xda: {  	v2 =	vld [tilespmem:s2+$0xFFFFFF60];
	_ =	sdelay $0x1  }
0xdb: {  	v52 =	vld [tilespmem:s0+$0x6660];
	_ =	sdelay $0x2  }
0xdc: {  	v2 =	vadd.f32 v3, v2;
	_ =	sdelay $0x1  }
0xdd: {  	v2 =	vadd.f32 v52, v2;
	v3 =	vpop (erf)  }
0xde: {  	v3 =	vbroadcast v3, $0x0  }
0xdf: {  	v2 =	vmax.f32 v2, $0.0e+00  }
0xe0: {  	v3 =	vmul.f32 v3, v2  }
0xe1: {  	[tilespmem:s0+$0x80F0] =	vst v2  }
0xe2: {  	[tilespmem:s0+$0x99F0] =	vst v3  }
0xe3: {  	v2 =	vld [tilespmem:s2+$0xFFFFFF90]  }
0xe4: {  	v3 =	vld [tilespmem:s31+$0xFFFFFF90];
	_ =	sdelay $0x4  }
0xe5: {  	v2 =	vadd.f32 v3, v2;
	v3 =	vbroadcast v1, $0x4;
	_ =	sdelay $0x1  }
0xe6: {  	v2 =	vadd.f32 v2, v3;
	_ =	sdelay $0x1  }
0xe7: {  	v2 =	vsub.f32 $0.0e+00, v2;
	_ =	sdelay $0x1  }
0xe8: {  	v2 =	vmul.f32 $1.442695020e+00, v2;
	_ =	sdelay $0x1  }
0xe9: {  	(erf) = vpow2.f32 v2;
	_ =	sdelay $0x8  }
0xea: {  	v2 =	vpop (erf)  }
0xeb: {  	v2 =	vadd.f32 $1.000000000e+00, v2;
	_ =	sdelay $0x1  }
0xec: {  	(erf) = vrcp.f32 v2  }
0xed: {  	v3 =	vld [tilespmem:s31+$0xFFFFFF80]  }
0xee: {  	v2 =	vld [tilespmem:s2+$0xFFFFFF80];
	_ =	sdelay $0x1  }
0xef: {  	v53 =	vld [tilespmem:s0+$0x6670];
	_ =	sdelay $0x2  }
0xf0: {  	v2 =	vadd.f32 v3, v2;
	_ =	sdelay $0x1  }
0xf1: {  	v2 =	vadd.f32 v53, v2;
	v3 =	vpop (erf)  }
0xf2: {  	v3 =	vbroadcast v3, $0x0  }
0xf3: {  	v2 =	vmax.f32 v2, $0.0e+00  }
0xf4: {  	v3 =	vmul.f32 v3, v2  }
0xf5: {  	[tilespmem:s0+$0x8100] =	vst v2  }
0xf6: {  	[tilespmem:s0+$0x9A00] =	vst v3  }
0xf7: {  	v2 =	vld [tilespmem:s2+$0xFFFFFFB0]  }
0xf8: {  	v3 =	vld [tilespmem:s31+$0xFFFFFFB0];
	_ =	sdelay $0x4  }
0xf9: {  	v2 =	vadd.f32 v3, v2;
	v3 =	vbroadcast v1, $0x5;
	_ =	sdelay $0x1  }
0xfa: {  	v2 =	vadd.f32 v2, v3;
	_ =	sdelay $0x1  }
0xfb: {  	v2 =	vsub.f32 $0.0e+00, v2;
	_ =	sdelay $0x1  }
0xfc: {  	v2 =	vmul.f32 $1.442695020e+00, v2;
	_ =	sdelay $0x1  }
0xfd: {  	(erf) = vpow2.f32 v2;
	_ =	sdelay $0x8  }
0xfe: {  	v2 =	vpop (erf)  }
0xff: {  	v2 =	vadd.f32 $1.000000000e+00, v2;
	_ =	sdelay $0x1  }
0x100: {  	(erf) = vrcp.f32 v2  }
0x101: {  	v3 =	vld [tilespmem:s31+$0xFFFFFFA0]  }
0x102: {  	v2 =	vld [tilespmem:s2+$0xFFFFFFA0];
	_ =	sdelay $0x1  }
0x103: {  	v54 =	vld [tilespmem:s0+$0x6680];
	_ =	sdelay $0x2  }
0x104: {  	v2 =	vadd.f32 v3, v2;
	_ =	sdelay $0x1  }
0x105: {  	v2 =	vadd.f32 v54, v2;
	v3 =	vpop (erf)  }
0x106: {  	v3 =	vbroadcast v3, $0x0  }
0x107: {  	v2 =	vmax.f32 v2, $0.0e+00  }
0x108: {  	v3 =	vmul.f32 v3, v2  }
0x109: {  	[tilespmem:s0+$0x8110] =	vst v2  }
0x10a: {  	[tilespmem:s0+$0x9A10] =	vst v3  }
0x10b: {  	v2 =	vld [tilespmem:s2+$0xFFFFFFD0]  }
0x10c: {  	v3 =	vld [tilespmem:s31+$0xFFFFFFD0];
	_ =	sdelay $0x4  }
0x10d: {  	v2 =	vadd.f32 v3, v2;
	v3 =	vbroadcast v1, $0x6;
	_ =	sdelay $0x1  }
0x10e: {  	v2 =	vadd.f32 v2, v3;
	_ =	sdelay $0x1  }
0x10f: {  	v2 =	vsub.f32 $0.0e+00, v2;
	_ =	sdelay $0x1  }
0x110: {  	v2 =	vmul.f32 $1.442695020e+00, v2;
	_ =	sdelay $0x1  }
0x111: {  	(erf) = vpow2.f32 v2;
	_ =	sdelay $0x8  }
0x112: {  	v2 =	vpop (erf)  }
0x113: {  	v2 =	vadd.f32 $1.000000000e+00, v2;
	_ =	sdelay $0x1  }
0x114: {  	(erf) = vrcp.f32 v2  }
0x115: {  	v3 =	vld [tilespmem:s31+$0xFFFFFFC0]  }
0x116: {  	v2 =	vld [tilespmem:s2+$0xFFFFFFC0];
	_ =	sdelay $0x1  }
0x117: {  	v55 =	vld [tilespmem:s0+$0x6690];
	_ =	sdelay $0x2  }
0x118: {  	v2 =	vadd.f32 v3, v2;
	_ =	sdelay $0x1  }
0x119: {  	v2 =	vadd.f32 v55, v2;
	v3 =	vpop (erf)  }
0x11a: {  	v3 =	vbroadcast v3, $0x0  }
0x11b: {  	v2 =	vmax.f32 v2, $0.0e+00  }
0x11c: {  	v3 =	vmul.f32 v3, v2  }
0x11d: {  	[tilespmem:s0+$0x8120] =	vst v2  }
0x11e: {  	[tilespmem:s0+$0x9A20] =	vst v3  }
0x11f: {  	v2 =	vld [tilespmem:s2+$0xFFFFFFF0]  }
0x120: {  	v3 =	vld [tilespmem:s31+$0xFFFFFFF0];
	_ =	sdelay $0x4  }
0x121: {  	v2 =	vadd.f32 v3, v2;
	v3 =	vbroadcast v1, $0x7;
	_ =	sdelay $0x1  }
0x122: {  	v2 =	vadd.f32 v2, v3;
	_ =	sdelay $0x1  }
0x123: {  	v2 =	vsub.f32 $0.0e+00, v2;
	_ =	sdelay $0x1  }
0x124: {  	v2 =	vmul.f32 $1.442695020e+00, v2;
	_ =	sdelay $0x1  }
0x125: {  	(erf) = vpow2.f32 v2;
	_ =	sdelay $0x8  }
0x126: {  	v2 =	vpop (erf)  }
0x127: {  	v2 =	vadd.f32 $1.000000000e+00, v2;
	_ =	sdelay $0x1  }
0x128: {  	(erf) = vrcp.f32 v2  }
0x129: {  	v3 =	vld [tilespmem:s31+$0xFFFFFFE0]  }
0x12a: {  	v2 =	vld [tilespmem:s2+$0xFFFFFFE0];
	_ =	sdelay $0x1  }
0x12b: {  	v56 =	vld [tilespmem:s0+$0x66A0];
	_ =	sdelay $0x2  }
0x12c: {  	v2 =	vadd.f32 v3, v2;
	_ =	sdelay $0x1  }
0x12d: {  	v2 =	vadd.f32 v56, v2;
	v3 =	vpop (erf)  }
0x12e: {  	v3 =	vbroadcast v3, $0x0  }
0x12f: {  	v2 =	vmax.f32 v2, $0.0e+00  }
0x130: {  	v3 =	vmul.f32 v3, v2  }
0x131: {  	[tilespmem:s0+$0x8130] =	vst v2  }
0x132: {  	[tilespmem:s0+$0x9A30] =	vst v3  }
0x133: {  	v2 =	vld [tilespmem:s2+$0x10]  }
0x134: {  	v3 =	vld [tilespmem:s31+$0x10];
	_ =	sdelay $0x4  }
0x135: {  	v2 =	vadd.f32 v3, v2;
	v3 =	vbroadcast v1, $0x8;
	_ =	sdelay $0x1  }
0x136: {  	v2 =	vadd.f32 v2, v3;
	_ =	sdelay $0x1  }
0x137: {  	v2 =	vsub.f32 $0.0e+00, v2;
	_ =	sdelay $0x1  }
0x138: {  	v2 =	vmul.f32 $1.442695020e+00, v2;
	_ =	sdelay $0x1  }
0x139: {  	(erf) = vpow2.f32 v2;
	_ =	sdelay $0x8  }
0x13a: {  	v2 =	vpop (erf)  }
0x13b: {  	v2 =	vadd.f32 $1.000000000e+00, v2;
	_ =	sdelay $0x1  }
0x13c: {  	(erf) = vrcp.f32 v2  }
0x13d: {  	v3 =	vld [tilespmem:s31+$0x0]  }
0x13e: {  	v2 =	vld [tilespmem:s2+$0x0];
	_ =	sdelay $0x1  }
0x13f: {  	v57 =	vld [tilespmem:s0+$0x66B0];
	_ =	sdelay $0x2  }
0x140: {  	v2 =	vadd.f32 v3, v2;
	_ =	sdelay $0x1  }
0x141: {  	v2 =	vadd.f32 v57, v2;
	v3 =	vpop (erf)  }
0x142: {  	v3 =	vbroadcast v3, $0x0  }
0x143: {  	v2 =	vmax.f32 v2, $0.0e+00  }
0x144: {  	v3 =	vmul.f32 v3, v2  }
0x145: {  	[tilespmem:s0+$0x8140] =	vst v2  }
0x146: {  	[tilespmem:s0+$0x9A40] =	vst v3  }
0x147: {  	v2 =	vld [tilespmem:s2+$0x30]  }
0x148: {  	v3 =	vld [tilespmem:s31+$0x30];
	_ =	sdelay $0x4  }
0x149: {  	v2 =	vadd.f32 v3, v2;
	v3 =	vbroadcast v1, $0x9;
	_ =	sdelay $0x1  }
0x14a: {  	v2 =	vadd.f32 v2, v3;
	_ =	sdelay $0x1  }
0x14b: {  	v2 =	vsub.f32 $0.0e+00, v2;
	_ =	sdelay $0x1  }
0x14c: {  	v2 =	vmul.f32 $1.442695020e+00, v2;
	_ =	sdelay $0x1  }
0x14d: {  	(erf) = vpow2.f32 v2;
	_ =	sdelay $0x8  }
0x14e: {  	v2 =	vpop (erf)  }
0x14f: {  	v2 =	vadd.f32 $1.000000000e+00, v2;
	_ =	sdelay $0x1  }
0x150: {  	(erf) = vrcp.f32 v2  }
0x151: {  	v3 =	vld [tilespmem:s31+$0x20]  }
0x152: {  	v2 =	vld [tilespmem:s2+$0x20];
	_ =	sdelay $0x1  }
0x153: {  	v58 =	vld [tilespmem:s0+$0x66C0];
	_ =	sdelay $0x2  }
0x154: {  	v2 =	vadd.f32 v3, v2;
	_ =	sdelay $0x1  }
0x155: {  	v2 =	vadd.f32 v58, v2;
	v3 =	vpop (erf)  }
0x156: {  	v3 =	vbroadcast v3, $0x0  }
0x157: {  	v2 =	vmax.f32 v2, $0.0e+00  }
0x158: {  	v3 =	vmul.f32 v3, v2  }
0x159: {  	[tilespmem:s0+$0x8150] =	vst v2  }
0x15a: {  	[tilespmem:s0+$0x9A50] =	vst v3  }
0x15b: {  	v2 =	vld [tilespmem:s2+$0x50]  }
0x15c: {  	v3 =	vld [tilespmem:s31+$0x50];
	_ =	sdelay $0x4  }
0x15d: {  	v2 =	vadd.f32 v3, v2;
	v3 =	vbroadcast v1, $0xA;
	_ =	sdelay $0x1  }
0x15e: {  	v2 =	vadd.f32 v2, v3;
	_ =	sdelay $0x1  }
0x15f: {  	v2 =	vsub.f32 $0.0e+00, v2;
	_ =	sdelay $0x1  }
0x160: {  	v2 =	vmul.f32 $1.442695020e+00, v2;
	_ =	sdelay $0x1  }
0x161: {  	(erf) = vpow2.f32 v2;
	_ =	sdelay $0x8  }
0x162: {  	v2 =	vpop (erf)  }
0x163: {  	v2 =	vadd.f32 $1.000000000e+00, v2;
	_ =	sdelay $0x1  }
0x164: {  	(erf) = vrcp.f32 v2  }
0x165: {  	v3 =	vld [tilespmem:s31+$0x40]  }
0x166: {  	v2 =	vld [tilespmem:s2+$0x40];
	_ =	sdelay $0x1  }
0x167: {  	v59 =	vld [tilespmem:s0+$0x66D0];
	_ =	sdelay $0x2  }
0x168: {  	v2 =	vadd.f32 v3, v2;
	_ =	sdelay $0x1  }
0x169: {  	v2 =	vadd.f32 v59, v2;
	v3 =	vpop (erf)  }
0x16a: {  	v3 =	vbroadcast v3, $0x0  }
0x16b: {  	v2 =	vmax.f32 v2, $0.0e+00  }
0x16c: {  	v3 =	vmul.f32 v3, v2  }
0x16d: {  	[tilespmem:s0+$0x8160] =	vst v2  }
0x16e: {  	[tilespmem:s0+$0x9A60] =	vst v3  }
0x16f: {  	v2 =	vld [tilespmem:s2+$0x70]  }
0x170: {  	v3 =	vld [tilespmem:s31+$0x70];
	_ =	sdelay $0x4  }
0x171: {  	v2 =	vadd.f32 v3, v2;
	v3 =	vbroadcast v1, $0xB;
	_ =	sdelay $0x1  }
0x172: {  	v2 =	vadd.f32 v2, v3;
	_ =	sdelay $0x1  }
0x173: {  	v2 =	vsub.f32 $0.0e+00, v2;
	_ =	sdelay $0x1  }
0x174: {  	v2 =	vmul.f32 $1.442695020e+00, v2;
	_ =	sdelay $0x1  }
0x175: {  	(erf) = vpow2.f32 v2;
	_ =	sdelay $0x8  }
0x176: {  	v2 =	vpop (erf)  }
0x177: {  	v2 =	vadd.f32 $1.000000000e+00, v2;
	_ =	sdelay $0x1  }
0x178: {  	(erf) = vrcp.f32 v2  }
0x179: {  	v3 =	vld [tilespmem:s31+$0x60]  }
0x17a: {  	v2 =	vld [tilespmem:s2+$0x60];
	_ =	sdelay $0x1  }
0x17b: {  	v60 =	vld [tilespmem:s0+$0x66E0];
	_ =	sdelay $0x2  }
0x17c: {  	v2 =	vadd.f32 v3, v2;
	_ =	sdelay $0x1  }
0x17d: {  	v2 =	vadd.f32 v60, v2;
	v3 =	vpop (erf)  }
0x17e: {  	v3 =	vbroadcast v3, $0x0  }
0x17f: {  	v2 =	vmax.f32 v2, $0.0e+00  }
0x180: {  	v3 =	vmul.f32 v3, v2  }
0x181: {  	[tilespmem:s0+$0x8170] =	vst v2  }
0x182: {  	[tilespmem:s0+$0x9A70] =	vst v3  }
0x183: {  	v2 =	vld [tilespmem:s2+$0x90]  }
0x184: {  	v3 =	vld [tilespmem:s31+$0x90];
	_ =	sdelay $0x4  }
0x185: {  	v2 =	vadd.f32 v3, v2;
	v3 =	vbroadcast v1, $0xC;
	_ =	sdelay $0x1  }
0x186: {  	v2 =	vadd.f32 v2, v3;
	_ =	sdelay $0x1  }
0x187: {  	v2 =	vsub.f32 $0.0e+00, v2;
	_ =	sdelay $0x1  }
0x188: {  	v2 =	vmul.f32 $1.442695020e+00, v2;
	_ =	sdelay $0x1  }
0x189: {  	(erf) = vpow2.f32 v2;
	_ =	sdelay $0x8  }
0x18a: {  	v2 =	vpop (erf)  }
0x18b: {  	v2 =	vadd.f32 $1.000000000e+00, v2;
	_ =	sdelay $0x1  }
0x18c: {  	(erf) = vrcp.f32 v2  }
0x18d: {  	v3 =	vld [tilespmem:s31+$0x80]  }
0x18e: {  	v2 =	vld [tilespmem:s2+$0x80];
	_ =	sdelay $0x1  }
0x18f: {  	v61 =	vld [tilespmem:s0+$0x66F0];
	_ =	sdelay $0x2  }
0x190: {  	v2 =	vadd.f32 v3, v2;
	_ =	sdelay $0x1  }
0x191: {  	v2 =	vadd.f32 v61, v2;
	v3 =	vpop (erf)  }
0x192: {  	v3 =	vbroadcast v3, $0x0  }
0x193: {  	v2 =	vmax.f32 v2, $0.0e+00  }
0x194: {  	v3 =	vmul.f32 v3, v2  }
0x195: {  	[tilespmem:s0+$0x8180] =	vst v2  }
0x196: {  	[tilespmem:s0+$0x9A80] =	vst v3  }
0x197: {  	v2 =	vld [tilespmem:s2+$0xB0]  }
0x198: {  	v3 =	vld [tilespmem:s31+$0xB0];
	_ =	sdelay $0x4  }
0x199: {  	v2 =	vadd.f32 v3, v2;
	v3 =	vbroadcast v1, $0xD;
	_ =	sdelay $0x1  }
0x19a: {  	v2 =	vadd.f32 v2, v3;
	_ =	sdelay $0x1  }
0x19b: {  	v2 =	vsub.f32 $0.0e+00, v2;
	_ =	sdelay $0x1  }
0x19c: {  	v2 =	vmul.f32 $1.442695020e+00, v2;
	_ =	sdelay $0x1  }
0x19d: {  	(erf) = vpow2.f32 v2;
	_ =	sdelay $0x8  }
0x19e: {  	v2 =	vpop (erf)  }
0x19f: {  	v2 =	vadd.f32 $1.000000000e+00, v2;
	_ =	sdelay $0x1  }
0x1a0: {  	(erf) = vrcp.f32 v2  }
0x1a1: {  	v3 =	vld [tilespmem:s31+$0xA0]  }
0x1a2: {  	v2 =	vld [tilespmem:s2+$0xA0];
	_ =	sdelay $0x1  }
0x1a3: {  	v62 =	vld [tilespmem:s0+$0x6700];
	_ =	sdelay $0x2  }
0x1a4: {  	v2 =	vadd.f32 v3, v2;
	_ =	sdelay $0x1  }
0x1a5: {  	v2 =	vadd.f32 v62, v2;
	v3 =	vpop (erf)  }
0x1a6: {  	v3 =	vbroadcast v3, $0x0  }
0x1a7: {  	v2 =	vmax.f32 v2, $0.0e+00  }
0x1a8: {  	v3 =	vmul.f32 v3, v2  }
0x1a9: {  	[tilespmem:s0+$0x8190] =	vst v2  }
0x1aa: {  	[tilespmem:s0+$0x9A90] =	vst v3  }
0x1ab: {  	v2 =	vld [tilespmem:s2+$0xD0]  }
0x1ac: {  	v3 =	vld [tilespmem:s31+$0xD0];
	_ =	sdelay $0x4  }
0x1ad: {  	v2 =	vadd.f32 v3, v2;
	v3 =	vbroadcast v1, $0xE;
	_ =	sdelay $0x1  }
0x1ae: {  	v2 =	vadd.f32 v2, v3;
	_ =	sdelay $0x1  }
0x1af: {  	v2 =	vsub.f32 $0.0e+00, v2;
	_ =	sdelay $0x1  }
0x1b0: {  	v2 =	vmul.f32 $1.442695020e+00, v2;
	_ =	sdelay $0x1  }
0x1b1: {  	(erf) = vpow2.f32 v2;
	_ =	sdelay $0x8  }
0x1b2: {  	v2 =	vpop (erf)  }
0x1b3: {  	v2 =	vadd.f32 $1.000000000e+00, v2;
	_ =	sdelay $0x1  }
0x1b4: {  	(erf) = vrcp.f32 v2  }
0x1b5: {  	v3 =	vld [tilespmem:s31+$0xC0]  }
0x1b6: {  	v2 =	vld [tilespmem:s2+$0xC0];
	_ =	sdelay $0x1  }
0x1b7: {  	v63 =	vld [tilespmem:s0+$0x6710];
	_ =	sdelay $0x2  }
0x1b8: {  	v2 =	vadd.f32 v3, v2;
	_ =	sdelay $0x1  }
0x1b9: {  	v2 =	vadd.f32 v63, v2;
	v3 =	vpop (erf)  }
0x1ba: {  	v3 =	vbroadcast v3, $0x0  }
0x1bb: {  	v2 =	vmax.f32 v2, $0.0e+00  }
0x1bc: {  	v3 =	vmul.f32 v3, v2  }
0x1bd: {  	[tilespmem:s0+$0x81A0] =	vst v2  }
0x1be: {  	[tilespmem:s0+$0x9AA0] =	vst v3  }
0x1bf: {  	v2 =	vld [tilespmem:s2+$0xF0]  }
0x1c0: {  	v3 =	vld [tilespmem:s31+$0xF0];
	_ =	sdelay $0x4  }
0x1c1: {  	v1 =	vbroadcast v1, $0xF;
	v2 =	vadd.f32 v3, v2;
	_ =	sdelay $0x1  }
0x1c2: {  	v1 =	vadd.f32 v2, v1;
	_ =	sdelay $0x1  }
0x1c3: {  	v1 =	vsub.f32 $0.0e+00, v1;
	_ =	sdelay $0x1  }
0x1c4: {  	v1 =	vmul.f32 $1.442695020e+00, v1;
	_ =	sdelay $0x1  }
0x1c5: {  	(erf) = vpow2.f32 v1;
	_ =	sdelay $0x8  }
0x1c6: {  	v1 =	vpop (erf)  }
0x1c7: {  	v1 =	vadd.f32 $1.000000000e+00, v1;
	_ =	sdelay $0x1  }
0x1c8: {  	(erf) = vrcp.f32 v1  }
0x1c9: {  	v2 =	vld [tilespmem:s31+$0xE0]  }
0x1ca: {  	v1 =	vld [tilespmem:s2+$0xE0];
	_ =	sdelay $0x1  }
0x1cb: {  	v3 =	vld [tilespmem:s0+$0x6720];
	_ =	sdelay $0x2  }
0x1cc: {  	v1 =	vadd.f32 v2, v1;
	_ =	sdelay $0x1  }
0x1cd: {  	p1 =	sne.s32 s13, $0x63C0;
	v1 =	vadd.f32 v3, v1;
	v2 =	vpop (erf)  }
.Ltmp1:
0x1ce: {  	v2 =	vbroadcast v2, $0x0;
	(pc) =	sbr.rel @p1 .LBB2_5-.Ltmp1, $4  }
0x1cf: {  	v1 =	vmax.f32 v1, $0.0e+00  }
0x1d0: {  	v2 =	vmul.f32 v2, v1  }
0x1d1: {  	s11 =	sadd.s32 $0x10, s11;
	[tilespmem:s0+$0x81B0] =	vst v1  }
0x1d2: {  	s13 =	sadd.s32 $0x400, s13;
	s31 =	sadd.s32 $0x200, s31;
	s2 =	sadd.s32 $0x200, s2;
	[tilespmem:s0+$0x9AB0] =	vst v2  }
0x1d3: {  	s0 =	sadd.s32 s10, s17;
	s2 =	simm.s32 $0x81B0  }
0x1d4: {  	[hbm4b:s0+s4] =	stream.linear.scatter [tilespmem:s2], [sflag:$0x2], $0x1900, $0x38;
	[tilespmem:$0xDAC0] =	vst v63  }
0x1d5: {  	_ =	swait.ge [sflag:s19], $0x1900  }
0x1d6: {  	[sflag:s19] =	ssyncset.done $0x0  }
0x1d7: {  	[sflag:s19] =	ssyncadd.s32 $0xFFFFE700  }
0x1d8: {  	[spmem:s3] =	stream.indirect.scatter.add.f32 [tilespmem:s18], [sflag:$0x2], $0x10, s20, s21, $0xb8;
	[tilespmem:$0xDAC0] =	vst v63  }
0x1d9: {  	_ =	swait.ge [sflag:s19], $0x500  }
0x1da: {  	[sflag:s19] =	ssyncset.done $0x0  }
0x1db: {  	s31 =	simm.s32 $0x9FB0;
	[sflag:s19] =	ssyncadd.s32 $0xFFFFFB00  }
0x1dc: {  	[spmem:s3] =	stream.indirect.scatter.add.f32 [tilespmem:s31], [sflag:$0x2], $0x10, s22, s21, $0xb8;
	[tilespmem:$0xDAC0] =	vst v63  }
0x1dd: {  	_ =	swait.ge [sflag:s19], $0x500  }
0x1de: {  	[sflag:s19] =	ssyncset.done $0x0  }
0x1df: {  	[sflag:s19] =	ssyncadd.s32 $0xFFFFFB00  }
0x1e0: {  	[spmem:s3] =	stream.indirect.scatter.add.f32 [tilespmem:s5], [sflag:$0x2], $0x10, s24, s21, $0xb8;
	[tilespmem:$0xDAC0] =	vst v63  }
0x1e1: {  	_ =	swait.ge [sflag:s19], $0x500  }
0x1e2: {  	[sflag:s19] =	ssyncset.done $0x0  }
0x1e3: {  	[sflag:s19] =	ssyncadd.s32 $0xFFFFFB00  }
0x1e4: {  	[spmem:s3] =	stream.indirect.scatter.add.f32 [tilespmem:s12], [sflag:$0x2], $0x10, s26, s21, $0xb8;
	[tilespmem:$0xDAC0] =	vst v63  }
0x1e5: {  	s16 =	sadd.s32 $0x1, s16;
	_ =	swait.ge [sflag:s19], $0x500  }
0x1e6: {  	p1 =	sne.s32 s16, $0x19;
	[sflag:s19] =	ssyncset.done $0x0  }
.Ltmp2:
0x1e7: {  	[sflag:s19] =	ssyncadd.s32 $0xFFFFFB00;
	(pc) =	sbr.rel @p1 .LBB2_4-.Ltmp2, $4  }
0x1e8: {  	[spmem:s3] =	stream.indirect.scatter.add.f32 [tilespmem:s15], [sflag:$0x2], $0x10, s29, s21, $0xb8;
	[tilespmem:$0xDAC0] =	vst v63  }
0x1e9: {  	_ =	swait.ge [sflag:s19], $0x500  }
0x1ea: {  	[sflag:s19] =	ssyncset.done $0x0  }
0x1eb: {  	[sflag:s19] =	ssyncadd.s32 $0xFFFFFB00  }
0x1ec: {  	s0 =	stileid.u32;
	[bflag:$0x0] =	sbarrier.arrive $0xFFFF  }
0x1ed: {  	s0 =	sshll.u32 s0, $0x6;
	s13 =	rddreg [dreg:$0x5]  }
0x1ee: {  	s11 =	rddreg [dreg:$0x8];
	s0 =	sor.u32 $0x1C02, s0;
	s2 =	sshrl.u32 s13, $0x3  }
0x1ef: {  	[hbm:s11], [sflag:s0] =	dma.local [spmem:s2], $0x4E0  }
0x1f0: {  	_ =	swait.ge [sflag:s19], $0x4E0  }
0x1f1: {  	[sflag:s19] =	ssyncset.done $0x0;
	s16 =	rddreg [dreg:$0x7]  }
0x1f2: {  	s11 =	rddreg [dreg:$0x9];
	[sflag:s19] =	ssyncadd.s32 $0xFFFFFB20;
	s2 =	sshrl.u32 @!p0 s16, $0x3  }
0x1f3: {  	[hbm:s11], [sflag:s0] =	dma.local @!p0 [spmem:s2], $0x20  }
0x1f4: {  	s0 =	simm.s32 @!p0 $0x2  }
0x1f5: {  	_ =	swait.ge @!p0 [sflag:s0], $0x20  }
0x1f6: {  	s17 =	rddreg [dreg:$0xb]  }
0x1f7: {  	s31 =	rddreg [dreg:$0xa];
	s11 =	sadd.s32 $0x1, s17  }
0x1f8: {  	p1 =	sne.s32 s11, s31  }
.Ltmp3:
0x1f9: {  	_ = 	snop;
	(pc) =	sbr.rel @p1 .LBB2_1-.Ltmp3, $3  }
0x1fa: {  	_ =	sdelay $0x1  }
0x1fb: {  	[sflag:s0] =	ssyncset.done @!p0 $0x0  }
0x1fc: {  	[sflag:s0] =	ssyncadd.s32 @!p0 $0xFFFFFFE0  }
0x1fd: {  	_ =	sfence.sel $0x180000  }
0x1fe: {  	[bflag:$0x0] =	sbarrier.arrive $0xFFFF  }
0x1ff: {  	_ =	strace $0x90000047  }
0x200: {  	s0 =	stileid.u32;
	[bflag:$0x2] =	sbarrier.arrive $0xFFFF  }
0x201: {  	p0 =	sne.s32 s0, $0x0;
	s0 =	rddreg [dreg:$0x4]  }
0x202: {  	s0 =	sadd.s32 @!p0 $0x100000, s0  }
0x203: {  	[sflag:s0] =	ssyncadd.tile.s32 @!p0 $0x1;
	_ =	shalt  }
.Lfunc_end2:
_tile_overlayer_lowered:
.L_overlay_start_2:
0x204: {  	(tag) =	ssettag $0x2  }
0x205: {  	s0 =	rddreg [dreg:$0x0];
	s2 =	stileid.u32  }
0x206: {  	s1 =	rddreg [dreg:$0x1];
	p0 =	sne.s32 s2, $0x0  }
0x207: {  	s3 =	rddreg [dreg:$0x2];
	[bflag:$0x3] =	sbarrier.arrive $0xFFFF;
	s2 =	simm.s32 @!p0 $0x1C02  }
0x208: {  	[timem:s3], [sflag:s2] =	dma.local @!p0 [hbm:s0], s1  }
0x209: {  	s0 =	simm.s32 @!p0 $0x2  }
0x20a: {  	_ =	swait.ge @!p0 [sflag:s0], s1  }
0x20b: {  	s1 =	ssub.s32 @!p0 $0x0, s1;
	[sflag:s0] =	ssyncset.done @!p0 $0x0  }
0x20c: {  	[sflag:s0] =	ssyncadd.s32 @!p0 s1  }
0x20d: {  	[bflag:$0x3] =	sbarrier.arrive $0xFFFF  }
0x20e: {  	_ =	shalt  }

</sc_bundles>
